<compile_context>
chip_gen: v7x
topology: tpu7x:2x2x1
jax: 0.10.2.dev20260603
libtpu: 0.0.44.dev20260713+nightly
codegen_flags: <defaults>
</compile_context>

<pallas_src>
import functools

import jax
import jax.numpy as jnp
from jax import lax
from jax.experimental import pallas as pl
from jax.experimental.pallas import tpu as pltpu
from jax.experimental.pallas import tpu_sc as plsc

L = 16
NC, NS = 2, 16
NW = NC * NS
B, S, D = 4096, 200, 64
DW = 2 * D
VOCAB_HALF = 500000
SP = S // 2
PP = 112
PT = 2 * PP
DG = D // L
RPW = B // NW
RB = 16
NEG = -1e30


def _make_encoder():
    mesh = plsc.VectorSubcoreMesh(core_axis_name="c", subcore_axis_name="s")

    @functools.partial(
        pl.kernel,
        mesh=mesh,
        compiler_params=pltpu.CompilerParams(needs_layout_passes=False),
        out_type=jax.ShapeDtypeStruct((B, D), jnp.float32),
        scratch_types=[
            pltpu.VMEM((RB, 4, SP), jnp.int32),
            pltpu.VMEM((RB, PT), jnp.float32),
            pltpu.VMEM((PT, DW), jnp.float32),
            pltpu.VMEM((PT,), jnp.float32),
            pltpu.VMEM((RB, D), jnp.float32),
            pltpu.SemaphoreType.DMA,
        ],
    )
    def enc(idx_hbm, par_hbm, emb_hbm, w_hbm, out_hbm,
            idx_v, par_v, rows_v, wv, outv, sem):
        cid = lax.axis_index("c")
        sid = lax.axis_index("s")
        wid = sid * NC + cid
        base = wid * RPW

        zv16 = jnp.zeros((L,), dtype=jnp.float32)
        for r0 in (SP, PP + SP):
            for rr in range(PP - SP):
                for g in range(DW // L):
                    rows_v[r0 + rr, pl.ds(g * L, L)] = zv16

        def block_loop(blk, carry0):
            rbase = base + blk * RB
            pltpu.sync_copy(idx_hbm.at[pl.ds(rbase, RB)], idx_v)
            pltpu.sync_copy(par_hbm.at[pl.ds(rbase, RB)], par_v)

            def row_loop(r, carry1):
                pad = jnp.full((L,), NEG, dtype=jnp.float32)
                wv[pl.ds(SP - 4, L)] = pad
                wv[pl.ds(PP + SP - 4, L)] = pad
                c0 = pltpu.async_copy(
                    emb_hbm.at[idx_v.at[r, 0]], rows_v.at[pl.ds(0, SP)], sem)
                c1 = pltpu.async_copy(
                    emb_hbm.at[idx_v.at[r, 1]], rows_v.at[pl.ds(PP, SP)], sem)
                c2 = pltpu.async_copy(
                    w_hbm.at[idx_v.at[r, 2]], wv.at[pl.ds(0, SP)], sem)
                c3 = pltpu.async_copy(
                    w_hbm.at[idx_v.at[r, 3]], wv.at[pl.ds(PP, SP)], sem)
                c0.wait()
                c1.wait()
                c2.wait()
                c3.wait()

                m = jnp.full((L,), NEG, dtype=jnp.float32)
                for c in range(PT // L):
                    m = jnp.maximum(m, wv[pl.ds(c * L, L)])
                mm = jnp.max(m)
                zsum = jnp.zeros((L,), dtype=jnp.float32)
                for c in range(PT // L):
                    e = jnp.exp(wv[pl.ds(c * L, L)] - mm)
                    wv[pl.ds(c * L, L)] = e
                    zsum = zsum + e
                rzv = jnp.ones((L,), dtype=jnp.float32) / jnp.broadcast_to(
                    jnp.sum(zsum), (L,))

                def grp_body(g, acc):
                    wg = wv[pl.ds(g * L, L)]
                    pg = par_v[r, pl.ds(g * L, L)]
                    row0 = g * L
                    for k in range(L):
                        wk = wg[k]
                        pk = pg[k]
                        we = wk - wk * pk
                        wo = wk * pk
                        acc = tuple(
                            acc[d]
                            + we * rows_v[row0 + k, pl.ds(d * L, L)]
                            + wo * rows_v[row0 + k, pl.ds(D + d * L, L)]
                            for d in range(DG))
                    return acc

                accs = lax.fori_loop(
                    0, PT // L, grp_body,
                    tuple(jnp.zeros((L,), dtype=jnp.float32)
                          for _ in range(DG)))
                for d in range(DG):
                    outv[r, pl.ds(d * L, L)] = accs[d] * rzv
                return carry1

            lax.fori_loop(0, RB, row_loop, 0)
            pltpu.sync_copy(outv, out_hbm.at[pl.ds(rbase, RB)])
            return carry0

        lax.fori_loop(0, RPW // RB, block_loop, 0)

    return enc


_ENCODER = _make_encoder()


def kernel(document, lens, embed_table, weight_table):
    del lens
    doc = document.astype(jnp.int32)
    half3 = (doc >> 1).reshape(B, 2, SP)
    orig3 = doc.reshape(B, 2, SP)
    idx = jnp.concatenate([half3, orig3], axis=1)
    par2 = (doc & 1).astype(jnp.float32).reshape(B, 2, SP)
    par = jnp.zeros((B, 2, PP), dtype=jnp.float32)
    par = par.at[:, :, :SP].set(par2).reshape(B, PT)
    emb2 = embed_table.reshape(VOCAB_HALF, DW)
    wflat = weight_table.reshape(-1)
    return _ENCODER(idx, par, emb2, wflat)

# --- scband reference (transcript-rebuilt; emitter-appended) ---
"""Pipeline reference for scband-document-encoder-11957188952541 (READ-ONLY COPY).

The authoritative reference and input builder live on the scoring server;
editing this copy changes nothing except your own understanding.
"""

import jax, jax.numpy as jnp
import numpy as np

VOCAB = 1000000
EMBED_DIM = 64
BATCH = 4096
SEQ = 200

def setup_inputs(seed: int = 0) -> dict:
    key = jax.random.key(seed)
    k1, k2, k3, k4 = jax.random.split(key, 4)
    document = jax.random.randint(k1, (BATCH, SEQ), 0, VOCAB)
    lens = jax.random.randint(k2, (BATCH,), 1, SEQ + 1)
    embed_table = jax.random.normal(k3, (VOCAB, EMBED_DIM), dtype=jnp.float32) * 0.02
    weight_table = jax.random.normal(k4, (VOCAB, 1), dtype=jnp.float32) * 0.02
    return {"document": document, "lens": lens, "embed_table": embed_table, "weight_table": weight_table}

def reference(document, lens, embed_table, weight_table):
    # default path of DocumentEncoder.forward -> _weighted_forward
    # document_tokens = self.document_token_embeds(document)
    document_tokens = jnp.take(embed_table, document, axis=0)  # [B, S, D]
    # token_weights = self.weights(document)
    token_weights = jnp.take(weight_table, document, axis=0)  # [B, S, 1]
    # normalized_weights = F.softmax(token_weights, 1)
    normalized_weights = jax.nn.softmax(token_weights, axis=1)
    # doc_vecs = torch.sum(normalized_weights * document_tokens, 1)
    doc_vecs = jnp.sum(normalized_weights * document_tokens, axis=1)  # [B, D]
    return doc_vecs

if __name__ == "__main__":
    import jax
    _d = setup_inputs()
    print(jax.jit(kernel)(*tuple(_d.values())))

</pallas_src>

<mosaic_0001>
#map = affine_map<(d0, d1) -> (0, 0, 0)>
#map1 = affine_map<(d0, d1) -> (0, 0)>
#map2 = affine_map<(d0, d1) -> (0)>
module attributes {stable_mosaic.version = 14 : i64} {
  func.func @enc(%arg0: i32, %arg1: i32, %arg2: memref<4096x4x100xi32, #tpu.memory_space<hbm>>, %arg3: memref<4096x224xf32, #tpu.memory_space<hbm>>, %arg4: memref<500000x128xf32, #tpu.memory_space<hbm>>, %arg5: memref<1000000xf32, #tpu.memory_space<hbm>>, %arg6: memref<4096x64xf32, #tpu.memory_space<hbm>>, %arg7: memref<16x4x100xi32, #tpu.memory_space<vmem>>, %arg8: memref<16x224xf32, #tpu.memory_space<vmem>>, %arg9: memref<224x128xf32, #tpu.memory_space<vmem>>, %arg10: memref<224xf32, #tpu.memory_space<vmem>>, %arg11: memref<16x64xf32, #tpu.memory_space<vmem>>, %arg12: memref<!tpu.dma_semaphore, #tpu.memory_space<semaphore_mem>>) attributes {dimension_semantics = [#tpu.dimension_semantics<core_parallel>, #tpu.dimension_semantics<subcore_parallel>], iteration_bounds = array<i64: 2, 16>, scalar_prefetch = 0 : i64, scratch_operands = 6 : i64, tpu.core_type = #tpu.core_type<sc_vector_subcore>, window_params = [{transform_indices = #map}, {transform_indices = #map1}, {transform_indices = #map1}, {transform_indices = #map2}, {transform_indices = #map1}]} {
    %mul3A = arith.constant 2 : i32
    %mul3A_0 = arith.muli %arg1, %mul3A : i32
    %add3A = arith.addi %mul3A_0, %arg0 : i32
    %mul3A_1 = arith.constant 128 : i32
    %mul3A_2 = arith.muli %add3A, %mul3A_1 : i32
    %broadcast_in_dim3A = arith.constant 0.000000e+00 : f32
    %broadcast_in_dim3A_3 = vector.broadcast %broadcast_in_dim3A : f32 to vector<16xf32>
    %swap3A = arith.constant 100 : i32
    %swap3A_4 = arith.index_cast %swap3A : i32 to index
    %swap3A_5 = arith.constant 0 : index
    %swap3A_6 = tpu.vector_load %arg9[%swap3A_4, %swap3A_5] {strides = array<i32>} : memref<224x128xf32, #tpu.memory_space<vmem>>, vector<16xf32>,
    tpu.vector_store %arg9[%swap3A_4, %swap3A_5], %broadcast_in_dim3A_3 {strides = array<i32>} : memref<224x128xf32, #tpu.memory_space<vmem>>, vector<16xf32>,
    %swap3A_7 = arith.constant 100 : i32
    %swap3A_8 = arith.index_cast %swap3A_7 : i32 to index
    %swap3A_9 = arith.constant 16 : index
    %swap3A_10 = tpu.vector_load %arg9[%swap3A_8, %swap3A_9] {strides = array<i32>} : memref<224x128xf32, #tpu.memory_space<vmem>>, vector<16xf32>,
    tpu.vector_store %arg9[%swap3A_8, %swap3A_9], %broadcast_in_dim3A_3 {strides = array<i32>} : memref<224x128xf32, #tpu.memory_space<vmem>>, vector<16xf32>,
    %swap3A_11 = arith.constant 100 : i32
    %swap3A_12 = arith.index_cast %swap3A_11 : i32 to index
    %swap3A_13 = arith.constant 32 : index
    %swap3A_14 = tpu.vector_load %arg9[%swap3A_12, %swap3A_13] {strides = array<i32>} : memref<224x128xf32, #tpu.memory_space<vmem>>, vector<16xf32>,
    tpu.vector_store %arg9[%swap3A_12, %swap3A_13], %broadcast_in_dim3A_3 {strides = array<i32>} : memref<224x128xf32, #tpu.memory_space<vmem>>, vector<16xf32>,
    %swap3A_15 = arith.constant 100 : i32
    %swap3A_16 = arith.index_cast %swap3A_15 : i32 to index
    %swap3A_17 = arith.constant 48 : index
    %swap3A_18 = tpu.vector_load %arg9[%swap3A_16, %swap3A_17] {strides = array<i32>} : memref<224x128xf32, #tpu.memory_space<vmem>>, vector<16xf32>,
    tpu.vector_store %arg9[%swap3A_16, %swap3A_17], %broadcast_in_dim3A_3 {strides = array<i32>} : memref<224x128xf32, #tpu.memory_space<vmem>>, vector<16xf32>,
    %swap3A_19 = arith.constant 100 : i32
    %swap3A_20 = arith.index_cast %swap3A_19 : i32 to index
    %swap3A_21 = arith.constant 64 : index
    %swap3A_22 = tpu.vector_load %arg9[%swap3A_20, %swap3A_21] {strides = array<i32>} : memref<224x128xf32, #tpu.memory_space<vmem>>, vector<16xf32>,
    tpu.vector_store %arg9[%swap3A_20, %swap3A_21], %broadcast_in_dim3A_3 {strides = array<i32>} : memref<224x128xf32, #tpu.memory_space<vmem>>, vector<16xf32>,
    %swap3A_23 = arith.constant 100 : i32
    %swap3A_24 = arith.index_cast %swap3A_23 : i32 to index
    %swap3A_25 = arith.constant 80 : index
    %swap3A_26 = tpu.vector_load %arg9[%swap3A_24, %swap3A_25] {strides = array<i32>} : memref<224x128xf32, #tpu.memory_space<vmem>>, vector<16xf32>,
    tpu.vector_store %arg9[%swap3A_24, %swap3A_25], %broadcast_in_dim3A_3 {strides = array<i32>} : memref<224x128xf32, #tpu.memory_space<vmem>>, vector<16xf32>,
    %swap3A_27 = arith.constant 100 : i32
    %swap3A_28 = arith.index_cast %swap3A_27 : i32 to index
    %swap3A_29 = arith.constant 96 : index
    %swap3A_30 = tpu.vector_load %arg9[%swap3A_28, %swap3A_29] {strides = array<i32>} : memref<224x128xf32, #tpu.memory_space<vmem>>, vector<16xf32>,
    tpu.vector_store %arg9[%swap3A_28, %swap3A_29], %broadcast_in_dim3A_3 {strides = array<i32>} : memref<224x128xf32, #tpu.memory_space<vmem>>, vector<16xf32>,
    %swap3A_31 = arith.constant 100 : i32
    %swap3A_32 = arith.index_cast %swap3A_31 : i32 to index
    %swap3A_33 = arith.constant 112 : index
    %swap3A_34 = tpu.vector_load %arg9[%swap3A_32, %swap3A_33] {strides = array<i32>} : memref<224x128xf32, #tpu.memory_space<vmem>>, vector<16xf32>,
    tpu.vector_store %arg9[%swap3A_32, %swap3A_33], %broadcast_in_dim3A_3 {strides = array<i32>} : memref<224x128xf32, #tpu.memory_space<vmem>>, vector<16xf32>,
    %swap3A_35 = arith.constant 101 : i32
    %swap3A_36 = arith.index_cast %swap3A_35 : i32 to index
    %swap3A_37 = arith.constant 0 : index
    %swap3A_38 = tpu.vector_load %arg9[%swap3A_36, %swap3A_37] {strides = array<i32>} : memref<224x128xf32, #tpu.memory_space<vmem>>, vector<16xf32>,
    tpu.vector_store %arg9[%swap3A_36, %swap3A_37], %broadcast_in_dim3A_3 {strides = array<i32>} : memref<224x128xf32, #tpu.memory_space<vmem>>, vector<16xf32>,
    %swap3A_39 = arith.constant 101 : i32
    %swap3A_40 = arith.index_cast %swap3A_39 : i32 to index
    %swap3A_41 = arith.constant 16 : index
    %swap3A_42 = tpu.vector_load %arg9[%swap3A_40, %swap3A_41] {strides = array<i32>} : memref<224x128xf32, #tpu.memory_space<vmem>>, vector<16xf32>,
    tpu.vector_store %arg9[%swap3A_40, %swap3A_41], %broadcast_in_dim3A_3 {strides = array<i32>} : memref<224x128xf32, #tpu.memory_space<vmem>>, vector<16xf32>,
    %swap3A_43 = arith.constant 101 : i32
    %swap3A_44 = arith.index_cast %swap3A_43 : i32 to index
    %swap3A_45 = arith.constant 32 : index
    %swap3A_46 = tpu.vector_load %arg9[%swap3A_44, %swap3A_45] {strides = array<i32>} : memref<224x128xf32, #tpu.memory_space<vmem>>, vector<16xf32>,
    tpu.vector_store %arg9[%swap3A_44, %swap3A_45], %broadcast_in_dim3A_3 {strides = array<i32>} : memref<224x128xf32, #tpu.memory_space<vmem>>, vector<16xf32>,
    %swap3A_47 = arith.constant 101 : i32
    %swap3A_48 = arith.index_cast %swap3A_47 : i32 to index
    %swap3A_49 = arith.constant 48 : index
    %swap3A_50 = tpu.vector_load %arg9[%swap3A_48, %swap3A_49] {strides = array<i32>} : memref<224x128xf32, #tpu.memory_space<vmem>>, vector<16xf32>,
    tpu.vector_store %arg9[%swap3A_48, %swap3A_49], %broadcast_in_dim3A_3 {strides = array<i32>} : memref<224x128xf32, #tpu.memory_space<vmem>>, vector<16xf32>,
    %swap3A_51 = arith.constant 101 : i32
    %swap3A_52 = arith.index_cast %swap3A_51 : i32 to index
    %swap3A_53 = arith.constant 64 : index
    %swap3A_54 = tpu.vector_load %arg9[%swap3A_52, %swap3A_53] {strides = array<i32>} : memref<224x128xf32, #tpu.memory_space<vmem>>, vector<16xf32>,
    tpu.vector_store %arg9[%swap3A_52, %swap3A_53], %broadcast_in_dim3A_3 {strides = array<i32>} : memref<224x128xf32, #tpu.memory_space<vmem>>, vector<16xf32>,
    %swap3A_55 = arith.constant 101 : i32
    %swap3A_56 = arith.index_cast %swap3A_55 : i32 to index
    %swap3A_57 = arith.constant 80 : index
    %swap3A_58 = tpu.vector_load %arg9[%swap3A_56, %swap3A_57] {strides = array<i32>} : memref<224x128xf32, #tpu.memory_space<vmem>>, vector<16xf32>,
    tpu.vector_store %arg9[%swap3A_56, %swap3A_57], %broadcast_in_dim3A_3 {strides = array<i32>} : memref<224x128xf32, #tpu.memory_space<vmem>>, vector<16xf32>,
    %swap3A_59 = arith.constant 101 : i32
    %swap3A_60 = arith.index_cast %swap3A_59 : i32 to index
    %swap3A_61 = arith.constant 96 : index
    %swap3A_62 = tpu.vector_load %arg9[%swap3A_60, %swap3A_61] {strides = array<i32>} : memref<224x128xf32, #tpu.memory_space<vmem>>, vector<16xf32>,
    tpu.vector_store %arg9[%swap3A_60, %swap3A_61], %broadcast_in_dim3A_3 {strides = array<i32>} : memref<224x128xf32, #tpu.memory_space<vmem>>, vector<16xf32>,
    %swap3A_63 = arith.constant 101 : i32
    %swap3A_64 = arith.index_cast %swap3A_63 : i32 to index
    %swap3A_65 = arith.constant 112 : index
    %swap3A_66 = tpu.vector_load %arg9[%swap3A_64, %swap3A_65] {strides = array<i32>} : memref<224x128xf32, #tpu.memory_space<vmem>>, vector<16xf32>,
    tpu.vector_store %arg9[%swap3A_64, %swap3A_65], %broadcast_in_dim3A_3 {strides = array<i32>} : memref<224x128xf32, #tpu.memory_space<vmem>>, vector<16xf32>,
    %swap3A_67 = arith.constant 102 : i32
    %swap3A_68 = arith.index_cast %swap3A_67 : i32 to index
    %swap3A_69 = arith.constant 0 : index
    %swap3A_70 = tpu.vector_load %arg9[%swap3A_68, %swap3A_69] {strides = array<i32>} : memref<224x128xf32, #tpu.memory_space<vmem>>, vector<16xf32>,
    tpu.vector_store %arg9[%swap3A_68, %swap3A_69], %broadcast_in_dim3A_3 {strides = array<i32>} : memref<224x128xf32, #tpu.memory_space<vmem>>, vector<16xf32>,
    %swap3A_71 = arith.constant 102 : i32
    %swap3A_72 = arith.index_cast %swap3A_71 : i32 to index
    %swap3A_73 = arith.constant 16 : index
    %swap3A_74 = tpu.vector_load %arg9[%swap3A_72, %swap3A_73] {strides = array<i32>} : memref<224x128xf32, #tpu.memory_space<vmem>>, vector<16xf32>,
    tpu.vector_store %arg9[%swap3A_72, %swap3A_73], %broadcast_in_dim3A_3 {strides = array<i32>} : memref<224x128xf32, #tpu.memory_space<vmem>>, vector<16xf32>,
    %swap3A_75 = arith.constant 102 : i32
    %swap3A_76 = arith.index_cast %swap3A_75 : i32 to index
    %swap3A_77 = arith.constant 32 : index
    %swap3A_78 = tpu.vector_load %arg9[%swap3A_76, %swap3A_77] {strides = array<i32>} : memref<224x128xf32, #tpu.memory_space<vmem>>, vector<16xf32>,
    tpu.vector_store %arg9[%swap3A_76, %swap3A_77], %broadcast_in_dim3A_3 {strides = array<i32>} : memref<224x128xf32, #tpu.memory_space<vmem>>, vector<16xf32>,
    %swap3A_79 = arith.constant 102 : i32
    %swap3A_80 = arith.index_cast %swap3A_79 : i32 to index
    %swap3A_81 = arith.constant 48 : index
    %swap3A_82 = tpu.vector_load %arg9[%swap3A_80, %swap3A_81] {strides = array<i32>} : memref<224x128xf32, #tpu.memory_space<vmem>>, vector<16xf32>,
    tpu.vector_store %arg9[%swap3A_80, %swap3A_81], %broadcast_in_dim3A_3 {strides = array<i32>} : memref<224x128xf32, #tpu.memory_space<vmem>>, vector<16xf32>,
    %swap3A_83 = arith.constant 102 : i32
    %swap3A_84 = arith.index_cast %swap3A_83 : i32 to index
    %swap3A_85 = arith.constant 64 : index
    %swap3A_86 = tpu.vector_load %arg9[%swap3A_84, %swap3A_85] {strides = array<i32>} : memref<224x128xf32, #tpu.memory_space<vmem>>, vector<16xf32>,
    tpu.vector_store %arg9[%swap3A_84, %swap3A_85], %broadcast_in_dim3A_3 {strides = array<i32>} : memref<224x128xf32, #tpu.memory_space<vmem>>, vector<16xf32>,
    %swap3A_87 = arith.constant 102 : i32
    %swap3A_88 = arith.index_cast %swap3A_87 : i32 to index
    %swap3A_89 = arith.constant 80 : index
    %swap3A_90 = tpu.vector_load %arg9[%swap3A_88, %swap3A_89] {strides = array<i32>} : memref<224x128xf32, #tpu.memory_space<vmem>>, vector<16xf32>,
    tpu.vector_store %arg9[%swap3A_88, %swap3A_89], %broadcast_in_dim3A_3 {strides = array<i32>} : memref<224x128xf32, #tpu.memory_space<vmem>>, vector<16xf32>,
    %swap3A_91 = arith.constant 102 : i32
    %swap3A_92 = arith.index_cast %swap3A_91 : i32 to index
    %swap3A_93 = arith.constant 96 : index
    %swap3A_94 = tpu.vector_load %arg9[%swap3A_92, %swap3A_93] {strides = array<i32>} : memref<224x128xf32, #tpu.memory_space<vmem>>, vector<16xf32>,
    tpu.vector_store %arg9[%swap3A_92, %swap3A_93], %broadcast_in_dim3A_3 {strides = array<i32>} : memref<224x128xf32, #tpu.memory_space<vmem>>, vector<16xf32>,
    %swap3A_95 = arith.constant 102 : i32
    %swap3A_96 = arith.index_cast %swap3A_95 : i32 to index
    %swap3A_97 = arith.constant 112 : index
    %swap3A_98 = tpu.vector_load %arg9[%swap3A_96, %swap3A_97] {strides = array<i32>} : memref<224x128xf32, #tpu.memory_space<vmem>>, vector<16xf32>,
    tpu.vector_store %arg9[%swap3A_96, %swap3A_97], %broadcast_in_dim3A_3 {strides = array<i32>} : memref<224x128xf32, #tpu.memory_space<vmem>>, vector<16xf32>,
    %swap3A_99 = arith.constant 103 : i32
    %swap3A_100 = arith.index_cast %swap3A_99 : i32 to index
    %swap3A_101 = arith.constant 0 : index
    %swap3A_102 = tpu.vector_load %arg9[%swap3A_100, %swap3A_101] {strides = array<i32>} : memref<224x128xf32, #tpu.memory_space<vmem>>, vector<16xf32>,
    tpu.vector_store %arg9[%swap3A_100, %swap3A_101], %broadcast_in_dim3A_3 {strides = array<i32>} : memref<224x128xf32, #tpu.memory_space<vmem>>, vector<16xf32>,
    %swap3A_103 = arith.constant 103 : i32
    %swap3A_104 = arith.index_cast %swap3A_103 : i32 to index
    %swap3A_105 = arith.constant 16 : index
    %swap3A_106 = tpu.vector_load %arg9[%swap3A_104, %swap3A_105] {strides = array<i32>} : memref<224x128xf32, #tpu.memory_space<vmem>>, vector<16xf32>,
    tpu.vector_store %arg9[%swap3A_104, %swap3A_105], %broadcast_in_dim3A_3 {strides = array<i32>} : memref<224x128xf32, #tpu.memory_space<vmem>>, vector<16xf32>,
    %swap3A_107 = arith.constant 103 : i32
    %swap3A_108 = arith.index_cast %swap3A_107 : i32 to index
    %swap3A_109 = arith.constant 32 : index
    %swap3A_110 = tpu.vector_load %arg9[%swap3A_108, %swap3A_109] {strides = array<i32>} : memref<224x128xf32, #tpu.memory_space<vmem>>, vector<16xf32>,
    tpu.vector_store %arg9[%swap3A_108, %swap3A_109], %broadcast_in_dim3A_3 {strides = array<i32>} : memref<224x128xf32, #tpu.memory_space<vmem>>, vector<16xf32>,
    %swap3A_111 = arith.constant 103 : i32
    %swap3A_112 = arith.index_cast %swap3A_111 : i32 to index
    %swap3A_113 = arith.constant 48 : index
    %swap3A_114 = tpu.vector_load %arg9[%swap3A_112, %swap3A_113] {strides = array<i32>} : memref<224x128xf32, #tpu.memory_space<vmem>>, vector<16xf32>,
    tpu.vector_store %arg9[%swap3A_112, %swap3A_113], %broadcast_in_dim3A_3 {strides = array<i32>} : memref<224x128xf32, #tpu.memory_space<vmem>>, vector<16xf32>,
    %swap3A_115 = arith.constant 103 : i32
    %swap3A_116 = arith.index_cast %swap3A_115 : i32 to index
    %swap3A_117 = arith.constant 64 : index
    %swap3A_118 = tpu.vector_load %arg9[%swap3A_116, %swap3A_117] {strides = array<i32>} : memref<224x128xf32, #tpu.memory_space<vmem>>, vector<16xf32>,
    tpu.vector_store %arg9[%swap3A_116, %swap3A_117], %broadcast_in_dim3A_3 {strides = array<i32>} : memref<224x128xf32, #tpu.memory_space<vmem>>, vector<16xf32>,
    %swap3A_119 = arith.constant 103 : i32
    %swap3A_120 = arith.index_cast %swap3A_119 : i32 to index
    %swap3A_121 = arith.constant 80 : index
    %swap3A_122 = tpu.vector_load %arg9[%swap3A_120, %swap3A_121] {strides = array<i32>} : memref<224x128xf32, #tpu.memory_space<vmem>>, vector<16xf32>,
    tpu.vector_store %arg9[%swap3A_120, %swap3A_121], %broadcast_in_dim3A_3 {strides = array<i32>} : memref<224x128xf32, #tpu.memory_space<vmem>>, vector<16xf32>,
    %swap3A_123 = arith.constant 103 : i32
    %swap3A_124 = arith.index_cast %swap3A_123 : i32 to index
    %swap3A_125 = arith.constant 96 : index
    %swap3A_126 = tpu.vector_load %arg9[%swap3A_124, %swap3A_125] {strides = array<i32>} : memref<224x128xf32, #tpu.memory_space<vmem>>, vector<16xf32>,
    tpu.vector_store %arg9[%swap3A_124, %swap3A_125], %broadcast_in_dim3A_3 {strides = array<i32>} : memref<224x128xf32, #tpu.memory_space<vmem>>, vector<16xf32>,
    %swap3A_127 = arith.constant 103 : i32
    %swap3A_128 = arith.index_cast %swap3A_127 : i32 to index
    %swap3A_129 = arith.constant 112 : index
    %swap3A_130 = tpu.vector_load %arg9[%swap3A_128, %swap3A_129] {strides = array<i32>} : memref<224x128xf32, #tpu.memory_space<vmem>>, vector<16xf32>,
    tpu.vector_store %arg9[%swap3A_128, %swap3A_129], %broadcast_in_dim3A_3 {strides = array<i32>} : memref<224x128xf32, #tpu.memory_space<vmem>>, vector<16xf32>,
    %swap3A_131 = arith.constant 104 : i32
    %swap3A_132 = arith.index_cast %swap3A_131 : i32 to index
    %swap3A_133 = arith.constant 0 : index
    %swap3A_134 = tpu.vector_load %arg9[%swap3A_132, %swap3A_133] {strides = array<i32>} : memref<224x128xf32, #tpu.memory_space<vmem>>, vector<16xf32>,
    tpu.vector_store %arg9[%swap3A_132, %swap3A_133], %broadcast_in_dim3A_3 {strides = array<i32>} : memref<224x128xf32, #tpu.memory_space<vmem>>, vector<16xf32>,
    %swap3A_135 = arith.constant 104 : i32
    %swap3A_136 = arith.index_cast %swap3A_135 : i32 to index
    %swap3A_137 = arith.constant 16 : index
    %swap3A_138 = tpu.vector_load %arg9[%swap3A_136, %swap3A_137] {strides = array<i32>} : memref<224x128xf32, #tpu.memory_space<vmem>>, vector<16xf32>,
    tpu.vector_store %arg9[%swap3A_136, %swap3A_137], %broadcast_in_dim3A_3 {strides = array<i32>} : memref<224x128xf32, #tpu.memory_space<vmem>>, vector<16xf32>,
    %swap3A_139 = arith.constant 104 : i32
    %swap3A_140 = arith.index_cast %swap3A_139 : i32 to index
    %swap3A_141 = arith.constant 32 : index
    %swap3A_142 = tpu.vector_load %arg9[%swap3A_140, %swap3A_141] {strides = array<i32>} : memref<224x128xf32, #tpu.memory_space<vmem>>, vector<16xf32>,
    tpu.vector_store %arg9[%swap3A_140, %swap3A_141], %broadcast_in_dim3A_3 {strides = array<i32>} : memref<224x128xf32, #tpu.memory_space<vmem>>, vector<16xf32>,
    %swap3A_143 = arith.constant 104 : i32
    %swap3A_144 = arith.index_cast %swap3A_143 : i32 to index
    %swap3A_145 = arith.constant 48 : index
    %swap3A_146 = tpu.vector_load %arg9[%swap3A_144, %swap3A_145] {strides = array<i32>} : memref<224x128xf32, #tpu.memory_space<vmem>>, vector<16xf32>,
    tpu.vector_store %arg9[%swap3A_144, %swap3A_145], %broadcast_in_dim3A_3 {strides = array<i32>} : memref<224x128xf32, #tpu.memory_space<vmem>>, vector<16xf32>,
    %swap3A_147 = arith.constant 104 : i32
    %swap3A_148 = arith.index_cast %swap3A_147 : i32 to index
    %swap3A_149 = arith.constant 64 : index
    %swap3A_150 = tpu.vector_load %arg9[%swap3A_148, %swap3A_149] {strides = array<i32>} : memref<224x128xf32, #tpu.memory_space<vmem>>, vector<16xf32>,
    tpu.vector_store %arg9[%swap3A_148, %swap3A_149], %broadcast_in_dim3A_3 {strides = array<i32>} : memref<224x128xf32, #tpu.memory_space<vmem>>, vector<16xf32>,
    %swap3A_151 = arith.constant 104 : i32
    %swap3A_152 = arith.index_cast %swap3A_151 : i32 to index
    %swap3A_153 = arith.constant 80 : index
    %swap3A_154 = tpu.vector_load %arg9[%swap3A_152, %swap3A_153] {strides = array<i32>} : memref<224x128xf32, #tpu.memory_space<vmem>>, vector<16xf32>,
    tpu.vector_store %arg9[%swap3A_152, %swap3A_153], %broadcast_in_dim3A_3 {strides = array<i32>} : memref<224x128xf32, #tpu.memory_space<vmem>>, vector<16xf32>,
    %swap3A_155 = arith.constant 104 : i32
    %swap3A_156 = arith.index_cast %swap3A_155 : i32 to index
    %swap3A_157 = arith.constant 96 : index
    %swap3A_158 = tpu.vector_load %arg9[%swap3A_156, %swap3A_157] {strides = array<i32>} : memref<224x128xf32, #tpu.memory_space<vmem>>, vector<16xf32>,
    tpu.vector_store %arg9[%swap3A_156, %swap3A_157], %broadcast_in_dim3A_3 {strides = array<i32>} : memref<224x128xf32, #tpu.memory_space<vmem>>, vector<16xf32>,
    %swap3A_159 = arith.constant 104 : i32
    %swap3A_160 = arith.index_cast %swap3A_159 : i32 to index
    %swap3A_161 = arith.constant 112 : index
    %swap3A_162 = tpu.vector_load %arg9[%swap3A_160, %swap3A_161] {strides = array<i32>} : memref<224x128xf32, #tpu.memory_space<vmem>>, vector<16xf32>,
    tpu.vector_store %arg9[%swap3A_160, %swap3A_161], %broadcast_in_dim3A_3 {strides = array<i32>} : memref<224x128xf32, #tpu.memory_space<vmem>>, vector<16xf32>,
    %swap3A_163 = arith.constant 105 : i32
    %swap3A_164 = arith.index_cast %swap3A_163 : i32 to index
    %swap3A_165 = arith.constant 0 : index
    %swap3A_166 = tpu.vector_load %arg9[%swap3A_164, %swap3A_165] {strides = array<i32>} : memref<224x128xf32, #tpu.memory_space<vmem>>, vector<16xf32>,
    tpu.vector_store %arg9[%swap3A_164, %swap3A_165], %broadcast_in_dim3A_3 {strides = array<i32>} : memref<224x128xf32, #tpu.memory_space<vmem>>, vector<16xf32>,
    %swap3A_167 = arith.constant 105 : i32
    %swap3A_168 = arith.index_cast %swap3A_167 : i32 to index
    %swap3A_169 = arith.constant 16 : index
    %swap3A_170 = tpu.vector_load %arg9[%swap3A_168, %swap3A_169] {strides = array<i32>} : memref<224x128xf32, #tpu.memory_space<vmem>>, vector<16xf32>,
    tpu.vector_store %arg9[%swap3A_168, %swap3A_169], %broadcast_in_dim3A_3 {strides = array<i32>} : memref<224x128xf32, #tpu.memory_space<vmem>>, vector<16xf32>,
    %swap3A_171 = arith.constant 105 : i32
    %swap3A_172 = arith.index_cast %swap3A_171 : i32 to index
    %swap3A_173 = arith.constant 32 : index
    %swap3A_174 = tpu.vector_load %arg9[%swap3A_172, %swap3A_173] {strides = array<i32>} : memref<224x128xf32, #tpu.memory_space<vmem>>, vector<16xf32>,
    tpu.vector_store %arg9[%swap3A_172, %swap3A_173], %broadcast_in_dim3A_3 {strides = array<i32>} : memref<224x128xf32, #tpu.memory_space<vmem>>, vector<16xf32>,
    %swap3A_175 = arith.constant 105 : i32
    %swap3A_176 = arith.index_cast %swap3A_175 : i32 to index
    %swap3A_177 = arith.constant 48 : index
    %swap3A_178 = tpu.vector_load %arg9[%swap3A_176, %swap3A_177] {strides = array<i32>} : memref<224x128xf32, #tpu.memory_space<vmem>>, vector<16xf32>,
    tpu.vector_store %arg9[%swap3A_176, %swap3A_177], %broadcast_in_dim3A_3 {strides = array<i32>} : memref<224x128xf32, #tpu.memory_space<vmem>>, vector<16xf32>,
    %swap3A_179 = arith.constant 105 : i32
    %swap3A_180 = arith.index_cast %swap3A_179 : i32 to index
    %swap3A_181 = arith.constant 64 : index
    %swap3A_182 = tpu.vector_load %arg9[%swap3A_180, %swap3A_181] {strides = array<i32>} : memref<224x128xf32, #tpu.memory_space<vmem>>, vector<16xf32>,
    tpu.vector_store %arg9[%swap3A_180, %swap3A_181], %broadcast_in_dim3A_3 {strides = array<i32>} : memref<224x128xf32, #tpu.memory_space<vmem>>, vector<16xf32>,
    %swap3A_183 = arith.constant 105 : i32
    %swap3A_184 = arith.index_cast %swap3A_183 : i32 to index
    %swap3A_185 = arith.constant 80 : index
    %swap3A_186 = tpu.vector_load %arg9[%swap3A_184, %swap3A_185] {strides = array<i32>} : memref<224x128xf32, #tpu.memory_space<vmem>>, vector<16xf32>,
    tpu.vector_store %arg9[%swap3A_184, %swap3A_185], %broadcast_in_dim3A_3 {strides = array<i32>} : memref<224x128xf32, #tpu.memory_space<vmem>>, vector<16xf32>,
    %swap3A_187 = arith.constant 105 : i32
    %swap3A_188 = arith.index_cast %swap3A_187 : i32 to index
    %swap3A_189 = arith.constant 96 : index
    %swap3A_190 = tpu.vector_load %arg9[%swap3A_188, %swap3A_189] {strides = array<i32>} : memref<224x128xf32, #tpu.memory_space<vmem>>, vector<16xf32>,
    tpu.vector_store %arg9[%swap3A_188, %swap3A_189], %broadcast_in_dim3A_3 {strides = array<i32>} : memref<224x128xf32, #tpu.memory_space<vmem>>, vector<16xf32>,
    %swap3A_191 = arith.constant 105 : i32
    %swap3A_192 = arith.index_cast %swap3A_191 : i32 to index
    %swap3A_193 = arith.constant 112 : index
    %swap3A_194 = tpu.vector_load %arg9[%swap3A_192, %swap3A_193] {strides = array<i32>} : memref<224x128xf32, #tpu.memory_space<vmem>>, vector<16xf32>,
    tpu.vector_store %arg9[%swap3A_192, %swap3A_193], %broadcast_in_dim3A_3 {strides = array<i32>} : memref<224x128xf32, #tpu.memory_space<vmem>>, vector<16xf32>,
    %swap3A_195 = arith.constant 106 : i32
    %swap3A_196 = arith.index_cast %swap3A_195 : i32 to index
    %swap3A_197 = arith.constant 0 : index
    %swap3A_198 = tpu.vector_load %arg9[%swap3A_196, %swap3A_197] {strides = array<i32>} : memref<224x128xf32, #tpu.memory_space<vmem>>, vector<16xf32>,
    tpu.vector_store %arg9[%swap3A_196, %swap3A_197], %broadcast_in_dim3A_3 {strides = array<i32>} : memref<224x128xf32, #tpu.memory_space<vmem>>, vector<16xf32>,
    %swap3A_199 = arith.constant 106 : i32
    %swap3A_200 = arith.index_cast %swap3A_199 : i32 to index
    %swap3A_201 = arith.constant 16 : index
    %swap3A_202 = tpu.vector_load %arg9[%swap3A_200, %swap3A_201] {strides = array<i32>} : memref<224x128xf32, #tpu.memory_space<vmem>>, vector<16xf32>,
    tpu.vector_store %arg9[%swap3A_200, %swap3A_201], %broadcast_in_dim3A_3 {strides = array<i32>} : memref<224x128xf32, #tpu.memory_space<vmem>>, vector<16xf32>,
    %swap3A_203 = arith.constant 106 : i32
    %swap3A_204 = arith.index_cast %swap3A_203 : i32 to index
    %swap3A_205 = arith.constant 32 : index
    %swap3A_206 = tpu.vector_load %arg9[%swap3A_204, %swap3A_205] {strides = array<i32>} : memref<224x128xf32, #tpu.memory_space<vmem>>, vector<16xf32>,
    tpu.vector_store %arg9[%swap3A_204, %swap3A_205], %broadcast_in_dim3A_3 {strides = array<i32>} : memref<224x128xf32, #tpu.memory_space<vmem>>, vector<16xf32>,
    %swap3A_207 = arith.constant 106 : i32
    %swap3A_208 = arith.index_cast %swap3A_207 : i32 to index
    %swap3A_209 = arith.constant 48 : index
    %swap3A_210 = tpu.vector_load %arg9[%swap3A_208, %swap3A_209] {strides = array<i32>} : memref<224x128xf32, #tpu.memory_space<vmem>>, vector<16xf32>,
    tpu.vector_store %arg9[%swap3A_208, %swap3A_209], %broadcast_in_dim3A_3 {strides = array<i32>} : memref<224x128xf32, #tpu.memory_space<vmem>>, vector<16xf32>,
    %swap3A_211 = arith.constant 106 : i32
    %swap3A_212 = arith.index_cast %swap3A_211 : i32 to index
    %swap3A_213 = arith.constant 64 : index
    %swap3A_214 = tpu.vector_load %arg9[%swap3A_212, %swap3A_213] {strides = array<i32>} : memref<224x128xf32, #tpu.memory_space<vmem>>, vector<16xf32>,
    tpu.vector_store %arg9[%swap3A_212, %swap3A_213], %broadcast_in_dim3A_3 {strides = array<i32>} : memref<224x128xf32, #tpu.memory_space<vmem>>, vector<16xf32>,
    %swap3A_215 = arith.constant 106 : i32
    %swap3A_216 = arith.index_cast %swap3A_215 : i32 to index
    %swap3A_217 = arith.constant 80 : index
    %swap3A_218 = tpu.vector_load %arg9[%swap3A_216, %swap3A_217] {strides = array<i32>} : memref<224x128xf32, #tpu.memory_space<vmem>>, vector<16xf32>,
    tpu.vector_store %arg9[%swap3A_216, %swap3A_217], %broadcast_in_dim3A_3 {strides = array<i32>} : memref<224x128xf32, #tpu.memory_space<vmem>>, vector<16xf32>,
    %swap3A_219 = arith.constant 106 : i32
    %swap3A_220 = arith.index_cast %swap3A_219 : i32 to index
    %swap3A_221 = arith.constant 96 : index
    %swap3A_222 = tpu.vector_load %arg9[%swap3A_220, %swap3A_221] {strides = array<i32>} : memref<224x128xf32, #tpu.memory_space<vmem>>, vector<16xf32>,
    tpu.vector_store %arg9[%swap3A_220, %swap3A_221], %broadcast_in_dim3A_3 {strides = array<i32>} : memref<224x128xf32, #tpu.memory_space<vmem>>, vector<16xf32>,
    %swap3A_223 = arith.constant 106 : i32
    %swap3A_224 = arith.index_cast %swap3A_223 : i32 to index
    %swap3A_225 = arith.constant 112 : index
    %swap3A_226 = tpu.vector_load %arg9[%swap3A_224, %swap3A_225] {strides = array<i32>} : memref<224x128xf32, #tpu.memory_space<vmem>>, vector<16xf32>,
    tpu.vector_store %arg9[%swap3A_224, %swap3A_225], %broadcast_in_dim3A_3 {strides = array<i32>} : memref<224x128xf32, #tpu.memory_space<vmem>>, vector<16xf32>,
    %swap3A_227 = arith.constant 107 : i32
    %swap3A_228 = arith.index_cast %swap3A_227 : i32 to index
    %swap3A_229 = arith.constant 0 : index
    %swap3A_230 = tpu.vector_load %arg9[%swap3A_228, %swap3A_229] {strides = array<i32>} : memref<224x128xf32, #tpu.memory_space<vmem>>, vector<16xf32>,
    tpu.vector_store %arg9[%swap3A_228, %swap3A_229], %broadcast_in_dim3A_3 {strides = array<i32>} : memref<224x128xf32, #tpu.memory_space<vmem>>, vector<16xf32>,
    %swap3A_231 = arith.constant 107 : i32
    %swap3A_232 = arith.index_cast %swap3A_231 : i32 to index
    %swap3A_233 = arith.constant 16 : index
    %swap3A_234 = tpu.vector_load %arg9[%swap3A_232, %swap3A_233] {strides = array<i32>} : memref<224x128xf32, #tpu.memory_space<vmem>>, vector<16xf32>,
    tpu.vector_store %arg9[%swap3A_232, %swap3A_233], %broadcast_in_dim3A_3 {strides = array<i32>} : memref<224x128xf32, #tpu.memory_space<vmem>>, vector<16xf32>,
    %swap3A_235 = arith.constant 107 : i32
    %swap3A_236 = arith.index_cast %swap3A_235 : i32 to index
    %swap3A_237 = arith.constant 32 : index
    %swap3A_238 = tpu.vector_load %arg9[%swap3A_236, %swap3A_237] {strides = array<i32>} : memref<224x128xf32, #tpu.memory_space<vmem>>, vector<16xf32>,
    tpu.vector_store %arg9[%swap3A_236, %swap3A_237], %broadcast_in_dim3A_3 {strides = array<i32>} : memref<224x128xf32, #tpu.memory_space<vmem>>, vector<16xf32>,
    %swap3A_239 = arith.constant 107 : i32
    %swap3A_240 = arith.index_cast %swap3A_239 : i32 to index
    %swap3A_241 = arith.constant 48 : index
    %swap3A_242 = tpu.vector_load %arg9[%swap3A_240, %swap3A_241] {strides = array<i32>} : memref<224x128xf32, #tpu.memory_space<vmem>>, vector<16xf32>,
    tpu.vector_store %arg9[%swap3A_240, %swap3A_241], %broadcast_in_dim3A_3 {strides = array<i32>} : memref<224x128xf32, #tpu.memory_space<vmem>>, vector<16xf32>,
    %swap3A_243 = arith.constant 107 : i32
    %swap3A_244 = arith.index_cast %swap3A_243 : i32 to index
    %swap3A_245 = arith.constant 64 : index
    %swap3A_246 = tpu.vector_load %arg9[%swap3A_244, %swap3A_245] {strides = array<i32>} : memref<224x128xf32, #tpu.memory_space<vmem>>, vector<16xf32>,
    tpu.vector_store %arg9[%swap3A_244, %swap3A_245], %broadcast_in_dim3A_3 {strides = array<i32>} : memref<224x128xf32, #tpu.memory_space<vmem>>, vector<16xf32>,
    %swap3A_247 = arith.constant 107 : i32
    %swap3A_248 = arith.index_cast %swap3A_247 : i32 to index
    %swap3A_249 = arith.constant 80 : index
    %swap3A_250 = tpu.vector_load %arg9[%swap3A_248, %swap3A_249] {strides = array<i32>} : memref<224x128xf32, #tpu.memory_space<vmem>>, vector<16xf32>,
    tpu.vector_store %arg9[%swap3A_248, %swap3A_249], %broadcast_in_dim3A_3 {strides = array<i32>} : memref<224x128xf32, #tpu.memory_space<vmem>>, vector<16xf32>,
    %swap3A_251 = arith.constant 107 : i32
    %swap3A_252 = arith.index_cast %swap3A_251 : i32 to index
    %swap3A_253 = arith.constant 96 : index
    %swap3A_254 = tpu.vector_load %arg9[%swap3A_252, %swap3A_253] {strides = array<i32>} : memref<224x128xf32, #tpu.memory_space<vmem>>, vector<16xf32>,
    tpu.vector_store %arg9[%swap3A_252, %swap3A_253], %broadcast_in_dim3A_3 {strides = array<i32>} : memref<224x128xf32, #tpu.memory_space<vmem>>, vector<16xf32>,
    %swap3A_255 = arith.constant 107 : i32
    %swap3A_256 = arith.index_cast %swap3A_255 : i32 to index
    %swap3A_257 = arith.constant 112 : index
    %swap3A_258 = tpu.vector_load %arg9[%swap3A_256, %swap3A_257] {strides = array<i32>} : memref<224x128xf32, #tpu.memory_space<vmem>>, vector<16xf32>,
    tpu.vector_store %arg9[%swap3A_256, %swap3A_257], %broadcast_in_dim3A_3 {strides = array<i32>} : memref<224x128xf32, #tpu.memory_space<vmem>>, vector<16xf32>,
    %swap3A_259 = arith.constant 108 : i32
    %swap3A_260 = arith.index_cast %swap3A_259 : i32 to index
    %swap3A_261 = arith.constant 0 : index
    %swap3A_262 = tpu.vector_load %arg9[%swap3A_260, %swap3A_261] {strides = array<i32>} : memref<224x128xf32, #tpu.memory_space<vmem>>, vector<16xf32>,
    tpu.vector_store %arg9[%swap3A_260, %swap3A_261], %broadcast_in_dim3A_3 {strides = array<i32>} : memref<224x128xf32, #tpu.memory_space<vmem>>, vector<16xf32>,
    %swap3A_263 = arith.constant 108 : i32
    %swap3A_264 = arith.index_cast %swap3A_263 : i32 to index
    %swap3A_265 = arith.constant 16 : index
    %swap3A_266 = tpu.vector_load %arg9[%swap3A_264, %swap3A_265] {strides = array<i32>} : memref<224x128xf32, #tpu.memory_space<vmem>>, vector<16xf32>,
    tpu.vector_store %arg9[%swap3A_264, %swap3A_265], %broadcast_in_dim3A_3 {strides = array<i32>} : memref<224x128xf32, #tpu.memory_space<vmem>>, vector<16xf32>,
    %swap3A_267 = arith.constant 108 : i32
    %swap3A_268 = arith.index_cast %swap3A_267 : i32 to index
    %swap3A_269 = arith.constant 32 : index
    %swap3A_270 = tpu.vector_load %arg9[%swap3A_268, %swap3A_269] {strides = array<i32>} : memref<224x128xf32, #tpu.memory_space<vmem>>, vector<16xf32>,
    tpu.vector_store %arg9[%swap3A_268, %swap3A_269], %broadcast_in_dim3A_3 {strides = array<i32>} : memref<224x128xf32, #tpu.memory_space<vmem>>, vector<16xf32>,
    %swap3A_271 = arith.constant 108 : i32
    %swap3A_272 = arith.index_cast %swap3A_271 : i32 to index
    %swap3A_273 = arith.constant 48 : index
    %swap3A_274 = tpu.vector_load %arg9[%swap3A_272, %swap3A_273] {strides = array<i32>} : memref<224x128xf32, #tpu.memory_space<vmem>>, vector<16xf32>,
    tpu.vector_store %arg9[%swap3A_272, %swap3A_273], %broadcast_in_dim3A_3 {strides = array<i32>} : memref<224x128xf32, #tpu.memory_space<vmem>>, vector<16xf32>,
    %swap3A_275 = arith.constant 108 : i32
    %swap3A_276 = arith.index_cast %swap3A_275 : i32 to index
    %swap3A_277 = arith.constant 64 : index
    %swap3A_278 = tpu.vector_load %arg9[%swap3A_276, %swap3A_277] {strides = array<i32>} : memref<224x128xf32, #tpu.memory_space<vmem>>, vector<16xf32>,
    tpu.vector_store %arg9[%swap3A_276, %swap3A_277], %broadcast_in_dim3A_3 {strides = array<i32>} : memref<224x128xf32, #tpu.memory_space<vmem>>, vector<16xf32>,
    %swap3A_279 = arith.constant 108 : i32
    %swap3A_280 = arith.index_cast %swap3A_279 : i32 to index
    %swap3A_281 = arith.constant 80 : index
    %swap3A_282 = tpu.vector_load %arg9[%swap3A_280, %swap3A_281] {strides = array<i32>} : memref<224x128xf32, #tpu.memory_space<vmem>>, vector<16xf32>,
    tpu.vector_store %arg9[%swap3A_280, %swap3A_281], %broadcast_in_dim3A_3 {strides = array<i32>} : memref<224x128xf32, #tpu.memory_space<vmem>>, vector<16xf32>,
    %swap3A_283 = arith.constant 108 : i32
    %swap3A_284 = arith.index_cast %swap3A_283 : i32 to index
    %swap3A_285 = arith.constant 96 : index
    %swap3A_286 = tpu.vector_load %arg9[%swap3A_284, %swap3A_285] {strides = array<i32>} : memref<224x128xf32, #tpu.memory_space<vmem>>, vector<16xf32>,
    tpu.vector_store %arg9[%swap3A_284, %swap3A_285], %broadcast_in_dim3A_3 {strides = array<i32>} : memref<224x128xf32, #tpu.memory_space<vmem>>, vector<16xf32>,
    %swap3A_287 = arith.constant 108 : i32
    %swap3A_288 = arith.index_cast %swap3A_287 : i32 to index
    %swap3A_289 = arith.constant 112 : index
    %swap3A_290 = tpu.vector_load %arg9[%swap3A_288, %swap3A_289] {strides = array<i32>} : memref<224x128xf32, #tpu.memory_space<vmem>>, vector<16xf32>,
    tpu.vector_store %arg9[%swap3A_288, %swap3A_289], %broadcast_in_dim3A_3 {strides = array<i32>} : memref<224x128xf32, #tpu.memory_space<vmem>>, vector<16xf32>,
    %swap3A_291 = arith.constant 109 : i32
    %swap3A_292 = arith.index_cast %swap3A_291 : i32 to index
    %swap3A_293 = arith.constant 0 : index
    %swap3A_294 = tpu.vector_load %arg9[%swap3A_292, %swap3A_293] {strides = array<i32>} : memref<224x128xf32, #tpu.memory_space<vmem>>, vector<16xf32>,
    tpu.vector_store %arg9[%swap3A_292, %swap3A_293], %broadcast_in_dim3A_3 {strides = array<i32>} : memref<224x128xf32, #tpu.memory_space<vmem>>, vector<16xf32>,
    %swap3A_295 = arith.constant 109 : i32
    %swap3A_296 = arith.index_cast %swap3A_295 : i32 to index
    %swap3A_297 = arith.constant 16 : index
    %swap3A_298 = tpu.vector_load %arg9[%swap3A_296, %swap3A_297] {strides = array<i32>} : memref<224x128xf32, #tpu.memory_space<vmem>>, vector<16xf32>,
    tpu.vector_store %arg9[%swap3A_296, %swap3A_297], %broadcast_in_dim3A_3 {strides = array<i32>} : memref<224x128xf32, #tpu.memory_space<vmem>>, vector<16xf32>,
    %swap3A_299 = arith.constant 109 : i32
    %swap3A_300 = arith.index_cast %swap3A_299 : i32 to index
    %swap3A_301 = arith.constant 32 : index
    %swap3A_302 = tpu.vector_load %arg9[%swap3A_300, %swap3A_301] {strides = array<i32>} : memref<224x128xf32, #tpu.memory_space<vmem>>, vector<16xf32>,
    tpu.vector_store %arg9[%swap3A_300, %swap3A_301], %broadcast_in_dim3A_3 {strides = array<i32>} : memref<224x128xf32, #tpu.memory_space<vmem>>, vector<16xf32>,
    %swap3A_303 = arith.constant 109 : i32
    %swap3A_304 = arith.index_cast %swap3A_303 : i32 to index
    %swap3A_305 = arith.constant 48 : index
    %swap3A_306 = tpu.vector_load %arg9[%swap3A_304, %swap3A_305] {strides = array<i32>} : memref<224x128xf32, #tpu.memory_space<vmem>>, vector<16xf32>,
    tpu.vector_store %arg9[%swap3A_304, %swap3A_305], %broadcast_in_dim3A_3 {strides = array<i32>} : memref<224x128xf32, #tpu.memory_space<vmem>>, vector<16xf32>,
    %swap3A_307 = arith.constant 109 : i32
    %swap3A_308 = arith.index_cast %swap3A_307 : i32 to index
    %swap3A_309 = arith.constant 64 : index
    %swap3A_310 = tpu.vector_load %arg9[%swap3A_308, %swap3A_309] {strides = array<i32>} : memref<224x128xf32, #tpu.memory_space<vmem>>, vector<16xf32>,
    tpu.vector_store %arg9[%swap3A_308, %swap3A_309], %broadcast_in_dim3A_3 {strides = array<i32>} : memref<224x128xf32, #tpu.memory_space<vmem>>, vector<16xf32>,
    %swap3A_311 = arith.constant 109 : i32
    %swap3A_312 = arith.index_cast %swap3A_311 : i32 to index
    %swap3A_313 = arith.constant 80 : index
    %swap3A_314 = tpu.vector_load %arg9[%swap3A_312, %swap3A_313] {strides = array<i32>} : memref<224x128xf32, #tpu.memory_space<vmem>>, vector<16xf32>,
    tpu.vector_store %arg9[%swap3A_312, %swap3A_313], %broadcast_in_dim3A_3 {strides = array<i32>} : memref<224x128xf32, #tpu.memory_space<vmem>>, vector<16xf32>,
    %swap3A_315 = arith.constant 109 : i32
    %swap3A_316 = arith.index_cast %swap3A_315 : i32 to index
    %swap3A_317 = arith.constant 96 : index
    %swap3A_318 = tpu.vector_load %arg9[%swap3A_316, %swap3A_317] {strides = array<i32>} : memref<224x128xf32, #tpu.memory_space<vmem>>, vector<16xf32>,
    tpu.vector_store %arg9[%swap3A_316, %swap3A_317], %broadcast_in_dim3A_3 {strides = array<i32>} : memref<224x128xf32, #tpu.memory_space<vmem>>, vector<16xf32>,
    %swap3A_319 = arith.constant 109 : i32
    %swap3A_320 = arith.index_cast %swap3A_319 : i32 to index
    %swap3A_321 = arith.constant 112 : index
    %swap3A_322 = tpu.vector_load %arg9[%swap3A_320, %swap3A_321] {strides = array<i32>} : memref<224x128xf32, #tpu.memory_space<vmem>>, vector<16xf32>,
    tpu.vector_store %arg9[%swap3A_320, %swap3A_321], %broadcast_in_dim3A_3 {strides = array<i32>} : memref<224x128xf32, #tpu.memory_space<vmem>>, vector<16xf32>,
    %swap3A_323 = arith.constant 110 : i32
    %swap3A_324 = arith.index_cast %swap3A_323 : i32 to index
    %swap3A_325 = arith.constant 0 : index
    %swap3A_326 = tpu.vector_load %arg9[%swap3A_324, %swap3A_325] {strides = array<i32>} : memref<224x128xf32, #tpu.memory_space<vmem>>, vector<16xf32>,
    tpu.vector_store %arg9[%swap3A_324, %swap3A_325], %broadcast_in_dim3A_3 {strides = array<i32>} : memref<224x128xf32, #tpu.memory_space<vmem>>, vector<16xf32>,
    %swap3A_327 = arith.constant 110 : i32
    %swap3A_328 = arith.index_cast %swap3A_327 : i32 to index
    %swap3A_329 = arith.constant 16 : index
    %swap3A_330 = tpu.vector_load %arg9[%swap3A_328, %swap3A_329] {strides = array<i32>} : memref<224x128xf32, #tpu.memory_space<vmem>>, vector<16xf32>,
    tpu.vector_store %arg9[%swap3A_328, %swap3A_329], %broadcast_in_dim3A_3 {strides = array<i32>} : memref<224x128xf32, #tpu.memory_space<vmem>>, vector<16xf32>,
    %swap3A_331 = arith.constant 110 : i32
    %swap3A_332 = arith.index_cast %swap3A_331 : i32 to index
    %swap3A_333 = arith.constant 32 : index
    %swap3A_334 = tpu.vector_load %arg9[%swap3A_332, %swap3A_333] {strides = array<i32>} : memref<224x128xf32, #tpu.memory_space<vmem>>, vector<16xf32>,
    tpu.vector_store %arg9[%swap3A_332, %swap3A_333], %broadcast_in_dim3A_3 {strides = array<i32>} : memref<224x128xf32, #tpu.memory_space<vmem>>, vector<16xf32>,
    %swap3A_335 = arith.constant 110 : i32
    %swap3A_336 = arith.index_cast %swap3A_335 : i32 to index
    %swap3A_337 = arith.constant 48 : index
    %swap3A_338 = tpu.vector_load %arg9[%swap3A_336, %swap3A_337] {strides = array<i32>} : memref<224x128xf32, #tpu.memory_space<vmem>>, vector<16xf32>,
    tpu.vector_store %arg9[%swap3A_336, %swap3A_337], %broadcast_in_dim3A_3 {strides = array<i32>} : memref<224x128xf32, #tpu.memory_space<vmem>>, vector<16xf32>,
    %swap3A_339 = arith.constant 110 : i32
    %swap3A_340 = arith.index_cast %swap3A_339 : i32 to index
    %swap3A_341 = arith.constant 64 : index
    %swap3A_342 = tpu.vector_load %arg9[%swap3A_340, %swap3A_341] {strides = array<i32>} : memref<224x128xf32, #tpu.memory_space<vmem>>, vector<16xf32>,
    tpu.vector_store %arg9[%swap3A_340, %swap3A_341], %broadcast_in_dim3A_3 {strides = array<i32>} : memref<224x128xf32, #tpu.memory_space<vmem>>, vector<16xf32>,
    %swap3A_343 = arith.constant 110 : i32
    %swap3A_344 = arith.index_cast %swap3A_343 : i32 to index
    %swap3A_345 = arith.constant 80 : index
    %swap3A_346 = tpu.vector_load %arg9[%swap3A_344, %swap3A_345] {strides = array<i32>} : memref<224x128xf32, #tpu.memory_space<vmem>>, vector<16xf32>,
    tpu.vector_store %arg9[%swap3A_344, %swap3A_345], %broadcast_in_dim3A_3 {strides = array<i32>} : memref<224x128xf32, #tpu.memory_space<vmem>>, vector<16xf32>,
    %swap3A_347 = arith.constant 110 : i32
    %swap3A_348 = arith.index_cast %swap3A_347 : i32 to index
    %swap3A_349 = arith.constant 96 : index
    %swap3A_350 = tpu.vector_load %arg9[%swap3A_348, %swap3A_349] {strides = array<i32>} : memref<224x128xf32, #tpu.memory_space<vmem>>, vector<16xf32>,
    tpu.vector_store %arg9[%swap3A_348, %swap3A_349], %broadcast_in_dim3A_3 {strides = array<i32>} : memref<224x128xf32, #tpu.memory_space<vmem>>, vector<16xf32>,
    %swap3A_351 = arith.constant 110 : i32
    %swap3A_352 = arith.index_cast %swap3A_351 : i32 to index
    %swap3A_353 = arith.constant 112 : index
    %swap3A_354 = tpu.vector_load %arg9[%swap3A_352, %swap3A_353] {strides = array<i32>} : memref<224x128xf32, #tpu.memory_space<vmem>>, vector<16xf32>,
    tpu.vector_store %arg9[%swap3A_352, %swap3A_353], %broadcast_in_dim3A_3 {strides = array<i32>} : memref<224x128xf32, #tpu.memory_space<vmem>>, vector<16xf32>,
    %swap3A_355 = arith.constant 111 : i32
    %swap3A_356 = arith.index_cast %swap3A_355 : i32 to index
    %swap3A_357 = arith.constant 0 : index
    %swap3A_358 = tpu.vector_load %arg9[%swap3A_356, %swap3A_357] {strides = array<i32>} : memref<224x128xf32, #tpu.memory_space<vmem>>, vector<16xf32>,
    tpu.vector_store %arg9[%swap3A_356, %swap3A_357], %broadcast_in_dim3A_3 {strides = array<i32>} : memref<224x128xf32, #tpu.memory_space<vmem>>, vector<16xf32>,
    %swap3A_359 = arith.constant 111 : i32
    %swap3A_360 = arith.index_cast %swap3A_359 : i32 to index
    %swap3A_361 = arith.constant 16 : index
    %swap3A_362 = tpu.vector_load %arg9[%swap3A_360, %swap3A_361] {strides = array<i32>} : memref<224x128xf32, #tpu.memory_space<vmem>>, vector<16xf32>,
    tpu.vector_store %arg9[%swap3A_360, %swap3A_361], %broadcast_in_dim3A_3 {strides = array<i32>} : memref<224x128xf32, #tpu.memory_space<vmem>>, vector<16xf32>,
    %swap3A_363 = arith.constant 111 : i32
    %swap3A_364 = arith.index_cast %swap3A_363 : i32 to index
    %swap3A_365 = arith.constant 32 : index
    %swap3A_366 = tpu.vector_load %arg9[%swap3A_364, %swap3A_365] {strides = array<i32>} : memref<224x128xf32, #tpu.memory_space<vmem>>, vector<16xf32>,
    tpu.vector_store %arg9[%swap3A_364, %swap3A_365], %broadcast_in_dim3A_3 {strides = array<i32>} : memref<224x128xf32, #tpu.memory_space<vmem>>, vector<16xf32>,
    %swap3A_367 = arith.constant 111 : i32
    %swap3A_368 = arith.index_cast %swap3A_367 : i32 to index
    %swap3A_369 = arith.constant 48 : index
    %swap3A_370 = tpu.vector_load %arg9[%swap3A_368, %swap3A_369] {strides = array<i32>} : memref<224x128xf32, #tpu.memory_space<vmem>>, vector<16xf32>,
    tpu.vector_store %arg9[%swap3A_368, %swap3A_369], %broadcast_in_dim3A_3 {strides = array<i32>} : memref<224x128xf32, #tpu.memory_space<vmem>>, vector<16xf32>,
    %swap3A_371 = arith.constant 111 : i32
    %swap3A_372 = arith.index_cast %swap3A_371 : i32 to index
    %swap3A_373 = arith.constant 64 : index
    %swap3A_374 = tpu.vector_load %arg9[%swap3A_372, %swap3A_373] {strides = array<i32>} : memref<224x128xf32, #tpu.memory_space<vmem>>, vector<16xf32>,
    tpu.vector_store %arg9[%swap3A_372, %swap3A_373], %broadcast_in_dim3A_3 {strides = array<i32>} : memref<224x128xf32, #tpu.memory_space<vmem>>, vector<16xf32>,
    %swap3A_375 = arith.constant 111 : i32
    %swap3A_376 = arith.index_cast %swap3A_375 : i32 to index
    %swap3A_377 = arith.constant 80 : index
    %swap3A_378 = tpu.vector_load %arg9[%swap3A_376, %swap3A_377] {strides = array<i32>} : memref<224x128xf32, #tpu.memory_space<vmem>>, vector<16xf32>,
    tpu.vector_store %arg9[%swap3A_376, %swap3A_377], %broadcast_in_dim3A_3 {strides = array<i32>} : memref<224x128xf32, #tpu.memory_space<vmem>>, vector<16xf32>,
    %swap3A_379 = arith.constant 111 : i32
    %swap3A_380 = arith.index_cast %swap3A_379 : i32 to index
    %swap3A_381 = arith.constant 96 : index
    %swap3A_382 = tpu.vector_load %arg9[%swap3A_380, %swap3A_381] {strides = array<i32>} : memref<224x128xf32, #tpu.memory_space<vmem>>, vector<16xf32>,
    tpu.vector_store %arg9[%swap3A_380, %swap3A_381], %broadcast_in_dim3A_3 {strides = array<i32>} : memref<224x128xf32, #tpu.memory_space<vmem>>, vector<16xf32>,
    %swap3A_383 = arith.constant 111 : i32
    %swap3A_384 = arith.index_cast %swap3A_383 : i32 to index
    %swap3A_385 = arith.constant 112 : index
    %swap3A_386 = tpu.vector_load %arg9[%swap3A_384, %swap3A_385] {strides = array<i32>} : memref<224x128xf32, #tpu.memory_space<vmem>>, vector<16xf32>,
    tpu.vector_store %arg9[%swap3A_384, %swap3A_385], %broadcast_in_dim3A_3 {strides = array<i32>} : memref<224x128xf32, #tpu.memory_space<vmem>>, vector<16xf32>,
    %swap3A_387 = arith.constant 212 : i32
    %swap3A_388 = arith.index_cast %swap3A_387 : i32 to index
    %swap3A_389 = arith.constant 0 : index
    %swap3A_390 = tpu.vector_load %arg9[%swap3A_388, %swap3A_389] {strides = array<i32>} : memref<224x128xf32, #tpu.memory_space<vmem>>, vector<16xf32>,
    tpu.vector_store %arg9[%swap3A_388, %swap3A_389], %broadcast_in_dim3A_3 {strides = array<i32>} : memref<224x128xf32, #tpu.memory_space<vmem>>, vector<16xf32>,
    %swap3A_391 = arith.constant 212 : i32
    %swap3A_392 = arith.index_cast %swap3A_391 : i32 to index
    %swap3A_393 = arith.constant 16 : index
    %swap3A_394 = tpu.vector_load %arg9[%swap3A_392, %swap3A_393] {strides = array<i32>} : memref<224x128xf32, #tpu.memory_space<vmem>>, vector<16xf32>,
    tpu.vector_store %arg9[%swap3A_392, %swap3A_393], %broadcast_in_dim3A_3 {strides = array<i32>} : memref<224x128xf32, #tpu.memory_space<vmem>>, vector<16xf32>,
    %swap3A_395 = arith.constant 212 : i32
    %swap3A_396 = arith.index_cast %swap3A_395 : i32 to index
    %swap3A_397 = arith.constant 32 : index
    %swap3A_398 = tpu.vector_load %arg9[%swap3A_396, %swap3A_397] {strides = array<i32>} : memref<224x128xf32, #tpu.memory_space<vmem>>, vector<16xf32>,
    tpu.vector_store %arg9[%swap3A_396, %swap3A_397], %broadcast_in_dim3A_3 {strides = array<i32>} : memref<224x128xf32, #tpu.memory_space<vmem>>, vector<16xf32>,
    %swap3A_399 = arith.constant 212 : i32
    %swap3A_400 = arith.index_cast %swap3A_399 : i32 to index
    %swap3A_401 = arith.constant 48 : index
    %swap3A_402 = tpu.vector_load %arg9[%swap3A_400, %swap3A_401] {strides = array<i32>} : memref<224x128xf32, #tpu.memory_space<vmem>>, vector<16xf32>,
    tpu.vector_store %arg9[%swap3A_400, %swap3A_401], %broadcast_in_dim3A_3 {strides = array<i32>} : memref<224x128xf32, #tpu.memory_space<vmem>>, vector<16xf32>,
    %swap3A_403 = arith.constant 212 : i32
    %swap3A_404 = arith.index_cast %swap3A_403 : i32 to index
    %swap3A_405 = arith.constant 64 : index
    %swap3A_406 = tpu.vector_load %arg9[%swap3A_404, %swap3A_405] {strides = array<i32>} : memref<224x128xf32, #tpu.memory_space<vmem>>, vector<16xf32>,
    tpu.vector_store %arg9[%swap3A_404, %swap3A_405], %broadcast_in_dim3A_3 {strides = array<i32>} : memref<224x128xf32, #tpu.memory_space<vmem>>, vector<16xf32>,
    %swap3A_407 = arith.constant 212 : i32
    %swap3A_408 = arith.index_cast %swap3A_407 : i32 to index
    %swap3A_409 = arith.constant 80 : index
    %swap3A_410 = tpu.vector_load %arg9[%swap3A_408, %swap3A_409] {strides = array<i32>} : memref<224x128xf32, #tpu.memory_space<vmem>>, vector<16xf32>,
    tpu.vector_store %arg9[%swap3A_408, %swap3A_409], %broadcast_in_dim3A_3 {strides = array<i32>} : memref<224x128xf32, #tpu.memory_space<vmem>>, vector<16xf32>,
    %swap3A_411 = arith.constant 212 : i32
    %swap3A_412 = arith.index_cast %swap3A_411 : i32 to index
    %swap3A_413 = arith.constant 96 : index
    %swap3A_414 = tpu.vector_load %arg9[%swap3A_412, %swap3A_413] {strides = array<i32>} : memref<224x128xf32, #tpu.memory_space<vmem>>, vector<16xf32>,
    tpu.vector_store %arg9[%swap3A_412, %swap3A_413], %broadcast_in_dim3A_3 {strides = array<i32>} : memref<224x128xf32, #tpu.memory_space<vmem>>, vector<16xf32>,
    %swap3A_415 = arith.constant 212 : i32
    %swap3A_416 = arith.index_cast %swap3A_415 : i32 to index
    %swap3A_417 = arith.constant 112 : index
    %swap3A_418 = tpu.vector_load %arg9[%swap3A_416, %swap3A_417] {strides = array<i32>} : memref<224x128xf32, #tpu.memory_space<vmem>>, vector<16xf32>,
    tpu.vector_store %arg9[%swap3A_416, %swap3A_417], %broadcast_in_dim3A_3 {strides = array<i32>} : memref<224x128xf32, #tpu.memory_space<vmem>>, vector<16xf32>,
    %swap3A_419 = arith.constant 213 : i32
    %swap3A_420 = arith.index_cast %swap3A_419 : i32 to index
    %swap3A_421 = arith.constant 0 : index
    %swap3A_422 = tpu.vector_load %arg9[%swap3A_420, %swap3A_421] {strides = array<i32>} : memref<224x128xf32, #tpu.memory_space<vmem>>, vector<16xf32>,
    tpu.vector_store %arg9[%swap3A_420, %swap3A_421], %broadcast_in_dim3A_3 {strides = array<i32>} : memref<224x128xf32, #tpu.memory_space<vmem>>, vector<16xf32>,
    %swap3A_423 = arith.constant 213 : i32
    %swap3A_424 = arith.index_cast %swap3A_423 : i32 to index
    %swap3A_425 = arith.constant 16 : index
    %swap3A_426 = tpu.vector_load %arg9[%swap3A_424, %swap3A_425] {strides = array<i32>} : memref<224x128xf32, #tpu.memory_space<vmem>>, vector<16xf32>,
    tpu.vector_store %arg9[%swap3A_424, %swap3A_425], %broadcast_in_dim3A_3 {strides = array<i32>} : memref<224x128xf32, #tpu.memory_space<vmem>>, vector<16xf32>,
    %swap3A_427 = arith.constant 213 : i32
    %swap3A_428 = arith.index_cast %swap3A_427 : i32 to index
    %swap3A_429 = arith.constant 32 : index
    %swap3A_430 = tpu.vector_load %arg9[%swap3A_428, %swap3A_429] {strides = array<i32>} : memref<224x128xf32, #tpu.memory_space<vmem>>, vector<16xf32>,
    tpu.vector_store %arg9[%swap3A_428, %swap3A_429], %broadcast_in_dim3A_3 {strides = array<i32>} : memref<224x128xf32, #tpu.memory_space<vmem>>, vector<16xf32>,
    %swap3A_431 = arith.constant 213 : i32
    %swap3A_432 = arith.index_cast %swap3A_431 : i32 to index
    %swap3A_433 = arith.constant 48 : index
    %swap3A_434 = tpu.vector_load %arg9[%swap3A_432, %swap3A_433] {strides = array<i32>} : memref<224x128xf32, #tpu.memory_space<vmem>>, vector<16xf32>,
    tpu.vector_store %arg9[%swap3A_432, %swap3A_433], %broadcast_in_dim3A_3 {strides = array<i32>} : memref<224x128xf32, #tpu.memory_space<vmem>>, vector<16xf32>,
    %swap3A_435 = arith.constant 213 : i32
    %swap3A_436 = arith.index_cast %swap3A_435 : i32 to index
    %swap3A_437 = arith.constant 64 : index
    %swap3A_438 = tpu.vector_load %arg9[%swap3A_436, %swap3A_437] {strides = array<i32>} : memref<224x128xf32, #tpu.memory_space<vmem>>, vector<16xf32>,
    tpu.vector_store %arg9[%swap3A_436, %swap3A_437], %broadcast_in_dim3A_3 {strides = array<i32>} : memref<224x128xf32, #tpu.memory_space<vmem>>, vector<16xf32>,
    %swap3A_439 = arith.constant 213 : i32
    %swap3A_440 = arith.index_cast %swap3A_439 : i32 to index
    %swap3A_441 = arith.constant 80 : index
    %swap3A_442 = tpu.vector_load %arg9[%swap3A_440, %swap3A_441] {strides = array<i32>} : memref<224x128xf32, #tpu.memory_space<vmem>>, vector<16xf32>,
    tpu.vector_store %arg9[%swap3A_440, %swap3A_441], %broadcast_in_dim3A_3 {strides = array<i32>} : memref<224x128xf32, #tpu.memory_space<vmem>>, vector<16xf32>,
    %swap3A_443 = arith.constant 213 : i32
    %swap3A_444 = arith.index_cast %swap3A_443 : i32 to index
    %swap3A_445 = arith.constant 96 : index
    %swap3A_446 = tpu.vector_load %arg9[%swap3A_444, %swap3A_445] {strides = array<i32>} : memref<224x128xf32, #tpu.memory_space<vmem>>, vector<16xf32>,
    tpu.vector_store %arg9[%swap3A_444, %swap3A_445], %broadcast_in_dim3A_3 {strides = array<i32>} : memref<224x128xf32, #tpu.memory_space<vmem>>, vector<16xf32>,
    %swap3A_447 = arith.constant 213 : i32
    %swap3A_448 = arith.index_cast %swap3A_447 : i32 to index
    %swap3A_449 = arith.constant 112 : index
    %swap3A_450 = tpu.vector_load %arg9[%swap3A_448, %swap3A_449] {strides = array<i32>} : memref<224x128xf32, #tpu.memory_space<vmem>>, vector<16xf32>,
    tpu.vector_store %arg9[%swap3A_448, %swap3A_449], %broadcast_in_dim3A_3 {strides = array<i32>} : memref<224x128xf32, #tpu.memory_space<vmem>>, vector<16xf32>,
    %swap3A_451 = arith.constant 214 : i32
    %swap3A_452 = arith.index_cast %swap3A_451 : i32 to index
    %swap3A_453 = arith.constant 0 : index
    %swap3A_454 = tpu.vector_load %arg9[%swap3A_452, %swap3A_453] {strides = array<i32>} : memref<224x128xf32, #tpu.memory_space<vmem>>, vector<16xf32>,
    tpu.vector_store %arg9[%swap3A_452, %swap3A_453], %broadcast_in_dim3A_3 {strides = array<i32>} : memref<224x128xf32, #tpu.memory_space<vmem>>, vector<16xf32>,
    %swap3A_455 = arith.constant 214 : i32
    %swap3A_456 = arith.index_cast %swap3A_455 : i32 to index
    %swap3A_457 = arith.constant 16 : index
    %swap3A_458 = tpu.vector_load %arg9[%swap3A_456, %swap3A_457] {strides = array<i32>} : memref<224x128xf32, #tpu.memory_space<vmem>>, vector<16xf32>,
    tpu.vector_store %arg9[%swap3A_456, %swap3A_457], %broadcast_in_dim3A_3 {strides = array<i32>} : memref<224x128xf32, #tpu.memory_space<vmem>>, vector<16xf32>,
    %swap3A_459 = arith.constant 214 : i32
    %swap3A_460 = arith.index_cast %swap3A_459 : i32 to index
    %swap3A_461 = arith.constant 32 : index
    %swap3A_462 = tpu.vector_load %arg9[%swap3A_460, %swap3A_461] {strides = array<i32>} : memref<224x128xf32, #tpu.memory_space<vmem>>, vector<16xf32>,
    tpu.vector_store %arg9[%swap3A_460, %swap3A_461], %broadcast_in_dim3A_3 {strides = array<i32>} : memref<224x128xf32, #tpu.memory_space<vmem>>, vector<16xf32>,
    %swap3A_463 = arith.constant 214 : i32
    %swap3A_464 = arith.index_cast %swap3A_463 : i32 to index
    %swap3A_465 = arith.constant 48 : index
    %swap3A_466 = tpu.vector_load %arg9[%swap3A_464, %swap3A_465] {strides = array<i32>} : memref<224x128xf32, #tpu.memory_space<vmem>>, vector<16xf32>,
    tpu.vector_store %arg9[%swap3A_464, %swap3A_465], %broadcast_in_dim3A_3 {strides = array<i32>} : memref<224x128xf32, #tpu.memory_space<vmem>>, vector<16xf32>,
    %swap3A_467 = arith.constant 214 : i32
    %swap3A_468 = arith.index_cast %swap3A_467 : i32 to index
    %swap3A_469 = arith.constant 64 : index
    %swap3A_470 = tpu.vector_load %arg9[%swap3A_468, %swap3A_469] {strides = array<i32>} : memref<224x128xf32, #tpu.memory_space<vmem>>, vector<16xf32>,
    tpu.vector_store %arg9[%swap3A_468, %swap3A_469], %broadcast_in_dim3A_3 {strides = array<i32>} : memref<224x128xf32, #tpu.memory_space<vmem>>, vector<16xf32>,
    %swap3A_471 = arith.constant 214 : i32
    %swap3A_472 = arith.index_cast %swap3A_471 : i32 to index
    %swap3A_473 = arith.constant 80 : index
    %swap3A_474 = tpu.vector_load %arg9[%swap3A_472, %swap3A_473] {strides = array<i32>} : memref<224x128xf32, #tpu.memory_space<vmem>>, vector<16xf32>,
    tpu.vector_store %arg9[%swap3A_472, %swap3A_473], %broadcast_in_dim3A_3 {strides = array<i32>} : memref<224x128xf32, #tpu.memory_space<vmem>>, vector<16xf32>,
    %swap3A_475 = arith.constant 214 : i32
    %swap3A_476 = arith.index_cast %swap3A_475 : i32 to index
    %swap3A_477 = arith.constant 96 : index
    %swap3A_478 = tpu.vector_load %arg9[%swap3A_476, %swap3A_477] {strides = array<i32>} : memref<224x128xf32, #tpu.memory_space<vmem>>, vector<16xf32>,
    tpu.vector_store %arg9[%swap3A_476, %swap3A_477], %broadcast_in_dim3A_3 {strides = array<i32>} : memref<224x128xf32, #tpu.memory_space<vmem>>, vector<16xf32>,
    %swap3A_479 = arith.constant 214 : i32
    %swap3A_480 = arith.index_cast %swap3A_479 : i32 to index
    %swap3A_481 = arith.constant 112 : index
    %swap3A_482 = tpu.vector_load %arg9[%swap3A_480, %swap3A_481] {strides = array<i32>} : memref<224x128xf32, #tpu.memory_space<vmem>>, vector<16xf32>,
    tpu.vector_store %arg9[%swap3A_480, %swap3A_481], %broadcast_in_dim3A_3 {strides = array<i32>} : memref<224x128xf32, #tpu.memory_space<vmem>>, vector<16xf32>,
    %swap3A_483 = arith.constant 215 : i32
    %swap3A_484 = arith.index_cast %swap3A_483 : i32 to index
    %swap3A_485 = arith.constant 0 : index
    %swap3A_486 = tpu.vector_load %arg9[%swap3A_484, %swap3A_485] {strides = array<i32>} : memref<224x128xf32, #tpu.memory_space<vmem>>, vector<16xf32>,
    tpu.vector_store %arg9[%swap3A_484, %swap3A_485], %broadcast_in_dim3A_3 {strides = array<i32>} : memref<224x128xf32, #tpu.memory_space<vmem>>, vector<16xf32>,
    %swap3A_487 = arith.constant 215 : i32
    %swap3A_488 = arith.index_cast %swap3A_487 : i32 to index
    %swap3A_489 = arith.constant 16 : index
    %swap3A_490 = tpu.vector_load %arg9[%swap3A_488, %swap3A_489] {strides = array<i32>} : memref<224x128xf32, #tpu.memory_space<vmem>>, vector<16xf32>,
    tpu.vector_store %arg9[%swap3A_488, %swap3A_489], %broadcast_in_dim3A_3 {strides = array<i32>} : memref<224x128xf32, #tpu.memory_space<vmem>>, vector<16xf32>,
    %swap3A_491 = arith.constant 215 : i32
    %swap3A_492 = arith.index_cast %swap3A_491 : i32 to index
    %swap3A_493 = arith.constant 32 : index
    %swap3A_494 = tpu.vector_load %arg9[%swap3A_492, %swap3A_493] {strides = array<i32>} : memref<224x128xf32, #tpu.memory_space<vmem>>, vector<16xf32>,
    tpu.vector_store %arg9[%swap3A_492, %swap3A_493], %broadcast_in_dim3A_3 {strides = array<i32>} : memref<224x128xf32, #tpu.memory_space<vmem>>, vector<16xf32>,
    %swap3A_495 = arith.constant 215 : i32
    %swap3A_496 = arith.index_cast %swap3A_495 : i32 to index
    %swap3A_497 = arith.constant 48 : index
    %swap3A_498 = tpu.vector_load %arg9[%swap3A_496, %swap3A_497] {strides = array<i32>} : memref<224x128xf32, #tpu.memory_space<vmem>>, vector<16xf32>,
    tpu.vector_store %arg9[%swap3A_496, %swap3A_497], %broadcast_in_dim3A_3 {strides = array<i32>} : memref<224x128xf32, #tpu.memory_space<vmem>>, vector<16xf32>,
    %swap3A_499 = arith.constant 215 : i32
    %swap3A_500 = arith.index_cast %swap3A_499 : i32 to index
    %swap3A_501 = arith.constant 64 : index
    %swap3A_502 = tpu.vector_load %arg9[%swap3A_500, %swap3A_501] {strides = array<i32>} : memref<224x128xf32, #tpu.memory_space<vmem>>, vector<16xf32>,
    tpu.vector_store %arg9[%swap3A_500, %swap3A_501], %broadcast_in_dim3A_3 {strides = array<i32>} : memref<224x128xf32, #tpu.memory_space<vmem>>, vector<16xf32>,
    %swap3A_503 = arith.constant 215 : i32
    %swap3A_504 = arith.index_cast %swap3A_503 : i32 to index
    %swap3A_505 = arith.constant 80 : index
    %swap3A_506 = tpu.vector_load %arg9[%swap3A_504, %swap3A_505] {strides = array<i32>} : memref<224x128xf32, #tpu.memory_space<vmem>>, vector<16xf32>,
    tpu.vector_store %arg9[%swap3A_504, %swap3A_505], %broadcast_in_dim3A_3 {strides = array<i32>} : memref<224x128xf32, #tpu.memory_space<vmem>>, vector<16xf32>,
    %swap3A_507 = arith.constant 215 : i32
    %swap3A_508 = arith.index_cast %swap3A_507 : i32 to index
    %swap3A_509 = arith.constant 96 : index
    %swap3A_510 = tpu.vector_load %arg9[%swap3A_508, %swap3A_509] {strides = array<i32>} : memref<224x128xf32, #tpu.memory_space<vmem>>, vector<16xf32>,
    tpu.vector_store %arg9[%swap3A_508, %swap3A_509], %broadcast_in_dim3A_3 {strides = array<i32>} : memref<224x128xf32, #tpu.memory_space<vmem>>, vector<16xf32>,
    %swap3A_511 = arith.constant 215 : i32
    %swap3A_512 = arith.index_cast %swap3A_511 : i32 to index
    %swap3A_513 = arith.constant 112 : index
    %swap3A_514 = tpu.vector_load %arg9[%swap3A_512, %swap3A_513] {strides = array<i32>} : memref<224x128xf32, #tpu.memory_space<vmem>>, vector<16xf32>,
    tpu.vector_store %arg9[%swap3A_512, %swap3A_513], %broadcast_in_dim3A_3 {strides = array<i32>} : memref<224x128xf32, #tpu.memory_space<vmem>>, vector<16xf32>,
    %swap3A_515 = arith.constant 216 : i32
    %swap3A_516 = arith.index_cast %swap3A_515 : i32 to index
    %swap3A_517 = arith.constant 0 : index
    %swap3A_518 = tpu.vector_load %arg9[%swap3A_516, %swap3A_517] {strides = array<i32>} : memref<224x128xf32, #tpu.memory_space<vmem>>, vector<16xf32>,
    tpu.vector_store %arg9[%swap3A_516, %swap3A_517], %broadcast_in_dim3A_3 {strides = array<i32>} : memref<224x128xf32, #tpu.memory_space<vmem>>, vector<16xf32>,
    %swap3A_519 = arith.constant 216 : i32
    %swap3A_520 = arith.index_cast %swap3A_519 : i32 to index
    %swap3A_521 = arith.constant 16 : index
    %swap3A_522 = tpu.vector_load %arg9[%swap3A_520, %swap3A_521] {strides = array<i32>} : memref<224x128xf32, #tpu.memory_space<vmem>>, vector<16xf32>,
    tpu.vector_store %arg9[%swap3A_520, %swap3A_521], %broadcast_in_dim3A_3 {strides = array<i32>} : memref<224x128xf32, #tpu.memory_space<vmem>>, vector<16xf32>,
    %swap3A_523 = arith.constant 216 : i32
    %swap3A_524 = arith.index_cast %swap3A_523 : i32 to index
    %swap3A_525 = arith.constant 32 : index
    %swap3A_526 = tpu.vector_load %arg9[%swap3A_524, %swap3A_525] {strides = array<i32>} : memref<224x128xf32, #tpu.memory_space<vmem>>, vector<16xf32>,
    tpu.vector_store %arg9[%swap3A_524, %swap3A_525], %broadcast_in_dim3A_3 {strides = array<i32>} : memref<224x128xf32, #tpu.memory_space<vmem>>, vector<16xf32>,
    %swap3A_527 = arith.constant 216 : i32
    %swap3A_528 = arith.index_cast %swap3A_527 : i32 to index
    %swap3A_529 = arith.constant 48 : index
    %swap3A_530 = tpu.vector_load %arg9[%swap3A_528, %swap3A_529] {strides = array<i32>} : memref<224x128xf32, #tpu.memory_space<vmem>>, vector<16xf32>,
    tpu.vector_store %arg9[%swap3A_528, %swap3A_529], %broadcast_in_dim3A_3 {strides = array<i32>} : memref<224x128xf32, #tpu.memory_space<vmem>>, vector<16xf32>,
    %swap3A_531 = arith.constant 216 : i32
    %swap3A_532 = arith.index_cast %swap3A_531 : i32 to index
    %swap3A_533 = arith.constant 64 : index
    %swap3A_534 = tpu.vector_load %arg9[%swap3A_532, %swap3A_533] {strides = array<i32>} : memref<224x128xf32, #tpu.memory_space<vmem>>, vector<16xf32>,
    tpu.vector_store %arg9[%swap3A_532, %swap3A_533], %broadcast_in_dim3A_3 {strides = array<i32>} : memref<224x128xf32, #tpu.memory_space<vmem>>, vector<16xf32>,
    %swap3A_535 = arith.constant 216 : i32
    %swap3A_536 = arith.index_cast %swap3A_535 : i32 to index
    %swap3A_537 = arith.constant 80 : index
    %swap3A_538 = tpu.vector_load %arg9[%swap3A_536, %swap3A_537] {strides = array<i32>} : memref<224x128xf32, #tpu.memory_space<vmem>>, vector<16xf32>,
    tpu.vector_store %arg9[%swap3A_536, %swap3A_537], %broadcast_in_dim3A_3 {strides = array<i32>} : memref<224x128xf32, #tpu.memory_space<vmem>>, vector<16xf32>,
    %swap3A_539 = arith.constant 216 : i32
    %swap3A_540 = arith.index_cast %swap3A_539 : i32 to index
    %swap3A_541 = arith.constant 96 : index
    %swap3A_542 = tpu.vector_load %arg9[%swap3A_540, %swap3A_541] {strides = array<i32>} : memref<224x128xf32, #tpu.memory_space<vmem>>, vector<16xf32>,
    tpu.vector_store %arg9[%swap3A_540, %swap3A_541], %broadcast_in_dim3A_3 {strides = array<i32>} : memref<224x128xf32, #tpu.memory_space<vmem>>, vector<16xf32>,
    %swap3A_543 = arith.constant 216 : i32
    %swap3A_544 = arith.index_cast %swap3A_543 : i32 to index
    %swap3A_545 = arith.constant 112 : index
    %swap3A_546 = tpu.vector_load %arg9[%swap3A_544, %swap3A_545] {strides = array<i32>} : memref<224x128xf32, #tpu.memory_space<vmem>>, vector<16xf32>,
    tpu.vector_store %arg9[%swap3A_544, %swap3A_545], %broadcast_in_dim3A_3 {strides = array<i32>} : memref<224x128xf32, #tpu.memory_space<vmem>>, vector<16xf32>,
    %swap3A_547 = arith.constant 217 : i32
    %swap3A_548 = arith.index_cast %swap3A_547 : i32 to index
    %swap3A_549 = arith.constant 0 : index
    %swap3A_550 = tpu.vector_load %arg9[%swap3A_548, %swap3A_549] {strides = array<i32>} : memref<224x128xf32, #tpu.memory_space<vmem>>, vector<16xf32>,
    tpu.vector_store %arg9[%swap3A_548, %swap3A_549], %broadcast_in_dim3A_3 {strides = array<i32>} : memref<224x128xf32, #tpu.memory_space<vmem>>, vector<16xf32>,
    %swap3A_551 = arith.constant 217 : i32
    %swap3A_552 = arith.index_cast %swap3A_551 : i32 to index
    %swap3A_553 = arith.constant 16 : index
    %swap3A_554 = tpu.vector_load %arg9[%swap3A_552, %swap3A_553] {strides = array<i32>} : memref<224x128xf32, #tpu.memory_space<vmem>>, vector<16xf32>,
    tpu.vector_store %arg9[%swap3A_552, %swap3A_553], %broadcast_in_dim3A_3 {strides = array<i32>} : memref<224x128xf32, #tpu.memory_space<vmem>>, vector<16xf32>,
    %swap3A_555 = arith.constant 217 : i32
    %swap3A_556 = arith.index_cast %swap3A_555 : i32 to index
    %swap3A_557 = arith.constant 32 : index
    %swap3A_558 = tpu.vector_load %arg9[%swap3A_556, %swap3A_557] {strides = array<i32>} : memref<224x128xf32, #tpu.memory_space<vmem>>, vector<16xf32>,
    tpu.vector_store %arg9[%swap3A_556, %swap3A_557], %broadcast_in_dim3A_3 {strides = array<i32>} : memref<224x128xf32, #tpu.memory_space<vmem>>, vector<16xf32>,
    %swap3A_559 = arith.constant 217 : i32
    %swap3A_560 = arith.index_cast %swap3A_559 : i32 to index
    %swap3A_561 = arith.constant 48 : index
    %swap3A_562 = tpu.vector_load %arg9[%swap3A_560, %swap3A_561] {strides = array<i32>} : memref<224x128xf32, #tpu.memory_space<vmem>>, vector<16xf32>,
    tpu.vector_store %arg9[%swap3A_560, %swap3A_561], %broadcast_in_dim3A_3 {strides = array<i32>} : memref<224x128xf32, #tpu.memory_space<vmem>>, vector<16xf32>,
    %swap3A_563 = arith.constant 217 : i32
    %swap3A_564 = arith.index_cast %swap3A_563 : i32 to index
    %swap3A_565 = arith.constant 64 : index
    %swap3A_566 = tpu.vector_load %arg9[%swap3A_564, %swap3A_565] {strides = array<i32>} : memref<224x128xf32, #tpu.memory_space<vmem>>, vector<16xf32>,
    tpu.vector_store %arg9[%swap3A_564, %swap3A_565], %broadcast_in_dim3A_3 {strides = array<i32>} : memref<224x128xf32, #tpu.memory_space<vmem>>, vector<16xf32>,
    %swap3A_567 = arith.constant 217 : i32
    %swap3A_568 = arith.index_cast %swap3A_567 : i32 to index
    %swap3A_569 = arith.constant 80 : index
    %swap3A_570 = tpu.vector_load %arg9[%swap3A_568, %swap3A_569] {strides = array<i32>} : memref<224x128xf32, #tpu.memory_space<vmem>>, vector<16xf32>,
    tpu.vector_store %arg9[%swap3A_568, %swap3A_569], %broadcast_in_dim3A_3 {strides = array<i32>} : memref<224x128xf32, #tpu.memory_space<vmem>>, vector<16xf32>,
    %swap3A_571 = arith.constant 217 : i32
    %swap3A_572 = arith.index_cast %swap3A_571 : i32 to index
    %swap3A_573 = arith.constant 96 : index
    %swap3A_574 = tpu.vector_load %arg9[%swap3A_572, %swap3A_573] {strides = array<i32>} : memref<224x128xf32, #tpu.memory_space<vmem>>, vector<16xf32>,
    tpu.vector_store %arg9[%swap3A_572, %swap3A_573], %broadcast_in_dim3A_3 {strides = array<i32>} : memref<224x128xf32, #tpu.memory_space<vmem>>, vector<16xf32>,
    %swap3A_575 = arith.constant 217 : i32
    %swap3A_576 = arith.index_cast %swap3A_575 : i32 to index
    %swap3A_577 = arith.constant 112 : index
    %swap3A_578 = tpu.vector_load %arg9[%swap3A_576, %swap3A_577] {strides = array<i32>} : memref<224x128xf32, #tpu.memory_space<vmem>>, vector<16xf32>,
    tpu.vector_store %arg9[%swap3A_576, %swap3A_577], %broadcast_in_dim3A_3 {strides = array<i32>} : memref<224x128xf32, #tpu.memory_space<vmem>>, vector<16xf32>,
    %swap3A_579 = arith.constant 218 : i32
    %swap3A_580 = arith.index_cast %swap3A_579 : i32 to index
    %swap3A_581 = arith.constant 0 : index
    %swap3A_582 = tpu.vector_load %arg9[%swap3A_580, %swap3A_581] {strides = array<i32>} : memref<224x128xf32, #tpu.memory_space<vmem>>, vector<16xf32>,
    tpu.vector_store %arg9[%swap3A_580, %swap3A_581], %broadcast_in_dim3A_3 {strides = array<i32>} : memref<224x128xf32, #tpu.memory_space<vmem>>, vector<16xf32>,
    %swap3A_583 = arith.constant 218 : i32
    %swap3A_584 = arith.index_cast %swap3A_583 : i32 to index
    %swap3A_585 = arith.constant 16 : index
    %swap3A_586 = tpu.vector_load %arg9[%swap3A_584, %swap3A_585] {strides = array<i32>} : memref<224x128xf32, #tpu.memory_space<vmem>>, vector<16xf32>,
    tpu.vector_store %arg9[%swap3A_584, %swap3A_585], %broadcast_in_dim3A_3 {strides = array<i32>} : memref<224x128xf32, #tpu.memory_space<vmem>>, vector<16xf32>,
    %swap3A_587 = arith.constant 218 : i32
    %swap3A_588 = arith.index_cast %swap3A_587 : i32 to index
    %swap3A_589 = arith.constant 32 : index
    %swap3A_590 = tpu.vector_load %arg9[%swap3A_588, %swap3A_589] {strides = array<i32>} : memref<224x128xf32, #tpu.memory_space<vmem>>, vector<16xf32>,
    tpu.vector_store %arg9[%swap3A_588, %swap3A_589], %broadcast_in_dim3A_3 {strides = array<i32>} : memref<224x128xf32, #tpu.memory_space<vmem>>, vector<16xf32>,
    %swap3A_591 = arith.constant 218 : i32
    %swap3A_592 = arith.index_cast %swap3A_591 : i32 to index
    %swap3A_593 = arith.constant 48 : index
    %swap3A_594 = tpu.vector_load %arg9[%swap3A_592, %swap3A_593] {strides = array<i32>} : memref<224x128xf32, #tpu.memory_space<vmem>>, vector<16xf32>,
    tpu.vector_store %arg9[%swap3A_592, %swap3A_593], %broadcast_in_dim3A_3 {strides = array<i32>} : memref<224x128xf32, #tpu.memory_space<vmem>>, vector<16xf32>,
    %swap3A_595 = arith.constant 218 : i32
    %swap3A_596 = arith.index_cast %swap3A_595 : i32 to index
    %swap3A_597 = arith.constant 64 : index
    %swap3A_598 = tpu.vector_load %arg9[%swap3A_596, %swap3A_597] {strides = array<i32>} : memref<224x128xf32, #tpu.memory_space<vmem>>, vector<16xf32>,
    tpu.vector_store %arg9[%swap3A_596, %swap3A_597], %broadcast_in_dim3A_3 {strides = array<i32>} : memref<224x128xf32, #tpu.memory_space<vmem>>, vector<16xf32>,
    %swap3A_599 = arith.constant 218 : i32
    %swap3A_600 = arith.index_cast %swap3A_599 : i32 to index
    %swap3A_601 = arith.constant 80 : index
    %swap3A_602 = tpu.vector_load %arg9[%swap3A_600, %swap3A_601] {strides = array<i32>} : memref<224x128xf32, #tpu.memory_space<vmem>>, vector<16xf32>,
    tpu.vector_store %arg9[%swap3A_600, %swap3A_601], %broadcast_in_dim3A_3 {strides = array<i32>} : memref<224x128xf32, #tpu.memory_space<vmem>>, vector<16xf32>,
    %swap3A_603 = arith.constant 218 : i32
    %swap3A_604 = arith.index_cast %swap3A_603 : i32 to index
    %swap3A_605 = arith.constant 96 : index
    %swap3A_606 = tpu.vector_load %arg9[%swap3A_604, %swap3A_605] {strides = array<i32>} : memref<224x128xf32, #tpu.memory_space<vmem>>, vector<16xf32>,
    tpu.vector_store %arg9[%swap3A_604, %swap3A_605], %broadcast_in_dim3A_3 {strides = array<i32>} : memref<224x128xf32, #tpu.memory_space<vmem>>, vector<16xf32>,
    %swap3A_607 = arith.constant 218 : i32
    %swap3A_608 = arith.index_cast %swap3A_607 : i32 to index
    %swap3A_609 = arith.constant 112 : index
    %swap3A_610 = tpu.vector_load %arg9[%swap3A_608, %swap3A_609] {strides = array<i32>} : memref<224x128xf32, #tpu.memory_space<vmem>>, vector<16xf32>,
    tpu.vector_store %arg9[%swap3A_608, %swap3A_609], %broadcast_in_dim3A_3 {strides = array<i32>} : memref<224x128xf32, #tpu.memory_space<vmem>>, vector<16xf32>,
    %swap3A_611 = arith.constant 219 : i32
    %swap3A_612 = arith.index_cast %swap3A_611 : i32 to index
    %swap3A_613 = arith.constant 0 : index
    %swap3A_614 = tpu.vector_load %arg9[%swap3A_612, %swap3A_613] {strides = array<i32>} : memref<224x128xf32, #tpu.memory_space<vmem>>, vector<16xf32>,
    tpu.vector_store %arg9[%swap3A_612, %swap3A_613], %broadcast_in_dim3A_3 {strides = array<i32>} : memref<224x128xf32, #tpu.memory_space<vmem>>, vector<16xf32>,
    %swap3A_615 = arith.constant 219 : i32
    %swap3A_616 = arith.index_cast %swap3A_615 : i32 to index
    %swap3A_617 = arith.constant 16 : index
    %swap3A_618 = tpu.vector_load %arg9[%swap3A_616, %swap3A_617] {strides = array<i32>} : memref<224x128xf32, #tpu.memory_space<vmem>>, vector<16xf32>,
    tpu.vector_store %arg9[%swap3A_616, %swap3A_617], %broadcast_in_dim3A_3 {strides = array<i32>} : memref<224x128xf32, #tpu.memory_space<vmem>>, vector<16xf32>,
    %swap3A_619 = arith.constant 219 : i32
    %swap3A_620 = arith.index_cast %swap3A_619 : i32 to index
    %swap3A_621 = arith.constant 32 : index
    %swap3A_622 = tpu.vector_load %arg9[%swap3A_620, %swap3A_621] {strides = array<i32>} : memref<224x128xf32, #tpu.memory_space<vmem>>, vector<16xf32>,
    tpu.vector_store %arg9[%swap3A_620, %swap3A_621], %broadcast_in_dim3A_3 {strides = array<i32>} : memref<224x128xf32, #tpu.memory_space<vmem>>, vector<16xf32>,
    %swap3A_623 = arith.constant 219 : i32
    %swap3A_624 = arith.index_cast %swap3A_623 : i32 to index
    %swap3A_625 = arith.constant 48 : index
    %swap3A_626 = tpu.vector_load %arg9[%swap3A_624, %swap3A_625] {strides = array<i32>} : memref<224x128xf32, #tpu.memory_space<vmem>>, vector<16xf32>,
    tpu.vector_store %arg9[%swap3A_624, %swap3A_625], %broadcast_in_dim3A_3 {strides = array<i32>} : memref<224x128xf32, #tpu.memory_space<vmem>>, vector<16xf32>,
    %swap3A_627 = arith.constant 219 : i32
    %swap3A_628 = arith.index_cast %swap3A_627 : i32 to index
    %swap3A_629 = arith.constant 64 : index
    %swap3A_630 = tpu.vector_load %arg9[%swap3A_628, %swap3A_629] {strides = array<i32>} : memref<224x128xf32, #tpu.memory_space<vmem>>, vector<16xf32>,
    tpu.vector_store %arg9[%swap3A_628, %swap3A_629], %broadcast_in_dim3A_3 {strides = array<i32>} : memref<224x128xf32, #tpu.memory_space<vmem>>, vector<16xf32>,
    %swap3A_631 = arith.constant 219 : i32
    %swap3A_632 = arith.index_cast %swap3A_631 : i32 to index
    %swap3A_633 = arith.constant 80 : index
    %swap3A_634 = tpu.vector_load %arg9[%swap3A_632, %swap3A_633] {strides = array<i32>} : memref<224x128xf32, #tpu.memory_space<vmem>>, vector<16xf32>,
    tpu.vector_store %arg9[%swap3A_632, %swap3A_633], %broadcast_in_dim3A_3 {strides = array<i32>} : memref<224x128xf32, #tpu.memory_space<vmem>>, vector<16xf32>,
    %swap3A_635 = arith.constant 219 : i32
    %swap3A_636 = arith.index_cast %swap3A_635 : i32 to index
    %swap3A_637 = arith.constant 96 : index
    %swap3A_638 = tpu.vector_load %arg9[%swap3A_636, %swap3A_637] {strides = array<i32>} : memref<224x128xf32, #tpu.memory_space<vmem>>, vector<16xf32>,
    tpu.vector_store %arg9[%swap3A_636, %swap3A_637], %broadcast_in_dim3A_3 {strides = array<i32>} : memref<224x128xf32, #tpu.memory_space<vmem>>, vector<16xf32>,
    %swap3A_639 = arith.constant 219 : i32
    %swap3A_640 = arith.index_cast %swap3A_639 : i32 to index
    %swap3A_641 = arith.constant 112 : index
    %swap3A_642 = tpu.vector_load %arg9[%swap3A_640, %swap3A_641] {strides = array<i32>} : memref<224x128xf32, #tpu.memory_space<vmem>>, vector<16xf32>,
    tpu.vector_store %arg9[%swap3A_640, %swap3A_641], %broadcast_in_dim3A_3 {strides = array<i32>} : memref<224x128xf32, #tpu.memory_space<vmem>>, vector<16xf32>,
    %swap3A_643 = arith.constant 220 : i32
    %swap3A_644 = arith.index_cast %swap3A_643 : i32 to index
    %swap3A_645 = arith.constant 0 : index
    %swap3A_646 = tpu.vector_load %arg9[%swap3A_644, %swap3A_645] {strides = array<i32>} : memref<224x128xf32, #tpu.memory_space<vmem>>, vector<16xf32>,
    tpu.vector_store %arg9[%swap3A_644, %swap3A_645], %broadcast_in_dim3A_3 {strides = array<i32>} : memref<224x128xf32, #tpu.memory_space<vmem>>, vector<16xf32>,
    %swap3A_647 = arith.constant 220 : i32
    %swap3A_648 = arith.index_cast %swap3A_647 : i32 to index
    %swap3A_649 = arith.constant 16 : index
    %swap3A_650 = tpu.vector_load %arg9[%swap3A_648, %swap3A_649] {strides = array<i32>} : memref<224x128xf32, #tpu.memory_space<vmem>>, vector<16xf32>,
    tpu.vector_store %arg9[%swap3A_648, %swap3A_649], %broadcast_in_dim3A_3 {strides = array<i32>} : memref<224x128xf32, #tpu.memory_space<vmem>>, vector<16xf32>,
    %swap3A_651 = arith.constant 220 : i32
    %swap3A_652 = arith.index_cast %swap3A_651 : i32 to index
    %swap3A_653 = arith.constant 32 : index
    %swap3A_654 = tpu.vector_load %arg9[%swap3A_652, %swap3A_653] {strides = array<i32>} : memref<224x128xf32, #tpu.memory_space<vmem>>, vector<16xf32>,
    tpu.vector_store %arg9[%swap3A_652, %swap3A_653], %broadcast_in_dim3A_3 {strides = array<i32>} : memref<224x128xf32, #tpu.memory_space<vmem>>, vector<16xf32>,
    %swap3A_655 = arith.constant 220 : i32
    %swap3A_656 = arith.index_cast %swap3A_655 : i32 to index
    %swap3A_657 = arith.constant 48 : index
    %swap3A_658 = tpu.vector_load %arg9[%swap3A_656, %swap3A_657] {strides = array<i32>} : memref<224x128xf32, #tpu.memory_space<vmem>>, vector<16xf32>,
    tpu.vector_store %arg9[%swap3A_656, %swap3A_657], %broadcast_in_dim3A_3 {strides = array<i32>} : memref<224x128xf32, #tpu.memory_space<vmem>>, vector<16xf32>,
    %swap3A_659 = arith.constant 220 : i32
    %swap3A_660 = arith.index_cast %swap3A_659 : i32 to index
    %swap3A_661 = arith.constant 64 : index
    %swap3A_662 = tpu.vector_load %arg9[%swap3A_660, %swap3A_661] {strides = array<i32>} : memref<224x128xf32, #tpu.memory_space<vmem>>, vector<16xf32>,
    tpu.vector_store %arg9[%swap3A_660, %swap3A_661], %broadcast_in_dim3A_3 {strides = array<i32>} : memref<224x128xf32, #tpu.memory_space<vmem>>, vector<16xf32>,
    %swap3A_663 = arith.constant 220 : i32
    %swap3A_664 = arith.index_cast %swap3A_663 : i32 to index
    %swap3A_665 = arith.constant 80 : index
    %swap3A_666 = tpu.vector_load %arg9[%swap3A_664, %swap3A_665] {strides = array<i32>} : memref<224x128xf32, #tpu.memory_space<vmem>>, vector<16xf32>,
    tpu.vector_store %arg9[%swap3A_664, %swap3A_665], %broadcast_in_dim3A_3 {strides = array<i32>} : memref<224x128xf32, #tpu.memory_space<vmem>>, vector<16xf32>,
    %swap3A_667 = arith.constant 220 : i32
    %swap3A_668 = arith.index_cast %swap3A_667 : i32 to index
    %swap3A_669 = arith.constant 96 : index
    %swap3A_670 = tpu.vector_load %arg9[%swap3A_668, %swap3A_669] {strides = array<i32>} : memref<224x128xf32, #tpu.memory_space<vmem>>, vector<16xf32>,
    tpu.vector_store %arg9[%swap3A_668, %swap3A_669], %broadcast_in_dim3A_3 {strides = array<i32>} : memref<224x128xf32, #tpu.memory_space<vmem>>, vector<16xf32>,
    %swap3A_671 = arith.constant 220 : i32
    %swap3A_672 = arith.index_cast %swap3A_671 : i32 to index
    %swap3A_673 = arith.constant 112 : index
    %swap3A_674 = tpu.vector_load %arg9[%swap3A_672, %swap3A_673] {strides = array<i32>} : memref<224x128xf32, #tpu.memory_space<vmem>>, vector<16xf32>,
    tpu.vector_store %arg9[%swap3A_672, %swap3A_673], %broadcast_in_dim3A_3 {strides = array<i32>} : memref<224x128xf32, #tpu.memory_space<vmem>>, vector<16xf32>,
    %swap3A_675 = arith.constant 221 : i32
    %swap3A_676 = arith.index_cast %swap3A_675 : i32 to index
    %swap3A_677 = arith.constant 0 : index
    %swap3A_678 = tpu.vector_load %arg9[%swap3A_676, %swap3A_677] {strides = array<i32>} : memref<224x128xf32, #tpu.memory_space<vmem>>, vector<16xf32>,
    tpu.vector_store %arg9[%swap3A_676, %swap3A_677], %broadcast_in_dim3A_3 {strides = array<i32>} : memref<224x128xf32, #tpu.memory_space<vmem>>, vector<16xf32>,
    %swap3A_679 = arith.constant 221 : i32
    %swap3A_680 = arith.index_cast %swap3A_679 : i32 to index
    %swap3A_681 = arith.constant 16 : index
    %swap3A_682 = tpu.vector_load %arg9[%swap3A_680, %swap3A_681] {strides = array<i32>} : memref<224x128xf32, #tpu.memory_space<vmem>>, vector<16xf32>,
    tpu.vector_store %arg9[%swap3A_680, %swap3A_681], %broadcast_in_dim3A_3 {strides = array<i32>} : memref<224x128xf32, #tpu.memory_space<vmem>>, vector<16xf32>,
    %swap3A_683 = arith.constant 221 : i32
    %swap3A_684 = arith.index_cast %swap3A_683 : i32 to index
    %swap3A_685 = arith.constant 32 : index
    %swap3A_686 = tpu.vector_load %arg9[%swap3A_684, %swap3A_685] {strides = array<i32>} : memref<224x128xf32, #tpu.memory_space<vmem>>, vector<16xf32>,
    tpu.vector_store %arg9[%swap3A_684, %swap3A_685], %broadcast_in_dim3A_3 {strides = array<i32>} : memref<224x128xf32, #tpu.memory_space<vmem>>, vector<16xf32>,
    %swap3A_687 = arith.constant 221 : i32
    %swap3A_688 = arith.index_cast %swap3A_687 : i32 to index
    %swap3A_689 = arith.constant 48 : index
    %swap3A_690 = tpu.vector_load %arg9[%swap3A_688, %swap3A_689] {strides = array<i32>} : memref<224x128xf32, #tpu.memory_space<vmem>>, vector<16xf32>,
    tpu.vector_store %arg9[%swap3A_688, %swap3A_689], %broadcast_in_dim3A_3 {strides = array<i32>} : memref<224x128xf32, #tpu.memory_space<vmem>>, vector<16xf32>,
    %swap3A_691 = arith.constant 221 : i32
    %swap3A_692 = arith.index_cast %swap3A_691 : i32 to index
    %swap3A_693 = arith.constant 64 : index
    %swap3A_694 = tpu.vector_load %arg9[%swap3A_692, %swap3A_693] {strides = array<i32>} : memref<224x128xf32, #tpu.memory_space<vmem>>, vector<16xf32>,
    tpu.vector_store %arg9[%swap3A_692, %swap3A_693], %broadcast_in_dim3A_3 {strides = array<i32>} : memref<224x128xf32, #tpu.memory_space<vmem>>, vector<16xf32>,
    %swap3A_695 = arith.constant 221 : i32
    %swap3A_696 = arith.index_cast %swap3A_695 : i32 to index
    %swap3A_697 = arith.constant 80 : index
    %swap3A_698 = tpu.vector_load %arg9[%swap3A_696, %swap3A_697] {strides = array<i32>} : memref<224x128xf32, #tpu.memory_space<vmem>>, vector<16xf32>,
    tpu.vector_store %arg9[%swap3A_696, %swap3A_697], %broadcast_in_dim3A_3 {strides = array<i32>} : memref<224x128xf32, #tpu.memory_space<vmem>>, vector<16xf32>,
    %swap3A_699 = arith.constant 221 : i32
    %swap3A_700 = arith.index_cast %swap3A_699 : i32 to index
    %swap3A_701 = arith.constant 96 : index
    %swap3A_702 = tpu.vector_load %arg9[%swap3A_700, %swap3A_701] {strides = array<i32>} : memref<224x128xf32, #tpu.memory_space<vmem>>, vector<16xf32>,
    tpu.vector_store %arg9[%swap3A_700, %swap3A_701], %broadcast_in_dim3A_3 {strides = array<i32>} : memref<224x128xf32, #tpu.memory_space<vmem>>, vector<16xf32>,
    %swap3A_703 = arith.constant 221 : i32
    %swap3A_704 = arith.index_cast %swap3A_703 : i32 to index
    %swap3A_705 = arith.constant 112 : index
    %swap3A_706 = tpu.vector_load %arg9[%swap3A_704, %swap3A_705] {strides = array<i32>} : memref<224x128xf32, #tpu.memory_space<vmem>>, vector<16xf32>,
    tpu.vector_store %arg9[%swap3A_704, %swap3A_705], %broadcast_in_dim3A_3 {strides = array<i32>} : memref<224x128xf32, #tpu.memory_space<vmem>>, vector<16xf32>,
    %swap3A_707 = arith.constant 222 : i32
    %swap3A_708 = arith.index_cast %swap3A_707 : i32 to index
    %swap3A_709 = arith.constant 0 : index
    %swap3A_710 = tpu.vector_load %arg9[%swap3A_708, %swap3A_709] {strides = array<i32>} : memref<224x128xf32, #tpu.memory_space<vmem>>, vector<16xf32>,
    tpu.vector_store %arg9[%swap3A_708, %swap3A_709], %broadcast_in_dim3A_3 {strides = array<i32>} : memref<224x128xf32, #tpu.memory_space<vmem>>, vector<16xf32>,
    %swap3A_711 = arith.constant 222 : i32
    %swap3A_712 = arith.index_cast %swap3A_711 : i32 to index
    %swap3A_713 = arith.constant 16 : index
    %swap3A_714 = tpu.vector_load %arg9[%swap3A_712, %swap3A_713] {strides = array<i32>} : memref<224x128xf32, #tpu.memory_space<vmem>>, vector<16xf32>,
    tpu.vector_store %arg9[%swap3A_712, %swap3A_713], %broadcast_in_dim3A_3 {strides = array<i32>} : memref<224x128xf32, #tpu.memory_space<vmem>>, vector<16xf32>,
    %swap3A_715 = arith.constant 222 : i32
    %swap3A_716 = arith.index_cast %swap3A_715 : i32 to index
    %swap3A_717 = arith.constant 32 : index
    %swap3A_718 = tpu.vector_load %arg9[%swap3A_716, %swap3A_717] {strides = array<i32>} : memref<224x128xf32, #tpu.memory_space<vmem>>, vector<16xf32>,
    tpu.vector_store %arg9[%swap3A_716, %swap3A_717], %broadcast_in_dim3A_3 {strides = array<i32>} : memref<224x128xf32, #tpu.memory_space<vmem>>, vector<16xf32>,
    %swap3A_719 = arith.constant 222 : i32
    %swap3A_720 = arith.index_cast %swap3A_719 : i32 to index
    %swap3A_721 = arith.constant 48 : index
    %swap3A_722 = tpu.vector_load %arg9[%swap3A_720, %swap3A_721] {strides = array<i32>} : memref<224x128xf32, #tpu.memory_space<vmem>>, vector<16xf32>,
    tpu.vector_store %arg9[%swap3A_720, %swap3A_721], %broadcast_in_dim3A_3 {strides = array<i32>} : memref<224x128xf32, #tpu.memory_space<vmem>>, vector<16xf32>,
    %swap3A_723 = arith.constant 222 : i32
    %swap3A_724 = arith.index_cast %swap3A_723 : i32 to index
    %swap3A_725 = arith.constant 64 : index
    %swap3A_726 = tpu.vector_load %arg9[%swap3A_724, %swap3A_725] {strides = array<i32>} : memref<224x128xf32, #tpu.memory_space<vmem>>, vector<16xf32>,
    tpu.vector_store %arg9[%swap3A_724, %swap3A_725], %broadcast_in_dim3A_3 {strides = array<i32>} : memref<224x128xf32, #tpu.memory_space<vmem>>, vector<16xf32>,
    %swap3A_727 = arith.constant 222 : i32
    %swap3A_728 = arith.index_cast %swap3A_727 : i32 to index
    %swap3A_729 = arith.constant 80 : index
    %swap3A_730 = tpu.vector_load %arg9[%swap3A_728, %swap3A_729] {strides = array<i32>} : memref<224x128xf32, #tpu.memory_space<vmem>>, vector<16xf32>,
    tpu.vector_store %arg9[%swap3A_728, %swap3A_729], %broadcast_in_dim3A_3 {strides = array<i32>} : memref<224x128xf32, #tpu.memory_space<vmem>>, vector<16xf32>,
    %swap3A_731 = arith.constant 222 : i32
    %swap3A_732 = arith.index_cast %swap3A_731 : i32 to index
    %swap3A_733 = arith.constant 96 : index
    %swap3A_734 = tpu.vector_load %arg9[%swap3A_732, %swap3A_733] {strides = array<i32>} : memref<224x128xf32, #tpu.memory_space<vmem>>, vector<16xf32>,
    tpu.vector_store %arg9[%swap3A_732, %swap3A_733], %broadcast_in_dim3A_3 {strides = array<i32>} : memref<224x128xf32, #tpu.memory_space<vmem>>, vector<16xf32>,
    %swap3A_735 = arith.constant 222 : i32
    %swap3A_736 = arith.index_cast %swap3A_735 : i32 to index
    %swap3A_737 = arith.constant 112 : index
    %swap3A_738 = tpu.vector_load %arg9[%swap3A_736, %swap3A_737] {strides = array<i32>} : memref<224x128xf32, #tpu.memory_space<vmem>>, vector<16xf32>,
    tpu.vector_store %arg9[%swap3A_736, %swap3A_737], %broadcast_in_dim3A_3 {strides = array<i32>} : memref<224x128xf32, #tpu.memory_space<vmem>>, vector<16xf32>,
    %swap3A_739 = arith.constant 223 : i32
    %swap3A_740 = arith.index_cast %swap3A_739 : i32 to index
    %swap3A_741 = arith.constant 0 : index
    %swap3A_742 = tpu.vector_load %arg9[%swap3A_740, %swap3A_741] {strides = array<i32>} : memref<224x128xf32, #tpu.memory_space<vmem>>, vector<16xf32>,
    tpu.vector_store %arg9[%swap3A_740, %swap3A_741], %broadcast_in_dim3A_3 {strides = array<i32>} : memref<224x128xf32, #tpu.memory_space<vmem>>, vector<16xf32>,
    %swap3A_743 = arith.constant 223 : i32
    %swap3A_744 = arith.index_cast %swap3A_743 : i32 to index
    %swap3A_745 = arith.constant 16 : index
    %swap3A_746 = tpu.vector_load %arg9[%swap3A_744, %swap3A_745] {strides = array<i32>} : memref<224x128xf32, #tpu.memory_space<vmem>>, vector<16xf32>,
    tpu.vector_store %arg9[%swap3A_744, %swap3A_745], %broadcast_in_dim3A_3 {strides = array<i32>} : memref<224x128xf32, #tpu.memory_space<vmem>>, vector<16xf32>,
    %swap3A_747 = arith.constant 223 : i32
    %swap3A_748 = arith.index_cast %swap3A_747 : i32 to index
    %swap3A_749 = arith.constant 32 : index
    %swap3A_750 = tpu.vector_load %arg9[%swap3A_748, %swap3A_749] {strides = array<i32>} : memref<224x128xf32, #tpu.memory_space<vmem>>, vector<16xf32>,
    tpu.vector_store %arg9[%swap3A_748, %swap3A_749], %broadcast_in_dim3A_3 {strides = array<i32>} : memref<224x128xf32, #tpu.memory_space<vmem>>, vector<16xf32>,
    %swap3A_751 = arith.constant 223 : i32
    %swap3A_752 = arith.index_cast %swap3A_751 : i32 to index
    %swap3A_753 = arith.constant 48 : index
    %swap3A_754 = tpu.vector_load %arg9[%swap3A_752, %swap3A_753] {strides = array<i32>} : memref<224x128xf32, #tpu.memory_space<vmem>>, vector<16xf32>,
    tpu.vector_store %arg9[%swap3A_752, %swap3A_753], %broadcast_in_dim3A_3 {strides = array<i32>} : memref<224x128xf32, #tpu.memory_space<vmem>>, vector<16xf32>,
    %swap3A_755 = arith.constant 223 : i32
    %swap3A_756 = arith.index_cast %swap3A_755 : i32 to index
    %swap3A_757 = arith.constant 64 : index
    %swap3A_758 = tpu.vector_load %arg9[%swap3A_756, %swap3A_757] {strides = array<i32>} : memref<224x128xf32, #tpu.memory_space<vmem>>, vector<16xf32>,
    tpu.vector_store %arg9[%swap3A_756, %swap3A_757], %broadcast_in_dim3A_3 {strides = array<i32>} : memref<224x128xf32, #tpu.memory_space<vmem>>, vector<16xf32>,
    %swap3A_759 = arith.constant 223 : i32
    %swap3A_760 = arith.index_cast %swap3A_759 : i32 to index
    %swap3A_761 = arith.constant 80 : index
    %swap3A_762 = tpu.vector_load %arg9[%swap3A_760, %swap3A_761] {strides = array<i32>} : memref<224x128xf32, #tpu.memory_space<vmem>>, vector<16xf32>,
    tpu.vector_store %arg9[%swap3A_760, %swap3A_761], %broadcast_in_dim3A_3 {strides = array<i32>} : memref<224x128xf32, #tpu.memory_space<vmem>>, vector<16xf32>,
    %swap3A_763 = arith.constant 223 : i32
    %swap3A_764 = arith.index_cast %swap3A_763 : i32 to index
    %swap3A_765 = arith.constant 96 : index
    %swap3A_766 = tpu.vector_load %arg9[%swap3A_764, %swap3A_765] {strides = array<i32>} : memref<224x128xf32, #tpu.memory_space<vmem>>, vector<16xf32>,
    tpu.vector_store %arg9[%swap3A_764, %swap3A_765], %broadcast_in_dim3A_3 {strides = array<i32>} : memref<224x128xf32, #tpu.memory_space<vmem>>, vector<16xf32>,
    %swap3A_767 = arith.constant 223 : i32
    %swap3A_768 = arith.index_cast %swap3A_767 : i32 to index
    %swap3A_769 = arith.constant 112 : index
    %swap3A_770 = tpu.vector_load %arg9[%swap3A_768, %swap3A_769] {strides = array<i32>} : memref<224x128xf32, #tpu.memory_space<vmem>>, vector<16xf32>,
    tpu.vector_store %arg9[%swap3A_768, %swap3A_769], %broadcast_in_dim3A_3 {strides = array<i32>} : memref<224x128xf32, #tpu.memory_space<vmem>>, vector<16xf32>,
    %scan3A = arith.constant 0 : i32
    %scan3A_771 = arith.constant 0 : i32
    %scan3A_772 = arith.constant 8 : i32
    %scan3A_773 = arith.addi %scan3A_771, %scan3A_772 : i32
    %scan3A_774 = arith.constant 1 : i32
    scf.for %scan3A_776 = %scan3A_771 to %scan3A_773 step %scan3A_774  : i32 {
      %mul3A_777 = arith.constant 16 : i32
      %mul3A_778 = arith.muli %scan3A_776, %mul3A_777 : i32
      %add3A_779 = arith.addi %mul3A_2, %mul3A_778 : i32
      "tpu.region"() ({
        %run_scoped3A = tpu.sem_alloc : memref<!tpu.dma_semaphore, #tpu.memory_space<semaphore_mem>>
        %dma_start3A = arith.constant 0 : i32
        %dma_start3A_786 = arith.constant 0 : i32
        %dma_start3A_787 = tpu.memref_slice %arg2[%add3A_779, %dma_start3A, %dma_start3A_786] : memref<4096x4x100xi32, #tpu.memory_space<hbm>> -> memref<16x4x100xi32, #tpu.memory_space<hbm>>
        %dma_start3A_788 = arith.constant 0 : i32
        %dma_start3A_789 = arith.constant 0 : i32
        %dma_start3A_790 = tpu.memref_slice %arg2[%add3A_779, %dma_start3A_788, %dma_start3A_789] : memref<4096x4x100xi32, #tpu.memory_space<hbm>> -> memref<16x4x100xi32, #tpu.memory_space<hbm>>
        tpu.enqueue_dma source(%dma_start3A_790 : memref<16x4x100xi32, #tpu.memory_space<hbm>>) target(%arg7 : memref<16x4x100xi32, #tpu.memory_space<vmem>>) target_semaphore(%run_scoped3A : memref<!tpu.dma_semaphore, #tpu.memory_space<semaphore_mem>>)
        %dma_wait3A = arith.constant 0 : i32
        %dma_wait3A_791 = arith.constant 0 : i32
        %dma_wait3A_792 = tpu.memref_slice %arg2[%add3A_779, %dma_wait3A, %dma_wait3A_791] : memref<4096x4x100xi32, #tpu.memory_space<hbm>> -> memref<16x4x100xi32, #tpu.memory_space<hbm>>
        %dma_wait3A_793 = arith.constant 0 : i32
        %dma_wait3A_794 = arith.constant 0 : i32
        %dma_wait3A_795 = tpu.memref_slice %arg2[%add3A_779, %dma_wait3A_793, %dma_wait3A_794] : memref<4096x4x100xi32, #tpu.memory_space<hbm>> -> memref<16x4x100xi32, #tpu.memory_space<hbm>>
        tpu.wait_dma2 semaphore(%run_scoped3A : memref<!tpu.dma_semaphore, #tpu.memory_space<semaphore_mem>>) src(%dma_wait3A_795 : memref<16x4x100xi32, #tpu.memory_space<hbm>>) dst(%arg7 : memref<16x4x100xi32, #tpu.memory_space<vmem>>)
        tpu.yield
      }) : () -> ()
      "tpu.region"() ({
        %run_scoped3A = tpu.sem_alloc : memref<!tpu.dma_semaphore, #tpu.memory_space<semaphore_mem>>
        %dma_start3A = arith.constant 0 : i32
        %dma_start3A_786 = tpu.memref_slice %arg3[%add3A_779, %dma_start3A] : memref<4096x224xf32, #tpu.memory_space<hbm>> -> memref<16x224xf32, #tpu.memory_space<hbm>>
        %dma_start3A_787 = arith.constant 0 : i32
        %dma_start3A_788 = tpu.memref_slice %arg3[%add3A_779, %dma_start3A_787] : memref<4096x224xf32, #tpu.memory_space<hbm>> -> memref<16x224xf32, #tpu.memory_space<hbm>>
        tpu.enqueue_dma source(%dma_start3A_788 : memref<16x224xf32, #tpu.memory_space<hbm>>) target(%arg8 : memref<16x224xf32, #tpu.memory_space<vmem>>) target_semaphore(%run_scoped3A : memref<!tpu.dma_semaphore, #tpu.memory_space<semaphore_mem>>)
        %dma_wait3A = arith.constant 0 : i32
        %dma_wait3A_789 = tpu.memref_slice %arg3[%add3A_779, %dma_wait3A] : memref<4096x224xf32, #tpu.memory_space<hbm>> -> memref<16x224xf32, #tpu.memory_space<hbm>>
        %dma_wait3A_790 = arith.constant 0 : i32
        %dma_wait3A_791 = tpu.memref_slice %arg3[%add3A_779, %dma_wait3A_790] : memref<4096x224xf32, #tpu.memory_space<hbm>> -> memref<16x224xf32, #tpu.memory_space<hbm>>
        tpu.wait_dma2 semaphore(%run_scoped3A : memref<!tpu.dma_semaphore, #tpu.memory_space<semaphore_mem>>) src(%dma_wait3A_791 : memref<16x224xf32, #tpu.memory_space<hbm>>) dst(%arg8 : memref<16x224xf32, #tpu.memory_space<vmem>>)
        tpu.yield
      }) : () -> ()
      %scan3A_780 = arith.constant 0 : i32
      %scan3A_781 = arith.constant 0 : i32
      %scan3A_782 = arith.constant 16 : i32
      %scan3A_783 = arith.addi %scan3A_781, %scan3A_782 : i32
      %scan3A_784 = arith.constant 1 : i32
      scf.for %scan3A_786 = %scan3A_781 to %scan3A_783 step %scan3A_784  : i32 {
        %broadcast_in_dim3A_787 = arith.constant -1.000000e+30 : f32
        %broadcast_in_dim3A_788 = vector.broadcast %broadcast_in_dim3A_787 : f32 to vector<16xf32>
        %swap3A_789 = arith.constant 96 : index
        %swap3A_790 = tpu.vector_load %arg10[%swap3A_789] {strides = array<i32>} : memref<224xf32, #tpu.memory_space<vmem>>, vector<16xf32>,
        tpu.vector_store %arg10[%swap3A_789], %broadcast_in_dim3A_788 {strides = array<i32>} : memref<224xf32, #tpu.memory_space<vmem>>, vector<16xf32>,
        %swap3A_791 = arith.constant 208 : index
        %swap3A_792 = tpu.vector_load %arg10[%swap3A_791] {strides = array<i32>} : memref<224xf32, #tpu.memory_space<vmem>>, vector<16xf32>,
        tpu.vector_store %arg10[%swap3A_791], %broadcast_in_dim3A_788 {strides = array<i32>} : memref<224xf32, #tpu.memory_space<vmem>>, vector<16xf32>,
        %dma_start3A = arith.constant 0 : i32
        %dma_start3A_793 = arith.constant 0 : i32
        %dma_start3A_794 = arith.constant 0 : i32
        %dma_start3A_795 = tpu.memref_slice %arg9[%dma_start3A_793, %dma_start3A_794] : memref<224x128xf32, #tpu.memory_space<vmem>> -> memref<100x128xf32, #tpu.memory_space<vmem>>
        %dma_start3A_796 = arith.constant 0 : i32
        %dma_start3A_797 = tpu.memref_slice %arg7[%scan3A_786, %dma_start3A, %dma_start3A_796] : memref<16x4x100xi32, #tpu.memory_space<vmem>> -> memref<1x1x100xi32, #tpu.memory_space<vmem>>
        %dma_start3A_798 = tpu.memref_squeeze %dma_start3A_797 : memref<1x1x100xi32, #tpu.memory_space<vmem>> -> memref<100xi32, #tpu.memory_space<vmem>>
        %dma_start3A_799 = arith.constant 0 : i32
        %dma_start3A_800 = arith.constant 0 : i32
        %dma_start3A_801 = tpu.memref_slice %arg4[%dma_start3A_799, %dma_start3A_800] : memref<500000x128xf32, #tpu.memory_space<hbm>> -> memref<500000x128xf32, #tpu.memory_space<hbm>>
        tpu.enqueue_indirect_dma source(%dma_start3A_801 : memref<500000x128xf32, #tpu.memory_space<hbm>>) target(%dma_start3A_795 : memref<100x128xf32, #tpu.memory_space<vmem>>) offsets(%dma_start3A_798 : memref<100xi32, #tpu.memory_space<vmem>>) semaphore(%arg12 : memref<!tpu.dma_semaphore, #tpu.memory_space<semaphore_mem>>)
        %dma_start3A_802 = arith.constant 1 : i32
        %dma_start3A_803 = arith.constant 112 : i32
        %dma_start3A_804 = arith.constant 0 : i32
        %dma_start3A_805 = tpu.memref_slice %arg9[%dma_start3A_803, %dma_start3A_804] : memref<224x128xf32, #tpu.memory_space<vmem>> -> memref<100x128xf32, #tpu.memory_space<vmem>>
        %dma_start3A_806 = arith.constant 0 : i32
        %dma_start3A_807 = tpu.memref_slice %arg7[%scan3A_786, %dma_start3A_802, %dma_start3A_806] : memref<16x4x100xi32, #tpu.memory_space<vmem>> -> memref<1x1x100xi32, #tpu.memory_space<vmem>>
        %dma_start3A_808 = tpu.memref_squeeze %dma_start3A_807 : memref<1x1x100xi32, #tpu.memory_space<vmem>> -> memref<100xi32, #tpu.memory_space<vmem>>
        %dma_start3A_809 = arith.constant 0 : i32
        %dma_start3A_810 = arith.constant 0 : i32
        %dma_start3A_811 = tpu.memref_slice %arg4[%dma_start3A_809, %dma_start3A_810] : memref<500000x128xf32, #tpu.memory_space<hbm>> -> memref<500000x128xf32, #tpu.memory_space<hbm>>
        tpu.enqueue_indirect_dma source(%dma_start3A_811 : memref<500000x128xf32, #tpu.memory_space<hbm>>) target(%dma_start3A_805 : memref<100x128xf32, #tpu.memory_space<vmem>>) offsets(%dma_start3A_808 : memref<100xi32, #tpu.memory_space<vmem>>) semaphore(%arg12 : memref<!tpu.dma_semaphore, #tpu.memory_space<semaphore_mem>>)
        %dma_start3A_812 = arith.constant 2 : i32
        %dma_start3A_813 = arith.constant 0 : i32
        %dma_start3A_814 = tpu.memref_slice %arg10[%dma_start3A_813] : memref<224xf32, #tpu.memory_space<vmem>> -> memref<100xf32, #tpu.memory_space<vmem>>
        %dma_start3A_815 = arith.constant 0 : i32
        %dma_start3A_816 = tpu.memref_slice %arg7[%scan3A_786, %dma_start3A_812, %dma_start3A_815] : memref<16x4x100xi32, #tpu.memory_space<vmem>> -> memref<1x1x100xi32, #tpu.memory_space<vmem>>
        %dma_start3A_817 = tpu.memref_squeeze %dma_start3A_816 : memref<1x1x100xi32, #tpu.memory_space<vmem>> -> memref<100xi32, #tpu.memory_space<vmem>>
        %dma_start3A_818 = arith.constant 0 : i32
        %dma_start3A_819 = tpu.memref_slice %arg5[%dma_start3A_818] : memref<1000000xf32, #tpu.memory_space<hbm>> -> memref<1000000xf32, #tpu.memory_space<hbm>>
        tpu.enqueue_indirect_dma source(%dma_start3A_819 : memref<1000000xf32, #tpu.memory_space<hbm>>) target(%dma_start3A_814 : memref<100xf32, #tpu.memory_space<vmem>>) offsets(%dma_start3A_817 : memref<100xi32, #tpu.memory_space<vmem>>) semaphore(%arg12 : memref<!tpu.dma_semaphore, #tpu.memory_space<semaphore_mem>>)
        %dma_start3A_820 = arith.constant 3 : i32
        %dma_start3A_821 = arith.constant 112 : i32
        %dma_start3A_822 = tpu.memref_slice %arg10[%dma_start3A_821] : memref<224xf32, #tpu.memory_space<vmem>> -> memref<100xf32, #tpu.memory_space<vmem>>
        %dma_start3A_823 = arith.constant 0 : i32
        %dma_start3A_824 = tpu.memref_slice %arg7[%scan3A_786, %dma_start3A_820, %dma_start3A_823] : memref<16x4x100xi32, #tpu.memory_space<vmem>> -> memref<1x1x100xi32, #tpu.memory_space<vmem>>
        %dma_start3A_825 = tpu.memref_squeeze %dma_start3A_824 : memref<1x1x100xi32, #tpu.memory_space<vmem>> -> memref<100xi32, #tpu.memory_space<vmem>>
        %dma_start3A_826 = arith.constant 0 : i32
        %dma_start3A_827 = tpu.memref_slice %arg5[%dma_start3A_826] : memref<1000000xf32, #tpu.memory_space<hbm>> -> memref<1000000xf32, #tpu.memory_space<hbm>>
        tpu.enqueue_indirect_dma source(%dma_start3A_827 : memref<1000000xf32, #tpu.memory_space<hbm>>) target(%dma_start3A_822 : memref<100xf32, #tpu.memory_space<vmem>>) offsets(%dma_start3A_825 : memref<100xi32, #tpu.memory_space<vmem>>) semaphore(%arg12 : memref<!tpu.dma_semaphore, #tpu.memory_space<semaphore_mem>>)
        %dma_wait3A = arith.constant 0 : i32
        %dma_wait3A_828 = arith.constant 0 : i32
        %dma_wait3A_829 = arith.constant 0 : i32
        %dma_wait3A_830 = tpu.memref_slice %arg9[%dma_wait3A_828, %dma_wait3A_829] : memref<224x128xf32, #tpu.memory_space<vmem>> -> memref<100x128xf32, #tpu.memory_space<vmem>>
        %dma_wait3A_831 = arith.constant 0 : i32
        %dma_wait3A_832 = tpu.memref_slice %arg7[%scan3A_786, %dma_wait3A, %dma_wait3A_831] : memref<16x4x100xi32, #tpu.memory_space<vmem>> -> memref<1x1x100xi32, #tpu.memory_space<vmem>>
        %dma_wait3A_833 = tpu.memref_squeeze %dma_wait3A_832 : memref<1x1x100xi32, #tpu.memory_space<vmem>> -> memref<100xi32, #tpu.memory_space<vmem>>
        %dma_wait3A_834 = arith.constant 0 : i32
        %dma_wait3A_835 = arith.constant 0 : i32
        %dma_wait3A_836 = tpu.memref_slice %arg4[%dma_wait3A_834, %dma_wait3A_835] : memref<500000x128xf32, #tpu.memory_space<hbm>> -> memref<500000x128xf32, #tpu.memory_space<hbm>>
        tpu.wait_indirect_dma semaphore(%arg12 : memref<!tpu.dma_semaphore, #tpu.memory_space<semaphore_mem>>) src(%dma_wait3A_836 : memref<500000x128xf32, #tpu.memory_space<hbm>>) dst(%dma_wait3A_830 : memref<100x128xf32, #tpu.memory_space<vmem>>)
        %dma_wait3A_837 = arith.constant 1 : i32
        %dma_wait3A_838 = arith.constant 112 : i32
        %dma_wait3A_839 = arith.constant 0 : i32
        %dma_wait3A_840 = tpu.memref_slice %arg9[%dma_wait3A_838, %dma_wait3A_839] : memref<224x128xf32, #tpu.memory_space<vmem>> -> memref<100x128xf32, #tpu.memory_space<vmem>>
        %dma_wait3A_841 = arith.constant 0 : i32
        %dma_wait3A_842 = tpu.memref_slice %arg7[%scan3A_786, %dma_wait3A_837, %dma_wait3A_841] : memref<16x4x100xi32, #tpu.memory_space<vmem>> -> memref<1x1x100xi32, #tpu.memory_space<vmem>>
        %dma_wait3A_843 = tpu.memref_squeeze %dma_wait3A_842 : memref<1x1x100xi32, #tpu.memory_space<vmem>> -> memref<100xi32, #tpu.memory_space<vmem>>
        %dma_wait3A_844 = arith.constant 0 : i32
        %dma_wait3A_845 = arith.constant 0 : i32
        %dma_wait3A_846 = tpu.memref_slice %arg4[%dma_wait3A_844, %dma_wait3A_845] : memref<500000x128xf32, #tpu.memory_space<hbm>> -> memref<500000x128xf32, #tpu.memory_space<hbm>>
        tpu.wait_indirect_dma semaphore(%arg12 : memref<!tpu.dma_semaphore, #tpu.memory_space<semaphore_mem>>) src(%dma_wait3A_846 : memref<500000x128xf32, #tpu.memory_space<hbm>>) dst(%dma_wait3A_840 : memref<100x128xf32, #tpu.memory_space<vmem>>)
        %dma_wait3A_847 = arith.constant 2 : i32
        %dma_wait3A_848 = arith.constant 0 : i32
        %dma_wait3A_849 = tpu.memref_slice %arg10[%dma_wait3A_848] : memref<224xf32, #tpu.memory_space<vmem>> -> memref<100xf32, #tpu.memory_space<vmem>>
        %dma_wait3A_850 = arith.constant 0 : i32
        %dma_wait3A_851 = tpu.memref_slice %arg7[%scan3A_786, %dma_wait3A_847, %dma_wait3A_850] : memref<16x4x100xi32, #tpu.memory_space<vmem>> -> memref<1x1x100xi32, #tpu.memory_space<vmem>>
        %dma_wait3A_852 = tpu.memref_squeeze %dma_wait3A_851 : memref<1x1x100xi32, #tpu.memory_space<vmem>> -> memref<100xi32, #tpu.memory_space<vmem>>
        %dma_wait3A_853 = arith.constant 0 : i32
        %dma_wait3A_854 = tpu.memref_slice %arg5[%dma_wait3A_853] : memref<1000000xf32, #tpu.memory_space<hbm>> -> memref<1000000xf32, #tpu.memory_space<hbm>>
        tpu.wait_indirect_dma semaphore(%arg12 : memref<!tpu.dma_semaphore, #tpu.memory_space<semaphore_mem>>) src(%dma_wait3A_854 : memref<1000000xf32, #tpu.memory_space<hbm>>) dst(%dma_wait3A_849 : memref<100xf32, #tpu.memory_space<vmem>>)
        %dma_wait3A_855 = arith.constant 3 : i32
        %dma_wait3A_856 = arith.constant 112 : i32
        %dma_wait3A_857 = tpu.memref_slice %arg10[%dma_wait3A_856] : memref<224xf32, #tpu.memory_space<vmem>> -> memref<100xf32, #tpu.memory_space<vmem>>
        %dma_wait3A_858 = arith.constant 0 : i32
        %dma_wait3A_859 = tpu.memref_slice %arg7[%scan3A_786, %dma_wait3A_855, %dma_wait3A_858] : memref<16x4x100xi32, #tpu.memory_space<vmem>> -> memref<1x1x100xi32, #tpu.memory_space<vmem>>
        %dma_wait3A_860 = tpu.memref_squeeze %dma_wait3A_859 : memref<1x1x100xi32, #tpu.memory_space<vmem>> -> memref<100xi32, #tpu.memory_space<vmem>>
        %dma_wait3A_861 = arith.constant 0 : i32
        %dma_wait3A_862 = tpu.memref_slice %arg5[%dma_wait3A_861] : memref<1000000xf32, #tpu.memory_space<hbm>> -> memref<1000000xf32, #tpu.memory_space<hbm>>
        tpu.wait_indirect_dma semaphore(%arg12 : memref<!tpu.dma_semaphore, #tpu.memory_space<semaphore_mem>>) src(%dma_wait3A_862 : memref<1000000xf32, #tpu.memory_space<hbm>>) dst(%dma_wait3A_857 : memref<100xf32, #tpu.memory_space<vmem>>)
        %broadcast_in_dim3A_863 = arith.constant -1.000000e+30 : f32
        %broadcast_in_dim3A_864 = vector.broadcast %broadcast_in_dim3A_863 : f32 to vector<16xf32>
        %get3A = arith.constant 0 : index
        %get3A_865 = tpu.vector_load %arg10[%get3A] {strides = array<i32>} : memref<224xf32, #tpu.memory_space<vmem>>, vector<16xf32>,
        %max3A = arith.maximumf %broadcast_in_dim3A_864, %get3A_865 : vector<16xf32>
        %get3A_866 = arith.constant 16 : index
        %get3A_867 = tpu.vector_load %arg10[%get3A_866] {strides = array<i32>} : memref<224xf32, #tpu.memory_space<vmem>>, vector<16xf32>,
        %max3A_868 = arith.maximumf %max3A, %get3A_867 : vector<16xf32>
        %get3A_869 = arith.constant 32 : index
        %get3A_870 = tpu.vector_load %arg10[%get3A_869] {strides = array<i32>} : memref<224xf32, #tpu.memory_space<vmem>>, vector<16xf32>,
        %max3A_871 = arith.maximumf %max3A_868, %get3A_870 : vector<16xf32>
        %get3A_872 = arith.constant 48 : index
        %get3A_873 = tpu.vector_load %arg10[%get3A_872] {strides = array<i32>} : memref<224xf32, #tpu.memory_space<vmem>>, vector<16xf32>,
        %max3A_874 = arith.maximumf %max3A_871, %get3A_873 : vector<16xf32>
        %get3A_875 = arith.constant 64 : index
        %get3A_876 = tpu.vector_load %arg10[%get3A_875] {strides = array<i32>} : memref<224xf32, #tpu.memory_space<vmem>>, vector<16xf32>,
        %max3A_877 = arith.maximumf %max3A_874, %get3A_876 : vector<16xf32>
        %get3A_878 = arith.constant 80 : index
        %get3A_879 = tpu.vector_load %arg10[%get3A_878] {strides = array<i32>} : memref<224xf32, #tpu.memory_space<vmem>>, vector<16xf32>,
        %max3A_880 = arith.maximumf %max3A_877, %get3A_879 : vector<16xf32>
        %get3A_881 = arith.constant 96 : index
        %get3A_882 = tpu.vector_load %arg10[%get3A_881] {strides = array<i32>} : memref<224xf32, #tpu.memory_space<vmem>>, vector<16xf32>,
        %max3A_883 = arith.maximumf %max3A_880, %get3A_882 : vector<16xf32>
        %get3A_884 = arith.constant 112 : index
        %get3A_885 = tpu.vector_load %arg10[%get3A_884] {strides = array<i32>} : memref<224xf32, #tpu.memory_space<vmem>>, vector<16xf32>,
        %max3A_886 = arith.maximumf %max3A_883, %get3A_885 : vector<16xf32>
        %get3A_887 = arith.constant 128 : index
        %get3A_888 = tpu.vector_load %arg10[%get3A_887] {strides = array<i32>} : memref<224xf32, #tpu.memory_space<vmem>>, vector<16xf32>,
        %max3A_889 = arith.maximumf %max3A_886, %get3A_888 : vector<16xf32>
        %get3A_890 = arith.constant 144 : index
        %get3A_891 = tpu.vector_load %arg10[%get3A_890] {strides = array<i32>} : memref<224xf32, #tpu.memory_space<vmem>>, vector<16xf32>,
        %max3A_892 = arith.maximumf %max3A_889, %get3A_891 : vector<16xf32>
        %get3A_893 = arith.constant 160 : index
        %get3A_894 = tpu.vector_load %arg10[%get3A_893] {strides = array<i32>} : memref<224xf32, #tpu.memory_space<vmem>>, vector<16xf32>,
        %max3A_895 = arith.maximumf %max3A_892, %get3A_894 : vector<16xf32>
        %get3A_896 = arith.constant 176 : index
        %get3A_897 = tpu.vector_load %arg10[%get3A_896] {strides = array<i32>} : memref<224xf32, #tpu.memory_space<vmem>>, vector<16xf32>,
        %max3A_898 = arith.maximumf %max3A_895, %get3A_897 : vector<16xf32>
        %get3A_899 = arith.constant 192 : index
        %get3A_900 = tpu.vector_load %arg10[%get3A_899] {strides = array<i32>} : memref<224xf32, #tpu.memory_space<vmem>>, vector<16xf32>,
        %max3A_901 = arith.maximumf %max3A_898, %get3A_900 : vector<16xf32>
        %get3A_902 = arith.constant 208 : index
        %get3A_903 = tpu.vector_load %arg10[%get3A_902] {strides = array<i32>} : memref<224xf32, #tpu.memory_space<vmem>>, vector<16xf32>,
        %max3A_904 = arith.maximumf %max3A_901, %get3A_903 : vector<16xf32>
        %reduce_max3A = arith.constant true
        %reduce_max3A_905 = vector.broadcast %reduce_max3A : i1 to vector<16xi1>
        %reduce_max3A_906 = tpu.scan <max>, %max3A_904 masked %reduce_max3A_905 : vector<16xf32>, vector<16xi1> -> vector<16xf32>
        %reduce_max3A_907 = vector.extract %reduce_max3A_906[15] : f32 from vector<16xf32>
        %broadcast_in_dim3A_908 = arith.constant 0.000000e+00 : f32
        %broadcast_in_dim3A_909 = vector.broadcast %broadcast_in_dim3A_908 : f32 to vector<16xf32>
        %get3A_910 = arith.constant 0 : index
        %get3A_911 = tpu.vector_load %arg10[%get3A_910] {strides = array<i32>} : memref<224xf32, #tpu.memory_space<vmem>>, vector<16xf32>,
        %sub3A = vector.broadcast %reduce_max3A_907 : f32 to vector<16xf32>
        %sub3A_912 = arith.subf %get3A_911, %sub3A : vector<16xf32>
        %exp3A = math.exp %sub3A_912 : vector<16xf32>
        %swap3A_913 = arith.constant 0 : index
        %swap3A_914 = tpu.vector_load %arg10[%swap3A_913] {strides = array<i32>} : memref<224xf32, #tpu.memory_space<vmem>>, vector<16xf32>,
        tpu.vector_store %arg10[%swap3A_913], %exp3A {strides = array<i32>} : memref<224xf32, #tpu.memory_space<vmem>>, vector<16xf32>,
        %add3A_915 = arith.addf %broadcast_in_dim3A_909, %exp3A : vector<16xf32>
        %get3A_916 = arith.constant 16 : index
        %get3A_917 = tpu.vector_load %arg10[%get3A_916] {strides = array<i32>} : memref<224xf32, #tpu.memory_space<vmem>>, vector<16xf32>,
        %sub3A_918 = vector.broadcast %reduce_max3A_907 : f32 to vector<16xf32>
        %sub3A_919 = arith.subf %get3A_917, %sub3A_918 : vector<16xf32>
        %exp3A_920 = math.exp %sub3A_919 : vector<16xf32>
        %swap3A_921 = arith.constant 16 : index
        %swap3A_922 = tpu.vector_load %arg10[%swap3A_921] {strides = array<i32>} : memref<224xf32, #tpu.memory_space<vmem>>, vector<16xf32>,
        tpu.vector_store %arg10[%swap3A_921], %exp3A_920 {strides = array<i32>} : memref<224xf32, #tpu.memory_space<vmem>>, vector<16xf32>,
        %add3A_923 = arith.addf %add3A_915, %exp3A_920 : vector<16xf32>
        %get3A_924 = arith.constant 32 : index
        %get3A_925 = tpu.vector_load %arg10[%get3A_924] {strides = array<i32>} : memref<224xf32, #tpu.memory_space<vmem>>, vector<16xf32>,
        %sub3A_926 = vector.broadcast %reduce_max3A_907 : f32 to vector<16xf32>
        %sub3A_927 = arith.subf %get3A_925, %sub3A_926 : vector<16xf32>
        %exp3A_928 = math.exp %sub3A_927 : vector<16xf32>
        %swap3A_929 = arith.constant 32 : index
        %swap3A_930 = tpu.vector_load %arg10[%swap3A_929] {strides = array<i32>} : memref<224xf32, #tpu.memory_space<vmem>>, vector<16xf32>,
        tpu.vector_store %arg10[%swap3A_929], %exp3A_928 {strides = array<i32>} : memref<224xf32, #tpu.memory_space<vmem>>, vector<16xf32>,
        %add3A_931 = arith.addf %add3A_923, %exp3A_928 : vector<16xf32>
        %get3A_932 = arith.constant 48 : index
        %get3A_933 = tpu.vector_load %arg10[%get3A_932] {strides = array<i32>} : memref<224xf32, #tpu.memory_space<vmem>>, vector<16xf32>,
        %sub3A_934 = vector.broadcast %reduce_max3A_907 : f32 to vector<16xf32>
        %sub3A_935 = arith.subf %get3A_933, %sub3A_934 : vector<16xf32>
        %exp3A_936 = math.exp %sub3A_935 : vector<16xf32>
        %swap3A_937 = arith.constant 48 : index
        %swap3A_938 = tpu.vector_load %arg10[%swap3A_937] {strides = array<i32>} : memref<224xf32, #tpu.memory_space<vmem>>, vector<16xf32>,
        tpu.vector_store %arg10[%swap3A_937], %exp3A_936 {strides = array<i32>} : memref<224xf32, #tpu.memory_space<vmem>>, vector<16xf32>,
        %add3A_939 = arith.addf %add3A_931, %exp3A_936 : vector<16xf32>
        %get3A_940 = arith.constant 64 : index
        %get3A_941 = tpu.vector_load %arg10[%get3A_940] {strides = array<i32>} : memref<224xf32, #tpu.memory_space<vmem>>, vector<16xf32>,
        %sub3A_942 = vector.broadcast %reduce_max3A_907 : f32 to vector<16xf32>
        %sub3A_943 = arith.subf %get3A_941, %sub3A_942 : vector<16xf32>
        %exp3A_944 = math.exp %sub3A_943 : vector<16xf32>
        %swap3A_945 = arith.constant 64 : index
        %swap3A_946 = tpu.vector_load %arg10[%swap3A_945] {strides = array<i32>} : memref<224xf32, #tpu.memory_space<vmem>>, vector<16xf32>,
        tpu.vector_store %arg10[%swap3A_945], %exp3A_944 {strides = array<i32>} : memref<224xf32, #tpu.memory_space<vmem>>, vector<16xf32>,
        %add3A_947 = arith.addf %add3A_939, %exp3A_944 : vector<16xf32>
        %get3A_948 = arith.constant 80 : index
        %get3A_949 = tpu.vector_load %arg10[%get3A_948] {strides = array<i32>} : memref<224xf32, #tpu.memory_space<vmem>>, vector<16xf32>,
        %sub3A_950 = vector.broadcast %reduce_max3A_907 : f32 to vector<16xf32>
        %sub3A_951 = arith.subf %get3A_949, %sub3A_950 : vector<16xf32>
        %exp3A_952 = math.exp %sub3A_951 : vector<16xf32>
        %swap3A_953 = arith.constant 80 : index
        %swap3A_954 = tpu.vector_load %arg10[%swap3A_953] {strides = array<i32>} : memref<224xf32, #tpu.memory_space<vmem>>, vector<16xf32>,
        tpu.vector_store %arg10[%swap3A_953], %exp3A_952 {strides = array<i32>} : memref<224xf32, #tpu.memory_space<vmem>>, vector<16xf32>,
        %add3A_955 = arith.addf %add3A_947, %exp3A_952 : vector<16xf32>
        %get3A_956 = arith.constant 96 : index
        %get3A_957 = tpu.vector_load %arg10[%get3A_956] {strides = array<i32>} : memref<224xf32, #tpu.memory_space<vmem>>, vector<16xf32>,
        %sub3A_958 = vector.broadcast %reduce_max3A_907 : f32 to vector<16xf32>
        %sub3A_959 = arith.subf %get3A_957, %sub3A_958 : vector<16xf32>
        %exp3A_960 = math.exp %sub3A_959 : vector<16xf32>
        %swap3A_961 = arith.constant 96 : index
        %swap3A_962 = tpu.vector_load %arg10[%swap3A_961] {strides = array<i32>} : memref<224xf32, #tpu.memory_space<vmem>>, vector<16xf32>,
        tpu.vector_store %arg10[%swap3A_961], %exp3A_960 {strides = array<i32>} : memref<224xf32, #tpu.memory_space<vmem>>, vector<16xf32>,
        %add3A_963 = arith.addf %add3A_955, %exp3A_960 : vector<16xf32>
        %get3A_964 = arith.constant 112 : index
        %get3A_965 = tpu.vector_load %arg10[%get3A_964] {strides = array<i32>} : memref<224xf32, #tpu.memory_space<vmem>>, vector<16xf32>,
        %sub3A_966 = vector.broadcast %reduce_max3A_907 : f32 to vector<16xf32>
        %sub3A_967 = arith.subf %get3A_965, %sub3A_966 : vector<16xf32>
        %exp3A_968 = math.exp %sub3A_967 : vector<16xf32>
        %swap3A_969 = arith.constant 112 : index
        %swap3A_970 = tpu.vector_load %arg10[%swap3A_969] {strides = array<i32>} : memref<224xf32, #tpu.memory_space<vmem>>, vector<16xf32>,
        tpu.vector_store %arg10[%swap3A_969], %exp3A_968 {strides = array<i32>} : memref<224xf32, #tpu.memory_space<vmem>>, vector<16xf32>,
        %add3A_971 = arith.addf %add3A_963, %exp3A_968 : vector<16xf32>
        %get3A_972 = arith.constant 128 : index
        %get3A_973 = tpu.vector_load %arg10[%get3A_972] {strides = array<i32>} : memref<224xf32, #tpu.memory_space<vmem>>, vector<16xf32>,
        %sub3A_974 = vector.broadcast %reduce_max3A_907 : f32 to vector<16xf32>
        %sub3A_975 = arith.subf %get3A_973, %sub3A_974 : vector<16xf32>
        %exp3A_976 = math.exp %sub3A_975 : vector<16xf32>
        %swap3A_977 = arith.constant 128 : index
        %swap3A_978 = tpu.vector_load %arg10[%swap3A_977] {strides = array<i32>} : memref<224xf32, #tpu.memory_space<vmem>>, vector<16xf32>,
        tpu.vector_store %arg10[%swap3A_977], %exp3A_976 {strides = array<i32>} : memref<224xf32, #tpu.memory_space<vmem>>, vector<16xf32>,
        %add3A_979 = arith.addf %add3A_971, %exp3A_976 : vector<16xf32>
        %get3A_980 = arith.constant 144 : index
        %get3A_981 = tpu.vector_load %arg10[%get3A_980] {strides = array<i32>} : memref<224xf32, #tpu.memory_space<vmem>>, vector<16xf32>,
        %sub3A_982 = vector.broadcast %reduce_max3A_907 : f32 to vector<16xf32>
        %sub3A_983 = arith.subf %get3A_981, %sub3A_982 : vector<16xf32>
        %exp3A_984 = math.exp %sub3A_983 : vector<16xf32>
        %swap3A_985 = arith.constant 144 : index
        %swap3A_986 = tpu.vector_load %arg10[%swap3A_985] {strides = array<i32>} : memref<224xf32, #tpu.memory_space<vmem>>, vector<16xf32>,
        tpu.vector_store %arg10[%swap3A_985], %exp3A_984 {strides = array<i32>} : memref<224xf32, #tpu.memory_space<vmem>>, vector<16xf32>,
        %add3A_987 = arith.addf %add3A_979, %exp3A_984 : vector<16xf32>
        %get3A_988 = arith.constant 160 : index
        %get3A_989 = tpu.vector_load %arg10[%get3A_988] {strides = array<i32>} : memref<224xf32, #tpu.memory_space<vmem>>, vector<16xf32>,
        %sub3A_990 = vector.broadcast %reduce_max3A_907 : f32 to vector<16xf32>
        %sub3A_991 = arith.subf %get3A_989, %sub3A_990 : vector<16xf32>
        %exp3A_992 = math.exp %sub3A_991 : vector<16xf32>
        %swap3A_993 = arith.constant 160 : index
        %swap3A_994 = tpu.vector_load %arg10[%swap3A_993] {strides = array<i32>} : memref<224xf32, #tpu.memory_space<vmem>>, vector<16xf32>,
        tpu.vector_store %arg10[%swap3A_993], %exp3A_992 {strides = array<i32>} : memref<224xf32, #tpu.memory_space<vmem>>, vector<16xf32>,
        %add3A_995 = arith.addf %add3A_987, %exp3A_992 : vector<16xf32>
        %get3A_996 = arith.constant 176 : index
        %get3A_997 = tpu.vector_load %arg10[%get3A_996] {strides = array<i32>} : memref<224xf32, #tpu.memory_space<vmem>>, vector<16xf32>,
        %sub3A_998 = vector.broadcast %reduce_max3A_907 : f32 to vector<16xf32>
        %sub3A_999 = arith.subf %get3A_997, %sub3A_998 : vector<16xf32>
        %exp3A_1000 = math.exp %sub3A_999 : vector<16xf32>
        %swap3A_1001 = arith.constant 176 : index
        %swap3A_1002 = tpu.vector_load %arg10[%swap3A_1001] {strides = array<i32>} : memref<224xf32, #tpu.memory_space<vmem>>, vector<16xf32>,
        tpu.vector_store %arg10[%swap3A_1001], %exp3A_1000 {strides = array<i32>} : memref<224xf32, #tpu.memory_space<vmem>>, vector<16xf32>,
        %add3A_1003 = arith.addf %add3A_995, %exp3A_1000 : vector<16xf32>
        %get3A_1004 = arith.constant 192 : index
        %get3A_1005 = tpu.vector_load %arg10[%get3A_1004] {strides = array<i32>} : memref<224xf32, #tpu.memory_space<vmem>>, vector<16xf32>,
        %sub3A_1006 = vector.broadcast %reduce_max3A_907 : f32 to vector<16xf32>
        %sub3A_1007 = arith.subf %get3A_1005, %sub3A_1006 : vector<16xf32>
        %exp3A_1008 = math.exp %sub3A_1007 : vector<16xf32>
        %swap3A_1009 = arith.constant 192 : index
        %swap3A_1010 = tpu.vector_load %arg10[%swap3A_1009] {strides = array<i32>} : memref<224xf32, #tpu.memory_space<vmem>>, vector<16xf32>,
        tpu.vector_store %arg10[%swap3A_1009], %exp3A_1008 {strides = array<i32>} : memref<224xf32, #tpu.memory_space<vmem>>, vector<16xf32>,
        %add3A_1011 = arith.addf %add3A_1003, %exp3A_1008 : vector<16xf32>
        %get3A_1012 = arith.constant 208 : index
        %get3A_1013 = tpu.vector_load %arg10[%get3A_1012] {strides = array<i32>} : memref<224xf32, #tpu.memory_space<vmem>>, vector<16xf32>,
        %sub3A_1014 = vector.broadcast %reduce_max3A_907 : f32 to vector<16xf32>
        %sub3A_1015 = arith.subf %get3A_1013, %sub3A_1014 : vector<16xf32>
        %exp3A_1016 = math.exp %sub3A_1015 : vector<16xf32>
        %swap3A_1017 = arith.constant 208 : index
        %swap3A_1018 = tpu.vector_load %arg10[%swap3A_1017] {strides = array<i32>} : memref<224xf32, #tpu.memory_space<vmem>>, vector<16xf32>,
        tpu.vector_store %arg10[%swap3A_1017], %exp3A_1016 {strides = array<i32>} : memref<224xf32, #tpu.memory_space<vmem>>, vector<16xf32>,
        %add3A_1019 = arith.addf %add3A_1011, %exp3A_1016 : vector<16xf32>
        %broadcast_in_dim3A_1020 = arith.constant 1.000000e+00 : f32
        %broadcast_in_dim3A_1021 = vector.broadcast %broadcast_in_dim3A_1020 : f32 to vector<16xf32>
        %reduce_sum3A = arith.constant true
        %reduce_sum3A_1022 = vector.broadcast %reduce_sum3A : i1 to vector<16xi1>
        %reduce_sum3A_1023 = tpu.scan <sum>, %add3A_1019 masked %reduce_sum3A_1022 : vector<16xf32>, vector<16xi1> -> vector<16xf32>
        %reduce_sum3A_1024 = vector.extract %reduce_sum3A_1023[15] : f32 from vector<16xf32>
        %broadcast_in_dim3A_1025 = vector.broadcast %reduce_sum3A_1024 : f32 to vector<16xf32>
        %div3A = arith.divf %broadcast_in_dim3A_1021, %broadcast_in_dim3A_1025 : vector<16xf32>
        %broadcast_in_dim3A_1026 = arith.constant 0.000000e+00 : f32
        %broadcast_in_dim3A_1027 = vector.broadcast %broadcast_in_dim3A_1026 : f32 to vector<16xf32>
        %broadcast_in_dim3A_1028 = arith.constant 0.000000e+00 : f32
        %broadcast_in_dim3A_1029 = vector.broadcast %broadcast_in_dim3A_1028 : f32 to vector<16xf32>
        %broadcast_in_dim3A_1030 = arith.constant 0.000000e+00 : f32
        %broadcast_in_dim3A_1031 = vector.broadcast %broadcast_in_dim3A_1030 : f32 to vector<16xf32>
        %broadcast_in_dim3A_1032 = arith.constant 0.000000e+00 : f32
        %broadcast_in_dim3A_1033 = vector.broadcast %broadcast_in_dim3A_1032 : f32 to vector<16xf32>
        %scan3A_1034 = arith.constant 0 : i32
        %scan3A_1035 = arith.constant 14 : i32
        %scan3A_1036 = arith.addi %scan3A_1034, %scan3A_1035 : i32
        %scan3A_1037 = arith.constant 1 : i32
        %scan3A_1038:4 = scf.for %scan3A_1056 = %scan3A_1034 to %scan3A_1036 step %scan3A_1037 iter_args(%scan3A_1057 = %broadcast_in_dim3A_1027, %scan3A_1058 = %broadcast_in_dim3A_1029, %scan3A_1059 = %broadcast_in_dim3A_1031, %scan3A_1060 = %broadcast_in_dim3A_1033) -> (vector<16xf32>, vector<16xf32>, vector<16xf32>, vector<16xf32>)  : i32 {
          %mul3A_1061 = arith.constant 16 : i32
          %mul3A_1062 = arith.muli %scan3A_1056, %mul3A_1061 : i32
          %get3A_1063 = arith.index_cast %mul3A_1062 : i32 to index
          %get3A_1064 = tpu.vector_load %arg10[%get3A_1063] {strides = array<i32>} : memref<224xf32, #tpu.memory_space<vmem>>, vector<16xf32>,
          %mul3A_1065 = arith.constant 16 : i32
          %mul3A_1066 = arith.muli %scan3A_1056, %mul3A_1065 : i32
          %get3A_1067 = arith.index_cast %scan3A_786 : i32 to index
          %get3A_1068 = arith.index_cast %mul3A_1066 : i32 to index
          %get3A_1069 = tpu.vector_load %arg8[%get3A_1067, %get3A_1068] {strides = array<i32>} : memref<16x224xf32, #tpu.memory_space<vmem>>, vector<16xf32>,
          %mul3A_1070 = arith.constant 16 : i32
          %mul3A_1071 = arith.muli %scan3A_1056, %mul3A_1070 : i32
          %slice3A = vector.extract_strided_slice %get3A_1064 {offsets = [0], sizes = [1], strides = [1]} : vector<16xf32> to vector<1xf32>
          %squeeze3A = vector.extract %slice3A[0] : f32 from vector<1xf32>
          %slice3A_1072 = vector.extract_strided_slice %get3A_1069 {offsets = [0], sizes = [1], strides = [1]} : vector<16xf32> to vector<1xf32>
          %squeeze3A_1073 = vector.extract %slice3A_1072[0] : f32 from vector<1xf32>
          %mul3A_1074 = arith.mulf %squeeze3A, %squeeze3A_1073 : f32
          %sub3A_1075 = arith.subf %squeeze3A, %mul3A_1074 : f32
          %mul3A_1076 = arith.mulf %squeeze3A, %squeeze3A_1073 : f32
          %add3A_1077 = arith.constant 0 : i32
          %add3A_1078 = arith.addi %mul3A_1071, %add3A_1077 : i32
          %get3A_1079 = arith.index_cast %add3A_1078 : i32 to index
          %get3A_1080 = arith.constant 0 : index
          %get3A_1081 = tpu.vector_load %arg9[%get3A_1079, %get3A_1080] {strides = array<i32>} : memref<224x128xf32, #tpu.memory_space<vmem>>, vector<16xf32>,
          %mul3A_1082 = vector.broadcast %sub3A_1075 : f32 to vector<16xf32>
          %mul3A_1083 = arith.mulf %mul3A_1082, %get3A_1081 : vector<16xf32>
          %add3A_1084 = arith.addf %scan3A_1057, %mul3A_1083 : vector<16xf32>
          %add3A_1085 = arith.constant 0 : i32
          %add3A_1086 = arith.addi %mul3A_1071, %add3A_1085 : i32
          %get3A_1087 = arith.index_cast %add3A_1086 : i32 to index
          %get3A_1088 = arith.constant 64 : index
          %get3A_1089 = tpu.vector_load %arg9[%get3A_1087, %get3A_1088] {strides = array<i32>} : memref<224x128xf32, #tpu.memory_space<vmem>>, vector<16xf32>,
          %mul3A_1090 = vector.broadcast %mul3A_1076 : f32 to vector<16xf32>
          %mul3A_1091 = arith.mulf %mul3A_1090, %get3A_1089 : vector<16xf32>
          %add3A_1092 = arith.addf %add3A_1084, %mul3A_1091 : vector<16xf32>
          %add3A_1093 = arith.constant 0 : i32
          %add3A_1094 = arith.addi %mul3A_1071, %add3A_1093 : i32
          %get3A_1095 = arith.index_cast %add3A_1094 : i32 to index
          %get3A_1096 = arith.constant 16 : index
          %get3A_1097 = tpu.vector_load %arg9[%get3A_1095, %get3A_1096] {strides = array<i32>} : memref<224x128xf32, #tpu.memory_space<vmem>>, vector<16xf32>,
          %mul3A_1098 = vector.broadcast %sub3A_1075 : f32 to vector<16xf32>
          %mul3A_1099 = arith.mulf %mul3A_1098, %get3A_1097 : vector<16xf32>
          %add3A_1100 = arith.addf %scan3A_1058, %mul3A_1099 : vector<16xf32>
          %add3A_1101 = arith.constant 0 : i32
          %add3A_1102 = arith.addi %mul3A_1071, %add3A_1101 : i32
          %get3A_1103 = arith.index_cast %add3A_1102 : i32 to index
          %get3A_1104 = arith.constant 80 : index
          %get3A_1105 = tpu.vector_load %arg9[%get3A_1103, %get3A_1104] {strides = array<i32>} : memref<224x128xf32, #tpu.memory_space<vmem>>, vector<16xf32>,
          %mul3A_1106 = vector.broadcast %mul3A_1076 : f32 to vector<16xf32>
          %mul3A_1107 = arith.mulf %mul3A_1106, %get3A_1105 : vector<16xf32>
          %add3A_1108 = arith.addf %add3A_1100, %mul3A_1107 : vector<16xf32>
          %add3A_1109 = arith.constant 0 : i32
          %add3A_1110 = arith.addi %mul3A_1071, %add3A_1109 : i32
          %get3A_1111 = arith.index_cast %add3A_1110 : i32 to index
          %get3A_1112 = arith.constant 32 : index
          %get3A_1113 = tpu.vector_load %arg9[%get3A_1111, %get3A_1112] {strides = array<i32>} : memref<224x128xf32, #tpu.memory_space<vmem>>, vector<16xf32>,
          %mul3A_1114 = vector.broadcast %sub3A_1075 : f32 to vector<16xf32>
          %mul3A_1115 = arith.mulf %mul3A_1114, %get3A_1113 : vector<16xf32>
          %add3A_1116 = arith.addf %scan3A_1059, %mul3A_1115 : vector<16xf32>
          %add3A_1117 = arith.constant 0 : i32
          %add3A_1118 = arith.addi %mul3A_1071, %add3A_1117 : i32
          %get3A_1119 = arith.index_cast %add3A_1118 : i32 to index
          %get3A_1120 = arith.constant 96 : index
          %get3A_1121 = tpu.vector_load %arg9[%get3A_1119, %get3A_1120] {strides = array<i32>} : memref<224x128xf32, #tpu.memory_space<vmem>>, vector<16xf32>,
          %mul3A_1122 = vector.broadcast %mul3A_1076 : f32 to vector<16xf32>
          %mul3A_1123 = arith.mulf %mul3A_1122, %get3A_1121 : vector<16xf32>
          %add3A_1124 = arith.addf %add3A_1116, %mul3A_1123 : vector<16xf32>
          %add3A_1125 = arith.constant 0 : i32
          %add3A_1126 = arith.addi %mul3A_1071, %add3A_1125 : i32
          %get3A_1127 = arith.index_cast %add3A_1126 : i32 to index
          %get3A_1128 = arith.constant 48 : index
          %get3A_1129 = tpu.vector_load %arg9[%get3A_1127, %get3A_1128] {strides = array<i32>} : memref<224x128xf32, #tpu.memory_space<vmem>>, vector<16xf32>,
          %mul3A_1130 = vector.broadcast %sub3A_1075 : f32 to vector<16xf32>
          %mul3A_1131 = arith.mulf %mul3A_1130, %get3A_1129 : vector<16xf32>
          %add3A_1132 = arith.addf %scan3A_1060, %mul3A_1131 : vector<16xf32>
          %add3A_1133 = arith.constant 0 : i32
          %add3A_1134 = arith.addi %mul3A_1071, %add3A_1133 : i32
          %get3A_1135 = arith.index_cast %add3A_1134 : i32 to index
          %get3A_1136 = arith.constant 112 : index
          %get3A_1137 = tpu.vector_load %arg9[%get3A_1135, %get3A_1136] {strides = array<i32>} : memref<224x128xf32, #tpu.memory_space<vmem>>, vector<16xf32>,
          %mul3A_1138 = vector.broadcast %mul3A_1076 : f32 to vector<16xf32>
          %mul3A_1139 = arith.mulf %mul3A_1138, %get3A_1137 : vector<16xf32>
          %add3A_1140 = arith.addf %add3A_1132, %mul3A_1139 : vector<16xf32>
          %slice3A_1141 = vector.extract_strided_slice %get3A_1064 {offsets = [1], sizes = [1], strides = [1]} : vector<16xf32> to vector<1xf32>
          %squeeze3A_1142 = vector.extract %slice3A_1141[0] : f32 from vector<1xf32>
          %slice3A_1143 = vector.extract_strided_slice %get3A_1069 {offsets = [1], sizes = [1], strides = [1]} : vector<16xf32> to vector<1xf32>
          %squeeze3A_1144 = vector.extract %slice3A_1143[0] : f32 from vector<1xf32>
          %mul3A_1145 = arith.mulf %squeeze3A_1142, %squeeze3A_1144 : f32
          %sub3A_1146 = arith.subf %squeeze3A_1142, %mul3A_1145 : f32
          %mul3A_1147 = arith.mulf %squeeze3A_1142, %squeeze3A_1144 : f32
          %add3A_1148 = arith.constant 1 : i32
          %add3A_1149 = arith.addi %mul3A_1071, %add3A_1148 : i32
          %get3A_1150 = arith.index_cast %add3A_1149 : i32 to index
          %get3A_1151 = arith.constant 0 : index
          %get3A_1152 = tpu.vector_load %arg9[%get3A_1150, %get3A_1151] {strides = array<i32>} : memref<224x128xf32, #tpu.memory_space<vmem>>, vector<16xf32>,
          %mul3A_1153 = vector.broadcast %sub3A_1146 : f32 to vector<16xf32>
          %mul3A_1154 = arith.mulf %mul3A_1153, %get3A_1152 : vector<16xf32>
          %add3A_1155 = arith.addf %add3A_1092, %mul3A_1154 : vector<16xf32>
          %add3A_1156 = arith.constant 1 : i32
          %add3A_1157 = arith.addi %mul3A_1071, %add3A_1156 : i32
          %get3A_1158 = arith.index_cast %add3A_1157 : i32 to index
          %get3A_1159 = arith.constant 64 : index
          %get3A_1160 = tpu.vector_load %arg9[%get3A_1158, %get3A_1159] {strides = array<i32>} : memref<224x128xf32, #tpu.memory_space<vmem>>, vector<16xf32>,
          %mul3A_1161 = vector.broadcast %mul3A_1147 : f32 to vector<16xf32>
          %mul3A_1162 = arith.mulf %mul3A_1161, %get3A_1160 : vector<16xf32>
          %add3A_1163 = arith.addf %add3A_1155, %mul3A_1162 : vector<16xf32>
          %add3A_1164 = arith.constant 1 : i32
          %add3A_1165 = arith.addi %mul3A_1071, %add3A_1164 : i32
          %get3A_1166 = arith.index_cast %add3A_1165 : i32 to index
          %get3A_1167 = arith.constant 16 : index
          %get3A_1168 = tpu.vector_load %arg9[%get3A_1166, %get3A_1167] {strides = array<i32>} : memref<224x128xf32, #tpu.memory_space<vmem>>, vector<16xf32>,
          %mul3A_1169 = vector.broadcast %sub3A_1146 : f32 to vector<16xf32>
          %mul3A_1170 = arith.mulf %mul3A_1169, %get3A_1168 : vector<16xf32>
          %add3A_1171 = arith.addf %add3A_1108, %mul3A_1170 : vector<16xf32>
          %add3A_1172 = arith.constant 1 : i32
          %add3A_1173 = arith.addi %mul3A_1071, %add3A_1172 : i32
          %get3A_1174 = arith.index_cast %add3A_1173 : i32 to index
          %get3A_1175 = arith.constant 80 : index
          %get3A_1176 = tpu.vector_load %arg9[%get3A_1174, %get3A_1175] {strides = array<i32>} : memref<224x128xf32, #tpu.memory_space<vmem>>, vector<16xf32>,
          %mul3A_1177 = vector.broadcast %mul3A_1147 : f32 to vector<16xf32>
          %mul3A_1178 = arith.mulf %mul3A_1177, %get3A_1176 : vector<16xf32>
          %add3A_1179 = arith.addf %add3A_1171, %mul3A_1178 : vector<16xf32>
          %add3A_1180 = arith.constant 1 : i32
          %add3A_1181 = arith.addi %mul3A_1071, %add3A_1180 : i32
          %get3A_1182 = arith.index_cast %add3A_1181 : i32 to index
          %get3A_1183 = arith.constant 32 : index
          %get3A_1184 = tpu.vector_load %arg9[%get3A_1182, %get3A_1183] {strides = array<i32>} : memref<224x128xf32, #tpu.memory_space<vmem>>, vector<16xf32>,
          %mul3A_1185 = vector.broadcast %sub3A_1146 : f32 to vector<16xf32>
          %mul3A_1186 = arith.mulf %mul3A_1185, %get3A_1184 : vector<16xf32>
          %add3A_1187 = arith.addf %add3A_1124, %mul3A_1186 : vector<16xf32>
          %add3A_1188 = arith.constant 1 : i32
          %add3A_1189 = arith.addi %mul3A_1071, %add3A_1188 : i32
          %get3A_1190 = arith.index_cast %add3A_1189 : i32 to index
          %get3A_1191 = arith.constant 96 : index
          %get3A_1192 = tpu.vector_load %arg9[%get3A_1190, %get3A_1191] {strides = array<i32>} : memref<224x128xf32, #tpu.memory_space<vmem>>, vector<16xf32>,
          %mul3A_1193 = vector.broadcast %mul3A_1147 : f32 to vector<16xf32>
          %mul3A_1194 = arith.mulf %mul3A_1193, %get3A_1192 : vector<16xf32>
          %add3A_1195 = arith.addf %add3A_1187, %mul3A_1194 : vector<16xf32>
          %add3A_1196 = arith.constant 1 : i32
          %add3A_1197 = arith.addi %mul3A_1071, %add3A_1196 : i32
          %get3A_1198 = arith.index_cast %add3A_1197 : i32 to index
          %get3A_1199 = arith.constant 48 : index
          %get3A_1200 = tpu.vector_load %arg9[%get3A_1198, %get3A_1199] {strides = array<i32>} : memref<224x128xf32, #tpu.memory_space<vmem>>, vector<16xf32>,
          %mul3A_1201 = vector.broadcast %sub3A_1146 : f32 to vector<16xf32>
          %mul3A_1202 = arith.mulf %mul3A_1201, %get3A_1200 : vector<16xf32>
          %add3A_1203 = arith.addf %add3A_1140, %mul3A_1202 : vector<16xf32>
          %add3A_1204 = arith.constant 1 : i32
          %add3A_1205 = arith.addi %mul3A_1071, %add3A_1204 : i32
          %get3A_1206 = arith.index_cast %add3A_1205 : i32 to index
          %get3A_1207 = arith.constant 112 : index
          %get3A_1208 = tpu.vector_load %arg9[%get3A_1206, %get3A_1207] {strides = array<i32>} : memref<224x128xf32, #tpu.memory_space<vmem>>, vector<16xf32>,
          %mul3A_1209 = vector.broadcast %mul3A_1147 : f32 to vector<16xf32>
          %mul3A_1210 = arith.mulf %mul3A_1209, %get3A_1208 : vector<16xf32>
          %add3A_1211 = arith.addf %add3A_1203, %mul3A_1210 : vector<16xf32>
          %slice3A_1212 = vector.extract_strided_slice %get3A_1064 {offsets = [2], sizes = [1], strides = [1]} : vector<16xf32> to vector<1xf32>
          %squeeze3A_1213 = vector.extract %slice3A_1212[0] : f32 from vector<1xf32>
          %slice3A_1214 = vector.extract_strided_slice %get3A_1069 {offsets = [2], sizes = [1], strides = [1]} : vector<16xf32> to vector<1xf32>
          %squeeze3A_1215 = vector.extract %slice3A_1214[0] : f32 from vector<1xf32>
          %mul3A_1216 = arith.mulf %squeeze3A_1213, %squeeze3A_1215 : f32
          %sub3A_1217 = arith.subf %squeeze3A_1213, %mul3A_1216 : f32
          %mul3A_1218 = arith.mulf %squeeze3A_1213, %squeeze3A_1215 : f32
          %add3A_1219 = arith.constant 2 : i32
          %add3A_1220 = arith.addi %mul3A_1071, %add3A_1219 : i32
          %get3A_1221 = arith.index_cast %add3A_1220 : i32 to index
          %get3A_1222 = arith.constant 0 : index
          %get3A_1223 = tpu.vector_load %arg9[%get3A_1221, %get3A_1222] {strides = array<i32>} : memref<224x128xf32, #tpu.memory_space<vmem>>, vector<16xf32>,
          %mul3A_1224 = vector.broadcast %sub3A_1217 : f32 to vector<16xf32>
          %mul3A_1225 = arith.mulf %mul3A_1224, %get3A_1223 : vector<16xf32>
          %add3A_1226 = arith.addf %add3A_1163, %mul3A_1225 : vector<16xf32>
          %add3A_1227 = arith.constant 2 : i32
          %add3A_1228 = arith.addi %mul3A_1071, %add3A_1227 : i32
          %get3A_1229 = arith.index_cast %add3A_1228 : i32 to index
          %get3A_1230 = arith.constant 64 : index
          %get3A_1231 = tpu.vector_load %arg9[%get3A_1229, %get3A_1230] {strides = array<i32>} : memref<224x128xf32, #tpu.memory_space<vmem>>, vector<16xf32>,
          %mul3A_1232 = vector.broadcast %mul3A_1218 : f32 to vector<16xf32>
          %mul3A_1233 = arith.mulf %mul3A_1232, %get3A_1231 : vector<16xf32>
          %add3A_1234 = arith.addf %add3A_1226, %mul3A_1233 : vector<16xf32>
          %add3A_1235 = arith.constant 2 : i32
          %add3A_1236 = arith.addi %mul3A_1071, %add3A_1235 : i32
          %get3A_1237 = arith.index_cast %add3A_1236 : i32 to index
          %get3A_1238 = arith.constant 16 : index
          %get3A_1239 = tpu.vector_load %arg9[%get3A_1237, %get3A_1238] {strides = array<i32>} : memref<224x128xf32, #tpu.memory_space<vmem>>, vector<16xf32>,
          %mul3A_1240 = vector.broadcast %sub3A_1217 : f32 to vector<16xf32>
          %mul3A_1241 = arith.mulf %mul3A_1240, %get3A_1239 : vector<16xf32>
          %add3A_1242 = arith.addf %add3A_1179, %mul3A_1241 : vector<16xf32>
          %add3A_1243 = arith.constant 2 : i32
          %add3A_1244 = arith.addi %mul3A_1071, %add3A_1243 : i32
          %get3A_1245 = arith.index_cast %add3A_1244 : i32 to index
          %get3A_1246 = arith.constant 80 : index
          %get3A_1247 = tpu.vector_load %arg9[%get3A_1245, %get3A_1246] {strides = array<i32>} : memref<224x128xf32, #tpu.memory_space<vmem>>, vector<16xf32>,
          %mul3A_1248 = vector.broadcast %mul3A_1218 : f32 to vector<16xf32>
          %mul3A_1249 = arith.mulf %mul3A_1248, %get3A_1247 : vector<16xf32>
          %add3A_1250 = arith.addf %add3A_1242, %mul3A_1249 : vector<16xf32>
          %add3A_1251 = arith.constant 2 : i32
          %add3A_1252 = arith.addi %mul3A_1071, %add3A_1251 : i32
          %get3A_1253 = arith.index_cast %add3A_1252 : i32 to index
          %get3A_1254 = arith.constant 32 : index
          %get3A_1255 = tpu.vector_load %arg9[%get3A_1253, %get3A_1254] {strides = array<i32>} : memref<224x128xf32, #tpu.memory_space<vmem>>, vector<16xf32>,
          %mul3A_1256 = vector.broadcast %sub3A_1217 : f32 to vector<16xf32>
          %mul3A_1257 = arith.mulf %mul3A_1256, %get3A_1255 : vector<16xf32>
          %add3A_1258 = arith.addf %add3A_1195, %mul3A_1257 : vector<16xf32>
          %add3A_1259 = arith.constant 2 : i32
          %add3A_1260 = arith.addi %mul3A_1071, %add3A_1259 : i32
          %get3A_1261 = arith.index_cast %add3A_1260 : i32 to index
          %get3A_1262 = arith.constant 96 : index
          %get3A_1263 = tpu.vector_load %arg9[%get3A_1261, %get3A_1262] {strides = array<i32>} : memref<224x128xf32, #tpu.memory_space<vmem>>, vector<16xf32>,
          %mul3A_1264 = vector.broadcast %mul3A_1218 : f32 to vector<16xf32>
          %mul3A_1265 = arith.mulf %mul3A_1264, %get3A_1263 : vector<16xf32>
          %add3A_1266 = arith.addf %add3A_1258, %mul3A_1265 : vector<16xf32>
          %add3A_1267 = arith.constant 2 : i32
          %add3A_1268 = arith.addi %mul3A_1071, %add3A_1267 : i32
          %get3A_1269 = arith.index_cast %add3A_1268 : i32 to index
          %get3A_1270 = arith.constant 48 : index
          %get3A_1271 = tpu.vector_load %arg9[%get3A_1269, %get3A_1270] {strides = array<i32>} : memref<224x128xf32, #tpu.memory_space<vmem>>, vector<16xf32>,
          %mul3A_1272 = vector.broadcast %sub3A_1217 : f32 to vector<16xf32>
          %mul3A_1273 = arith.mulf %mul3A_1272, %get3A_1271 : vector<16xf32>
          %add3A_1274 = arith.addf %add3A_1211, %mul3A_1273 : vector<16xf32>
          %add3A_1275 = arith.constant 2 : i32
          %add3A_1276 = arith.addi %mul3A_1071, %add3A_1275 : i32
          %get3A_1277 = arith.index_cast %add3A_1276 : i32 to index
          %get3A_1278 = arith.constant 112 : index
          %get3A_1279 = tpu.vector_load %arg9[%get3A_1277, %get3A_1278] {strides = array<i32>} : memref<224x128xf32, #tpu.memory_space<vmem>>, vector<16xf32>,
          %mul3A_1280 = vector.broadcast %mul3A_1218 : f32 to vector<16xf32>
          %mul3A_1281 = arith.mulf %mul3A_1280, %get3A_1279 : vector<16xf32>
          %add3A_1282 = arith.addf %add3A_1274, %mul3A_1281 : vector<16xf32>
          %slice3A_1283 = vector.extract_strided_slice %get3A_1064 {offsets = [3], sizes = [1], strides = [1]} : vector<16xf32> to vector<1xf32>
          %squeeze3A_1284 = vector.extract %slice3A_1283[0] : f32 from vector<1xf32>
          %slice3A_1285 = vector.extract_strided_slice %get3A_1069 {offsets = [3], sizes = [1], strides = [1]} : vector<16xf32> to vector<1xf32>
          %squeeze3A_1286 = vector.extract %slice3A_1285[0] : f32 from vector<1xf32>
          %mul3A_1287 = arith.mulf %squeeze3A_1284, %squeeze3A_1286 : f32
          %sub3A_1288 = arith.subf %squeeze3A_1284, %mul3A_1287 : f32
          %mul3A_1289 = arith.mulf %squeeze3A_1284, %squeeze3A_1286 : f32
          %add3A_1290 = arith.constant 3 : i32
          %add3A_1291 = arith.addi %mul3A_1071, %add3A_1290 : i32
          %get3A_1292 = arith.index_cast %add3A_1291 : i32 to index
          %get3A_1293 = arith.constant 0 : index
          %get3A_1294 = tpu.vector_load %arg9[%get3A_1292, %get3A_1293] {strides = array<i32>} : memref<224x128xf32, #tpu.memory_space<vmem>>, vector<16xf32>,
          %mul3A_1295 = vector.broadcast %sub3A_1288 : f32 to vector<16xf32>
          %mul3A_1296 = arith.mulf %mul3A_1295, %get3A_1294 : vector<16xf32>
          %add3A_1297 = arith.addf %add3A_1234, %mul3A_1296 : vector<16xf32>
          %add3A_1298 = arith.constant 3 : i32
          %add3A_1299 = arith.addi %mul3A_1071, %add3A_1298 : i32
          %get3A_1300 = arith.index_cast %add3A_1299 : i32 to index
          %get3A_1301 = arith.constant 64 : index
          %get3A_1302 = tpu.vector_load %arg9[%get3A_1300, %get3A_1301] {strides = array<i32>} : memref<224x128xf32, #tpu.memory_space<vmem>>, vector<16xf32>,
          %mul3A_1303 = vector.broadcast %mul3A_1289 : f32 to vector<16xf32>
          %mul3A_1304 = arith.mulf %mul3A_1303, %get3A_1302 : vector<16xf32>
          %add3A_1305 = arith.addf %add3A_1297, %mul3A_1304 : vector<16xf32>
          %add3A_1306 = arith.constant 3 : i32
          %add3A_1307 = arith.addi %mul3A_1071, %add3A_1306 : i32
          %get3A_1308 = arith.index_cast %add3A_1307 : i32 to index
          %get3A_1309 = arith.constant 16 : index
          %get3A_1310 = tpu.vector_load %arg9[%get3A_1308, %get3A_1309] {strides = array<i32>} : memref<224x128xf32, #tpu.memory_space<vmem>>, vector<16xf32>,
          %mul3A_1311 = vector.broadcast %sub3A_1288 : f32 to vector<16xf32>
          %mul3A_1312 = arith.mulf %mul3A_1311, %get3A_1310 : vector<16xf32>
          %add3A_1313 = arith.addf %add3A_1250, %mul3A_1312 : vector<16xf32>
          %add3A_1314 = arith.constant 3 : i32
          %add3A_1315 = arith.addi %mul3A_1071, %add3A_1314 : i32
          %get3A_1316 = arith.index_cast %add3A_1315 : i32 to index
          %get3A_1317 = arith.constant 80 : index
          %get3A_1318 = tpu.vector_load %arg9[%get3A_1316, %get3A_1317] {strides = array<i32>} : memref<224x128xf32, #tpu.memory_space<vmem>>, vector<16xf32>,
          %mul3A_1319 = vector.broadcast %mul3A_1289 : f32 to vector<16xf32>
          %mul3A_1320 = arith.mulf %mul3A_1319, %get3A_1318 : vector<16xf32>
          %add3A_1321 = arith.addf %add3A_1313, %mul3A_1320 : vector<16xf32>
          %add3A_1322 = arith.constant 3 : i32
          %add3A_1323 = arith.addi %mul3A_1071, %add3A_1322 : i32
          %get3A_1324 = arith.index_cast %add3A_1323 : i32 to index
          %get3A_1325 = arith.constant 32 : index
          %get3A_1326 = tpu.vector_load %arg9[%get3A_1324, %get3A_1325] {strides = array<i32>} : memref<224x128xf32, #tpu.memory_space<vmem>>, vector<16xf32>,
          %mul3A_1327 = vector.broadcast %sub3A_1288 : f32 to vector<16xf32>
          %mul3A_1328 = arith.mulf %mul3A_1327, %get3A_1326 : vector<16xf32>
          %add3A_1329 = arith.addf %add3A_1266, %mul3A_1328 : vector<16xf32>
          %add3A_1330 = arith.constant 3 : i32
          %add3A_1331 = arith.addi %mul3A_1071, %add3A_1330 : i32
          %get3A_1332 = arith.index_cast %add3A_1331 : i32 to index
          %get3A_1333 = arith.constant 96 : index
          %get3A_1334 = tpu.vector_load %arg9[%get3A_1332, %get3A_1333] {strides = array<i32>} : memref<224x128xf32, #tpu.memory_space<vmem>>, vector<16xf32>,
          %mul3A_1335 = vector.broadcast %mul3A_1289 : f32 to vector<16xf32>
          %mul3A_1336 = arith.mulf %mul3A_1335, %get3A_1334 : vector<16xf32>
          %add3A_1337 = arith.addf %add3A_1329, %mul3A_1336 : vector<16xf32>
          %add3A_1338 = arith.constant 3 : i32
          %add3A_1339 = arith.addi %mul3A_1071, %add3A_1338 : i32
          %get3A_1340 = arith.index_cast %add3A_1339 : i32 to index
          %get3A_1341 = arith.constant 48 : index
          %get3A_1342 = tpu.vector_load %arg9[%get3A_1340, %get3A_1341] {strides = array<i32>} : memref<224x128xf32, #tpu.memory_space<vmem>>, vector<16xf32>,
          %mul3A_1343 = vector.broadcast %sub3A_1288 : f32 to vector<16xf32>
          %mul3A_1344 = arith.mulf %mul3A_1343, %get3A_1342 : vector<16xf32>
          %add3A_1345 = arith.addf %add3A_1282, %mul3A_1344 : vector<16xf32>
          %add3A_1346 = arith.constant 3 : i32
          %add3A_1347 = arith.addi %mul3A_1071, %add3A_1346 : i32
          %get3A_1348 = arith.index_cast %add3A_1347 : i32 to index
          %get3A_1349 = arith.constant 112 : index
          %get3A_1350 = tpu.vector_load %arg9[%get3A_1348, %get3A_1349] {strides = array<i32>} : memref<224x128xf32, #tpu.memory_space<vmem>>, vector<16xf32>,
          %mul3A_1351 = vector.broadcast %mul3A_1289 : f32 to vector<16xf32>
          %mul3A_1352 = arith.mulf %mul3A_1351, %get3A_1350 : vector<16xf32>
          %add3A_1353 = arith.addf %add3A_1345, %mul3A_1352 : vector<16xf32>
          %slice3A_1354 = vector.extract_strided_slice %get3A_1064 {offsets = [4], sizes = [1], strides = [1]} : vector<16xf32> to vector<1xf32>
          %squeeze3A_1355 = vector.extract %slice3A_1354[0] : f32 from vector<1xf32>
          %slice3A_1356 = vector.extract_strided_slice %get3A_1069 {offsets = [4], sizes = [1], strides = [1]} : vector<16xf32> to vector<1xf32>
          %squeeze3A_1357 = vector.extract %slice3A_1356[0] : f32 from vector<1xf32>
          %mul3A_1358 = arith.mulf %squeeze3A_1355, %squeeze3A_1357 : f32
          %sub3A_1359 = arith.subf %squeeze3A_1355, %mul3A_1358 : f32
          %mul3A_1360 = arith.mulf %squeeze3A_1355, %squeeze3A_1357 : f32
          %add3A_1361 = arith.constant 4 : i32
          %add3A_1362 = arith.addi %mul3A_1071, %add3A_1361 : i32
          %get3A_1363 = arith.index_cast %add3A_1362 : i32 to index
          %get3A_1364 = arith.constant 0 : index
          %get3A_1365 = tpu.vector_load %arg9[%get3A_1363, %get3A_1364] {strides = array<i32>} : memref<224x128xf32, #tpu.memory_space<vmem>>, vector<16xf32>,
          %mul3A_1366 = vector.broadcast %sub3A_1359 : f32 to vector<16xf32>
          %mul3A_1367 = arith.mulf %mul3A_1366, %get3A_1365 : vector<16xf32>
          %add3A_1368 = arith.addf %add3A_1305, %mul3A_1367 : vector<16xf32>
          %add3A_1369 = arith.constant 4 : i32
          %add3A_1370 = arith.addi %mul3A_1071, %add3A_1369 : i32
          %get3A_1371 = arith.index_cast %add3A_1370 : i32 to index
          %get3A_1372 = arith.constant 64 : index
          %get3A_1373 = tpu.vector_load %arg9[%get3A_1371, %get3A_1372] {strides = array<i32>} : memref<224x128xf32, #tpu.memory_space<vmem>>, vector<16xf32>,
          %mul3A_1374 = vector.broadcast %mul3A_1360 : f32 to vector<16xf32>
          %mul3A_1375 = arith.mulf %mul3A_1374, %get3A_1373 : vector<16xf32>
          %add3A_1376 = arith.addf %add3A_1368, %mul3A_1375 : vector<16xf32>
          %add3A_1377 = arith.constant 4 : i32
          %add3A_1378 = arith.addi %mul3A_1071, %add3A_1377 : i32
          %get3A_1379 = arith.index_cast %add3A_1378 : i32 to index
          %get3A_1380 = arith.constant 16 : index
          %get3A_1381 = tpu.vector_load %arg9[%get3A_1379, %get3A_1380] {strides = array<i32>} : memref<224x128xf32, #tpu.memory_space<vmem>>, vector<16xf32>,
          %mul3A_1382 = vector.broadcast %sub3A_1359 : f32 to vector<16xf32>
          %mul3A_1383 = arith.mulf %mul3A_1382, %get3A_1381 : vector<16xf32>
          %add3A_1384 = arith.addf %add3A_1321, %mul3A_1383 : vector<16xf32>
          %add3A_1385 = arith.constant 4 : i32
          %add3A_1386 = arith.addi %mul3A_1071, %add3A_1385 : i32
          %get3A_1387 = arith.index_cast %add3A_1386 : i32 to index
          %get3A_1388 = arith.constant 80 : index
          %get3A_1389 = tpu.vector_load %arg9[%get3A_1387, %get3A_1388] {strides = array<i32>} : memref<224x128xf32, #tpu.memory_space<vmem>>, vector<16xf32>,
          %mul3A_1390 = vector.broadcast %mul3A_1360 : f32 to vector<16xf32>
          %mul3A_1391 = arith.mulf %mul3A_1390, %get3A_1389 : vector<16xf32>
          %add3A_1392 = arith.addf %add3A_1384, %mul3A_1391 : vector<16xf32>
          %add3A_1393 = arith.constant 4 : i32
          %add3A_1394 = arith.addi %mul3A_1071, %add3A_1393 : i32
          %get3A_1395 = arith.index_cast %add3A_1394 : i32 to index
          %get3A_1396 = arith.constant 32 : index
          %get3A_1397 = tpu.vector_load %arg9[%get3A_1395, %get3A_1396] {strides = array<i32>} : memref<224x128xf32, #tpu.memory_space<vmem>>, vector<16xf32>,
          %mul3A_1398 = vector.broadcast %sub3A_1359 : f32 to vector<16xf32>
          %mul3A_1399 = arith.mulf %mul3A_1398, %get3A_1397 : vector<16xf32>
          %add3A_1400 = arith.addf %add3A_1337, %mul3A_1399 : vector<16xf32>
          %add3A_1401 = arith.constant 4 : i32
          %add3A_1402 = arith.addi %mul3A_1071, %add3A_1401 : i32
          %get3A_1403 = arith.index_cast %add3A_1402 : i32 to index
          %get3A_1404 = arith.constant 96 : index
          %get3A_1405 = tpu.vector_load %arg9[%get3A_1403, %get3A_1404] {strides = array<i32>} : memref<224x128xf32, #tpu.memory_space<vmem>>, vector<16xf32>,
          %mul3A_1406 = vector.broadcast %mul3A_1360 : f32 to vector<16xf32>
          %mul3A_1407 = arith.mulf %mul3A_1406, %get3A_1405 : vector<16xf32>
          %add3A_1408 = arith.addf %add3A_1400, %mul3A_1407 : vector<16xf32>
          %add3A_1409 = arith.constant 4 : i32
          %add3A_1410 = arith.addi %mul3A_1071, %add3A_1409 : i32
          %get3A_1411 = arith.index_cast %add3A_1410 : i32 to index
          %get3A_1412 = arith.constant 48 : index
          %get3A_1413 = tpu.vector_load %arg9[%get3A_1411, %get3A_1412] {strides = array<i32>} : memref<224x128xf32, #tpu.memory_space<vmem>>, vector<16xf32>,
          %mul3A_1414 = vector.broadcast %sub3A_1359 : f32 to vector<16xf32>
          %mul3A_1415 = arith.mulf %mul3A_1414, %get3A_1413 : vector<16xf32>
          %add3A_1416 = arith.addf %add3A_1353, %mul3A_1415 : vector<16xf32>
          %add3A_1417 = arith.constant 4 : i32
          %add3A_1418 = arith.addi %mul3A_1071, %add3A_1417 : i32
          %get3A_1419 = arith.index_cast %add3A_1418 : i32 to index
          %get3A_1420 = arith.constant 112 : index
          %get3A_1421 = tpu.vector_load %arg9[%get3A_1419, %get3A_1420] {strides = array<i32>} : memref<224x128xf32, #tpu.memory_space<vmem>>, vector<16xf32>,
          %mul3A_1422 = vector.broadcast %mul3A_1360 : f32 to vector<16xf32>
          %mul3A_1423 = arith.mulf %mul3A_1422, %get3A_1421 : vector<16xf32>
          %add3A_1424 = arith.addf %add3A_1416, %mul3A_1423 : vector<16xf32>
          %slice3A_1425 = vector.extract_strided_slice %get3A_1064 {offsets = [5], sizes = [1], strides = [1]} : vector<16xf32> to vector<1xf32>
          %squeeze3A_1426 = vector.extract %slice3A_1425[0] : f32 from vector<1xf32>
          %slice3A_1427 = vector.extract_strided_slice %get3A_1069 {offsets = [5], sizes = [1], strides = [1]} : vector<16xf32> to vector<1xf32>
          %squeeze3A_1428 = vector.extract %slice3A_1427[0] : f32 from vector<1xf32>
          %mul3A_1429 = arith.mulf %squeeze3A_1426, %squeeze3A_1428 : f32
          %sub3A_1430 = arith.subf %squeeze3A_1426, %mul3A_1429 : f32
          %mul3A_1431 = arith.mulf %squeeze3A_1426, %squeeze3A_1428 : f32
          %add3A_1432 = arith.constant 5 : i32
          %add3A_1433 = arith.addi %mul3A_1071, %add3A_1432 : i32
          %get3A_1434 = arith.index_cast %add3A_1433 : i32 to index
          %get3A_1435 = arith.constant 0 : index
          %get3A_1436 = tpu.vector_load %arg9[%get3A_1434, %get3A_1435] {strides = array<i32>} : memref<224x128xf32, #tpu.memory_space<vmem>>, vector<16xf32>,
          %mul3A_1437 = vector.broadcast %sub3A_1430 : f32 to vector<16xf32>
          %mul3A_1438 = arith.mulf %mul3A_1437, %get3A_1436 : vector<16xf32>
          %add3A_1439 = arith.addf %add3A_1376, %mul3A_1438 : vector<16xf32>
          %add3A_1440 = arith.constant 5 : i32
          %add3A_1441 = arith.addi %mul3A_1071, %add3A_1440 : i32
          %get3A_1442 = arith.index_cast %add3A_1441 : i32 to index
          %get3A_1443 = arith.constant 64 : index
          %get3A_1444 = tpu.vector_load %arg9[%get3A_1442, %get3A_1443] {strides = array<i32>} : memref<224x128xf32, #tpu.memory_space<vmem>>, vector<16xf32>,
          %mul3A_1445 = vector.broadcast %mul3A_1431 : f32 to vector<16xf32>
          %mul3A_1446 = arith.mulf %mul3A_1445, %get3A_1444 : vector<16xf32>
          %add3A_1447 = arith.addf %add3A_1439, %mul3A_1446 : vector<16xf32>
          %add3A_1448 = arith.constant 5 : i32
          %add3A_1449 = arith.addi %mul3A_1071, %add3A_1448 : i32
          %get3A_1450 = arith.index_cast %add3A_1449 : i32 to index
          %get3A_1451 = arith.constant 16 : index
          %get3A_1452 = tpu.vector_load %arg9[%get3A_1450, %get3A_1451] {strides = array<i32>} : memref<224x128xf32, #tpu.memory_space<vmem>>, vector<16xf32>,
          %mul3A_1453 = vector.broadcast %sub3A_1430 : f32 to vector<16xf32>
          %mul3A_1454 = arith.mulf %mul3A_1453, %get3A_1452 : vector<16xf32>
          %add3A_1455 = arith.addf %add3A_1392, %mul3A_1454 : vector<16xf32>
          %add3A_1456 = arith.constant 5 : i32
          %add3A_1457 = arith.addi %mul3A_1071, %add3A_1456 : i32
          %get3A_1458 = arith.index_cast %add3A_1457 : i32 to index
          %get3A_1459 = arith.constant 80 : index
          %get3A_1460 = tpu.vector_load %arg9[%get3A_1458, %get3A_1459] {strides = array<i32>} : memref<224x128xf32, #tpu.memory_space<vmem>>, vector<16xf32>,
          %mul3A_1461 = vector.broadcast %mul3A_1431 : f32 to vector<16xf32>
          %mul3A_1462 = arith.mulf %mul3A_1461, %get3A_1460 : vector<16xf32>
          %add3A_1463 = arith.addf %add3A_1455, %mul3A_1462 : vector<16xf32>
          %add3A_1464 = arith.constant 5 : i32
          %add3A_1465 = arith.addi %mul3A_1071, %add3A_1464 : i32
          %get3A_1466 = arith.index_cast %add3A_1465 : i32 to index
          %get3A_1467 = arith.constant 32 : index
          %get3A_1468 = tpu.vector_load %arg9[%get3A_1466, %get3A_1467] {strides = array<i32>} : memref<224x128xf32, #tpu.memory_space<vmem>>, vector<16xf32>,
          %mul3A_1469 = vector.broadcast %sub3A_1430 : f32 to vector<16xf32>
          %mul3A_1470 = arith.mulf %mul3A_1469, %get3A_1468 : vector<16xf32>
          %add3A_1471 = arith.addf %add3A_1408, %mul3A_1470 : vector<16xf32>
          %add3A_1472 = arith.constant 5 : i32
          %add3A_1473 = arith.addi %mul3A_1071, %add3A_1472 : i32
          %get3A_1474 = arith.index_cast %add3A_1473 : i32 to index
          %get3A_1475 = arith.constant 96 : index
          %get3A_1476 = tpu.vector_load %arg9[%get3A_1474, %get3A_1475] {strides = array<i32>} : memref<224x128xf32, #tpu.memory_space<vmem>>, vector<16xf32>,
          %mul3A_1477 = vector.broadcast %mul3A_1431 : f32 to vector<16xf32>
          %mul3A_1478 = arith.mulf %mul3A_1477, %get3A_1476 : vector<16xf32>
          %add3A_1479 = arith.addf %add3A_1471, %mul3A_1478 : vector<16xf32>
          %add3A_1480 = arith.constant 5 : i32
          %add3A_1481 = arith.addi %mul3A_1071, %add3A_1480 : i32
          %get3A_1482 = arith.index_cast %add3A_1481 : i32 to index
          %get3A_1483 = arith.constant 48 : index
          %get3A_1484 = tpu.vector_load %arg9[%get3A_1482, %get3A_1483] {strides = array<i32>} : memref<224x128xf32, #tpu.memory_space<vmem>>, vector<16xf32>,
          %mul3A_1485 = vector.broadcast %sub3A_1430 : f32 to vector<16xf32>
          %mul3A_1486 = arith.mulf %mul3A_1485, %get3A_1484 : vector<16xf32>
          %add3A_1487 = arith.addf %add3A_1424, %mul3A_1486 : vector<16xf32>
          %add3A_1488 = arith.constant 5 : i32
          %add3A_1489 = arith.addi %mul3A_1071, %add3A_1488 : i32
          %get3A_1490 = arith.index_cast %add3A_1489 : i32 to index
          %get3A_1491 = arith.constant 112 : index
          %get3A_1492 = tpu.vector_load %arg9[%get3A_1490, %get3A_1491] {strides = array<i32>} : memref<224x128xf32, #tpu.memory_space<vmem>>, vector<16xf32>,
          %mul3A_1493 = vector.broadcast %mul3A_1431 : f32 to vector<16xf32>
          %mul3A_1494 = arith.mulf %mul3A_1493, %get3A_1492 : vector<16xf32>
          %add3A_1495 = arith.addf %add3A_1487, %mul3A_1494 : vector<16xf32>
          %slice3A_1496 = vector.extract_strided_slice %get3A_1064 {offsets = [6], sizes = [1], strides = [1]} : vector<16xf32> to vector<1xf32>
          %squeeze3A_1497 = vector.extract %slice3A_1496[0] : f32 from vector<1xf32>
          %slice3A_1498 = vector.extract_strided_slice %get3A_1069 {offsets = [6], sizes = [1], strides = [1]} : vector<16xf32> to vector<1xf32>
          %squeeze3A_1499 = vector.extract %slice3A_1498[0] : f32 from vector<1xf32>
          %mul3A_1500 = arith.mulf %squeeze3A_1497, %squeeze3A_1499 : f32
          %sub3A_1501 = arith.subf %squeeze3A_1497, %mul3A_1500 : f32
          %mul3A_1502 = arith.mulf %squeeze3A_1497, %squeeze3A_1499 : f32
          %add3A_1503 = arith.constant 6 : i32
          %add3A_1504 = arith.addi %mul3A_1071, %add3A_1503 : i32
          %get3A_1505 = arith.index_cast %add3A_1504 : i32 to index
          %get3A_1506 = arith.constant 0 : index
          %get3A_1507 = tpu.vector_load %arg9[%get3A_1505, %get3A_1506] {strides = array<i32>} : memref<224x128xf32, #tpu.memory_space<vmem>>, vector<16xf32>,
          %mul3A_1508 = vector.broadcast %sub3A_1501 : f32 to vector<16xf32>
          %mul3A_1509 = arith.mulf %mul3A_1508, %get3A_1507 : vector<16xf32>
          %add3A_1510 = arith.addf %add3A_1447, %mul3A_1509 : vector<16xf32>
          %add3A_1511 = arith.constant 6 : i32
          %add3A_1512 = arith.addi %mul3A_1071, %add3A_1511 : i32
          %get3A_1513 = arith.index_cast %add3A_1512 : i32 to index
          %get3A_1514 = arith.constant 64 : index
          %get3A_1515 = tpu.vector_load %arg9[%get3A_1513, %get3A_1514] {strides = array<i32>} : memref<224x128xf32, #tpu.memory_space<vmem>>, vector<16xf32>,
          %mul3A_1516 = vector.broadcast %mul3A_1502 : f32 to vector<16xf32>
          %mul3A_1517 = arith.mulf %mul3A_1516, %get3A_1515 : vector<16xf32>
          %add3A_1518 = arith.addf %add3A_1510, %mul3A_1517 : vector<16xf32>
          %add3A_1519 = arith.constant 6 : i32
          %add3A_1520 = arith.addi %mul3A_1071, %add3A_1519 : i32
          %get3A_1521 = arith.index_cast %add3A_1520 : i32 to index
          %get3A_1522 = arith.constant 16 : index
          %get3A_1523 = tpu.vector_load %arg9[%get3A_1521, %get3A_1522] {strides = array<i32>} : memref<224x128xf32, #tpu.memory_space<vmem>>, vector<16xf32>,
          %mul3A_1524 = vector.broadcast %sub3A_1501 : f32 to vector<16xf32>
          %mul3A_1525 = arith.mulf %mul3A_1524, %get3A_1523 : vector<16xf32>
          %add3A_1526 = arith.addf %add3A_1463, %mul3A_1525 : vector<16xf32>
          %add3A_1527 = arith.constant 6 : i32
          %add3A_1528 = arith.addi %mul3A_1071, %add3A_1527 : i32
          %get3A_1529 = arith.index_cast %add3A_1528 : i32 to index
          %get3A_1530 = arith.constant 80 : index
          %get3A_1531 = tpu.vector_load %arg9[%get3A_1529, %get3A_1530] {strides = array<i32>} : memref<224x128xf32, #tpu.memory_space<vmem>>, vector<16xf32>,
          %mul3A_1532 = vector.broadcast %mul3A_1502 : f32 to vector<16xf32>
          %mul3A_1533 = arith.mulf %mul3A_1532, %get3A_1531 : vector<16xf32>
          %add3A_1534 = arith.addf %add3A_1526, %mul3A_1533 : vector<16xf32>
          %add3A_1535 = arith.constant 6 : i32
          %add3A_1536 = arith.addi %mul3A_1071, %add3A_1535 : i32
          %get3A_1537 = arith.index_cast %add3A_1536 : i32 to index
          %get3A_1538 = arith.constant 32 : index
          %get3A_1539 = tpu.vector_load %arg9[%get3A_1537, %get3A_1538] {strides = array<i32>} : memref<224x128xf32, #tpu.memory_space<vmem>>, vector<16xf32>,
          %mul3A_1540 = vector.broadcast %sub3A_1501 : f32 to vector<16xf32>
          %mul3A_1541 = arith.mulf %mul3A_1540, %get3A_1539 : vector<16xf32>
          %add3A_1542 = arith.addf %add3A_1479, %mul3A_1541 : vector<16xf32>
          %add3A_1543 = arith.constant 6 : i32
          %add3A_1544 = arith.addi %mul3A_1071, %add3A_1543 : i32
          %get3A_1545 = arith.index_cast %add3A_1544 : i32 to index
          %get3A_1546 = arith.constant 96 : index
          %get3A_1547 = tpu.vector_load %arg9[%get3A_1545, %get3A_1546] {strides = array<i32>} : memref<224x128xf32, #tpu.memory_space<vmem>>, vector<16xf32>,
          %mul3A_1548 = vector.broadcast %mul3A_1502 : f32 to vector<16xf32>
          %mul3A_1549 = arith.mulf %mul3A_1548, %get3A_1547 : vector<16xf32>
          %add3A_1550 = arith.addf %add3A_1542, %mul3A_1549 : vector<16xf32>
          %add3A_1551 = arith.constant 6 : i32
          %add3A_1552 = arith.addi %mul3A_1071, %add3A_1551 : i32
          %get3A_1553 = arith.index_cast %add3A_1552 : i32 to index
          %get3A_1554 = arith.constant 48 : index
          %get3A_1555 = tpu.vector_load %arg9[%get3A_1553, %get3A_1554] {strides = array<i32>} : memref<224x128xf32, #tpu.memory_space<vmem>>, vector<16xf32>,
          %mul3A_1556 = vector.broadcast %sub3A_1501 : f32 to vector<16xf32>
          %mul3A_1557 = arith.mulf %mul3A_1556, %get3A_1555 : vector<16xf32>
          %add3A_1558 = arith.addf %add3A_1495, %mul3A_1557 : vector<16xf32>
          %add3A_1559 = arith.constant 6 : i32
          %add3A_1560 = arith.addi %mul3A_1071, %add3A_1559 : i32
          %get3A_1561 = arith.index_cast %add3A_1560 : i32 to index
          %get3A_1562 = arith.constant 112 : index
          %get3A_1563 = tpu.vector_load %arg9[%get3A_1561, %get3A_1562] {strides = array<i32>} : memref<224x128xf32, #tpu.memory_space<vmem>>, vector<16xf32>,
          %mul3A_1564 = vector.broadcast %mul3A_1502 : f32 to vector<16xf32>
          %mul3A_1565 = arith.mulf %mul3A_1564, %get3A_1563 : vector<16xf32>
          %add3A_1566 = arith.addf %add3A_1558, %mul3A_1565 : vector<16xf32>
          %slice3A_1567 = vector.extract_strided_slice %get3A_1064 {offsets = [7], sizes = [1], strides = [1]} : vector<16xf32> to vector<1xf32>
          %squeeze3A_1568 = vector.extract %slice3A_1567[0] : f32 from vector<1xf32>
          %slice3A_1569 = vector.extract_strided_slice %get3A_1069 {offsets = [7], sizes = [1], strides = [1]} : vector<16xf32> to vector<1xf32>
          %squeeze3A_1570 = vector.extract %slice3A_1569[0] : f32 from vector<1xf32>
          %mul3A_1571 = arith.mulf %squeeze3A_1568, %squeeze3A_1570 : f32
          %sub3A_1572 = arith.subf %squeeze3A_1568, %mul3A_1571 : f32
          %mul3A_1573 = arith.mulf %squeeze3A_1568, %squeeze3A_1570 : f32
          %add3A_1574 = arith.constant 7 : i32
          %add3A_1575 = arith.addi %mul3A_1071, %add3A_1574 : i32
          %get3A_1576 = arith.index_cast %add3A_1575 : i32 to index
          %get3A_1577 = arith.constant 0 : index
          %get3A_1578 = tpu.vector_load %arg9[%get3A_1576, %get3A_1577] {strides = array<i32>} : memref<224x128xf32, #tpu.memory_space<vmem>>, vector<16xf32>,
          %mul3A_1579 = vector.broadcast %sub3A_1572 : f32 to vector<16xf32>
          %mul3A_1580 = arith.mulf %mul3A_1579, %get3A_1578 : vector<16xf32>
          %add3A_1581 = arith.addf %add3A_1518, %mul3A_1580 : vector<16xf32>
          %add3A_1582 = arith.constant 7 : i32
          %add3A_1583 = arith.addi %mul3A_1071, %add3A_1582 : i32
          %get3A_1584 = arith.index_cast %add3A_1583 : i32 to index
          %get3A_1585 = arith.constant 64 : index
          %get3A_1586 = tpu.vector_load %arg9[%get3A_1584, %get3A_1585] {strides = array<i32>} : memref<224x128xf32, #tpu.memory_space<vmem>>, vector<16xf32>,
          %mul3A_1587 = vector.broadcast %mul3A_1573 : f32 to vector<16xf32>
          %mul3A_1588 = arith.mulf %mul3A_1587, %get3A_1586 : vector<16xf32>
          %add3A_1589 = arith.addf %add3A_1581, %mul3A_1588 : vector<16xf32>
          %add3A_1590 = arith.constant 7 : i32
          %add3A_1591 = arith.addi %mul3A_1071, %add3A_1590 : i32
          %get3A_1592 = arith.index_cast %add3A_1591 : i32 to index
          %get3A_1593 = arith.constant 16 : index
          %get3A_1594 = tpu.vector_load %arg9[%get3A_1592, %get3A_1593] {strides = array<i32>} : memref<224x128xf32, #tpu.memory_space<vmem>>, vector<16xf32>,
          %mul3A_1595 = vector.broadcast %sub3A_1572 : f32 to vector<16xf32>
          %mul3A_1596 = arith.mulf %mul3A_1595, %get3A_1594 : vector<16xf32>
          %add3A_1597 = arith.addf %add3A_1534, %mul3A_1596 : vector<16xf32>
          %add3A_1598 = arith.constant 7 : i32
          %add3A_1599 = arith.addi %mul3A_1071, %add3A_1598 : i32
          %get3A_1600 = arith.index_cast %add3A_1599 : i32 to index
          %get3A_1601 = arith.constant 80 : index
          %get3A_1602 = tpu.vector_load %arg9[%get3A_1600, %get3A_1601] {strides = array<i32>} : memref<224x128xf32, #tpu.memory_space<vmem>>, vector<16xf32>,
          %mul3A_1603 = vector.broadcast %mul3A_1573 : f32 to vector<16xf32>
          %mul3A_1604 = arith.mulf %mul3A_1603, %get3A_1602 : vector<16xf32>
          %add3A_1605 = arith.addf %add3A_1597, %mul3A_1604 : vector<16xf32>
          %add3A_1606 = arith.constant 7 : i32
          %add3A_1607 = arith.addi %mul3A_1071, %add3A_1606 : i32
          %get3A_1608 = arith.index_cast %add3A_1607 : i32 to index
          %get3A_1609 = arith.constant 32 : index
          %get3A_1610 = tpu.vector_load %arg9[%get3A_1608, %get3A_1609] {strides = array<i32>} : memref<224x128xf32, #tpu.memory_space<vmem>>, vector<16xf32>,
          %mul3A_1611 = vector.broadcast %sub3A_1572 : f32 to vector<16xf32>
          %mul3A_1612 = arith.mulf %mul3A_1611, %get3A_1610 : vector<16xf32>
          %add3A_1613 = arith.addf %add3A_1550, %mul3A_1612 : vector<16xf32>
          %add3A_1614 = arith.constant 7 : i32
          %add3A_1615 = arith.addi %mul3A_1071, %add3A_1614 : i32
          %get3A_1616 = arith.index_cast %add3A_1615 : i32 to index
          %get3A_1617 = arith.constant 96 : index
          %get3A_1618 = tpu.vector_load %arg9[%get3A_1616, %get3A_1617] {strides = array<i32>} : memref<224x128xf32, #tpu.memory_space<vmem>>, vector<16xf32>,
          %mul3A_1619 = vector.broadcast %mul3A_1573 : f32 to vector<16xf32>
          %mul3A_1620 = arith.mulf %mul3A_1619, %get3A_1618 : vector<16xf32>
          %add3A_1621 = arith.addf %add3A_1613, %mul3A_1620 : vector<16xf32>
          %add3A_1622 = arith.constant 7 : i32
          %add3A_1623 = arith.addi %mul3A_1071, %add3A_1622 : i32
          %get3A_1624 = arith.index_cast %add3A_1623 : i32 to index
          %get3A_1625 = arith.constant 48 : index
          %get3A_1626 = tpu.vector_load %arg9[%get3A_1624, %get3A_1625] {strides = array<i32>} : memref<224x128xf32, #tpu.memory_space<vmem>>, vector<16xf32>,
          %mul3A_1627 = vector.broadcast %sub3A_1572 : f32 to vector<16xf32>
          %mul3A_1628 = arith.mulf %mul3A_1627, %get3A_1626 : vector<16xf32>
          %add3A_1629 = arith.addf %add3A_1566, %mul3A_1628 : vector<16xf32>
          %add3A_1630 = arith.constant 7 : i32
          %add3A_1631 = arith.addi %mul3A_1071, %add3A_1630 : i32
          %get3A_1632 = arith.index_cast %add3A_1631 : i32 to index
          %get3A_1633 = arith.constant 112 : index
          %get3A_1634 = tpu.vector_load %arg9[%get3A_1632, %get3A_1633] {strides = array<i32>} : memref<224x128xf32, #tpu.memory_space<vmem>>, vector<16xf32>,
          %mul3A_1635 = vector.broadcast %mul3A_1573 : f32 to vector<16xf32>
          %mul3A_1636 = arith.mulf %mul3A_1635, %get3A_1634 : vector<16xf32>
          %add3A_1637 = arith.addf %add3A_1629, %mul3A_1636 : vector<16xf32>
          %slice3A_1638 = vector.extract_strided_slice %get3A_1064 {offsets = [8], sizes = [1], strides = [1]} : vector<16xf32> to vector<1xf32>
          %squeeze3A_1639 = vector.extract %slice3A_1638[0] : f32 from vector<1xf32>
          %slice3A_1640 = vector.extract_strided_slice %get3A_1069 {offsets = [8], sizes = [1], strides = [1]} : vector<16xf32> to vector<1xf32>
          %squeeze3A_1641 = vector.extract %slice3A_1640[0] : f32 from vector<1xf32>
          %mul3A_1642 = arith.mulf %squeeze3A_1639, %squeeze3A_1641 : f32
          %sub3A_1643 = arith.subf %squeeze3A_1639, %mul3A_1642 : f32
          %mul3A_1644 = arith.mulf %squeeze3A_1639, %squeeze3A_1641 : f32
          %add3A_1645 = arith.constant 8 : i32
          %add3A_1646 = arith.addi %mul3A_1071, %add3A_1645 : i32
          %get3A_1647 = arith.index_cast %add3A_1646 : i32 to index
          %get3A_1648 = arith.constant 0 : index
          %get3A_1649 = tpu.vector_load %arg9[%get3A_1647, %get3A_1648] {strides = array<i32>} : memref<224x128xf32, #tpu.memory_space<vmem>>, vector<16xf32>,
          %mul3A_1650 = vector.broadcast %sub3A_1643 : f32 to vector<16xf32>
          %mul3A_1651 = arith.mulf %mul3A_1650, %get3A_1649 : vector<16xf32>
          %add3A_1652 = arith.addf %add3A_1589, %mul3A_1651 : vector<16xf32>
          %add3A_1653 = arith.constant 8 : i32
          %add3A_1654 = arith.addi %mul3A_1071, %add3A_1653 : i32
          %get3A_1655 = arith.index_cast %add3A_1654 : i32 to index
          %get3A_1656 = arith.constant 64 : index
          %get3A_1657 = tpu.vector_load %arg9[%get3A_1655, %get3A_1656] {strides = array<i32>} : memref<224x128xf32, #tpu.memory_space<vmem>>, vector<16xf32>,
          %mul3A_1658 = vector.broadcast %mul3A_1644 : f32 to vector<16xf32>
          %mul3A_1659 = arith.mulf %mul3A_1658, %get3A_1657 : vector<16xf32>
          %add3A_1660 = arith.addf %add3A_1652, %mul3A_1659 : vector<16xf32>
          %add3A_1661 = arith.constant 8 : i32
          %add3A_1662 = arith.addi %mul3A_1071, %add3A_1661 : i32
          %get3A_1663 = arith.index_cast %add3A_1662 : i32 to index
          %get3A_1664 = arith.constant 16 : index
          %get3A_1665 = tpu.vector_load %arg9[%get3A_1663, %get3A_1664] {strides = array<i32>} : memref<224x128xf32, #tpu.memory_space<vmem>>, vector<16xf32>,
          %mul3A_1666 = vector.broadcast %sub3A_1643 : f32 to vector<16xf32>
          %mul3A_1667 = arith.mulf %mul3A_1666, %get3A_1665 : vector<16xf32>
          %add3A_1668 = arith.addf %add3A_1605, %mul3A_1667 : vector<16xf32>
          %add3A_1669 = arith.constant 8 : i32
          %add3A_1670 = arith.addi %mul3A_1071, %add3A_1669 : i32
          %get3A_1671 = arith.index_cast %add3A_1670 : i32 to index
          %get3A_1672 = arith.constant 80 : index
          %get3A_1673 = tpu.vector_load %arg9[%get3A_1671, %get3A_1672] {strides = array<i32>} : memref<224x128xf32, #tpu.memory_space<vmem>>, vector<16xf32>,
          %mul3A_1674 = vector.broadcast %mul3A_1644 : f32 to vector<16xf32>
          %mul3A_1675 = arith.mulf %mul3A_1674, %get3A_1673 : vector<16xf32>
          %add3A_1676 = arith.addf %add3A_1668, %mul3A_1675 : vector<16xf32>
          %add3A_1677 = arith.constant 8 : i32
          %add3A_1678 = arith.addi %mul3A_1071, %add3A_1677 : i32
          %get3A_1679 = arith.index_cast %add3A_1678 : i32 to index
          %get3A_1680 = arith.constant 32 : index
          %get3A_1681 = tpu.vector_load %arg9[%get3A_1679, %get3A_1680] {strides = array<i32>} : memref<224x128xf32, #tpu.memory_space<vmem>>, vector<16xf32>,
          %mul3A_1682 = vector.broadcast %sub3A_1643 : f32 to vector<16xf32>
          %mul3A_1683 = arith.mulf %mul3A_1682, %get3A_1681 : vector<16xf32>
          %add3A_1684 = arith.addf %add3A_1621, %mul3A_1683 : vector<16xf32>
          %add3A_1685 = arith.constant 8 : i32
          %add3A_1686 = arith.addi %mul3A_1071, %add3A_1685 : i32
          %get3A_1687 = arith.index_cast %add3A_1686 : i32 to index
          %get3A_1688 = arith.constant 96 : index
          %get3A_1689 = tpu.vector_load %arg9[%get3A_1687, %get3A_1688] {strides = array<i32>} : memref<224x128xf32, #tpu.memory_space<vmem>>, vector<16xf32>,
          %mul3A_1690 = vector.broadcast %mul3A_1644 : f32 to vector<16xf32>
          %mul3A_1691 = arith.mulf %mul3A_1690, %get3A_1689 : vector<16xf32>
          %add3A_1692 = arith.addf %add3A_1684, %mul3A_1691 : vector<16xf32>
          %add3A_1693 = arith.constant 8 : i32
          %add3A_1694 = arith.addi %mul3A_1071, %add3A_1693 : i32
          %get3A_1695 = arith.index_cast %add3A_1694 : i32 to index
          %get3A_1696 = arith.constant 48 : index
          %get3A_1697 = tpu.vector_load %arg9[%get3A_1695, %get3A_1696] {strides = array<i32>} : memref<224x128xf32, #tpu.memory_space<vmem>>, vector<16xf32>,
          %mul3A_1698 = vector.broadcast %sub3A_1643 : f32 to vector<16xf32>
          %mul3A_1699 = arith.mulf %mul3A_1698, %get3A_1697 : vector<16xf32>
          %add3A_1700 = arith.addf %add3A_1637, %mul3A_1699 : vector<16xf32>
          %add3A_1701 = arith.constant 8 : i32
          %add3A_1702 = arith.addi %mul3A_1071, %add3A_1701 : i32
          %get3A_1703 = arith.index_cast %add3A_1702 : i32 to index
          %get3A_1704 = arith.constant 112 : index
          %get3A_1705 = tpu.vector_load %arg9[%get3A_1703, %get3A_1704] {strides = array<i32>} : memref<224x128xf32, #tpu.memory_space<vmem>>, vector<16xf32>,
          %mul3A_1706 = vector.broadcast %mul3A_1644 : f32 to vector<16xf32>
          %mul3A_1707 = arith.mulf %mul3A_1706, %get3A_1705 : vector<16xf32>
          %add3A_1708 = arith.addf %add3A_1700, %mul3A_1707 : vector<16xf32>
          %slice3A_1709 = vector.extract_strided_slice %get3A_1064 {offsets = [9], sizes = [1], strides = [1]} : vector<16xf32> to vector<1xf32>
          %squeeze3A_1710 = vector.extract %slice3A_1709[0] : f32 from vector<1xf32>
          %slice3A_1711 = vector.extract_strided_slice %get3A_1069 {offsets = [9], sizes = [1], strides = [1]} : vector<16xf32> to vector<1xf32>
          %squeeze3A_1712 = vector.extract %slice3A_1711[0] : f32 from vector<1xf32>
          %mul3A_1713 = arith.mulf %squeeze3A_1710, %squeeze3A_1712 : f32
          %sub3A_1714 = arith.subf %squeeze3A_1710, %mul3A_1713 : f32
          %mul3A_1715 = arith.mulf %squeeze3A_1710, %squeeze3A_1712 : f32
          %add3A_1716 = arith.constant 9 : i32
          %add3A_1717 = arith.addi %mul3A_1071, %add3A_1716 : i32
          %get3A_1718 = arith.index_cast %add3A_1717 : i32 to index
          %get3A_1719 = arith.constant 0 : index
          %get3A_1720 = tpu.vector_load %arg9[%get3A_1718, %get3A_1719] {strides = array<i32>} : memref<224x128xf32, #tpu.memory_space<vmem>>, vector<16xf32>,
          %mul3A_1721 = vector.broadcast %sub3A_1714 : f32 to vector<16xf32>
          %mul3A_1722 = arith.mulf %mul3A_1721, %get3A_1720 : vector<16xf32>
          %add3A_1723 = arith.addf %add3A_1660, %mul3A_1722 : vector<16xf32>
          %add3A_1724 = arith.constant 9 : i32
          %add3A_1725 = arith.addi %mul3A_1071, %add3A_1724 : i32
          %get3A_1726 = arith.index_cast %add3A_1725 : i32 to index
          %get3A_1727 = arith.constant 64 : index
          %get3A_1728 = tpu.vector_load %arg9[%get3A_1726, %get3A_1727] {strides = array<i32>} : memref<224x128xf32, #tpu.memory_space<vmem>>, vector<16xf32>,
          %mul3A_1729 = vector.broadcast %mul3A_1715 : f32 to vector<16xf32>
          %mul3A_1730 = arith.mulf %mul3A_1729, %get3A_1728 : vector<16xf32>
          %add3A_1731 = arith.addf %add3A_1723, %mul3A_1730 : vector<16xf32>
          %add3A_1732 = arith.constant 9 : i32
          %add3A_1733 = arith.addi %mul3A_1071, %add3A_1732 : i32
          %get3A_1734 = arith.index_cast %add3A_1733 : i32 to index
          %get3A_1735 = arith.constant 16 : index
          %get3A_1736 = tpu.vector_load %arg9[%get3A_1734, %get3A_1735] {strides = array<i32>} : memref<224x128xf32, #tpu.memory_space<vmem>>, vector<16xf32>,
          %mul3A_1737 = vector.broadcast %sub3A_1714 : f32 to vector<16xf32>
          %mul3A_1738 = arith.mulf %mul3A_1737, %get3A_1736 : vector<16xf32>
          %add3A_1739 = arith.addf %add3A_1676, %mul3A_1738 : vector<16xf32>
          %add3A_1740 = arith.constant 9 : i32
          %add3A_1741 = arith.addi %mul3A_1071, %add3A_1740 : i32
          %get3A_1742 = arith.index_cast %add3A_1741 : i32 to index
          %get3A_1743 = arith.constant 80 : index
          %get3A_1744 = tpu.vector_load %arg9[%get3A_1742, %get3A_1743] {strides = array<i32>} : memref<224x128xf32, #tpu.memory_space<vmem>>, vector<16xf32>,
          %mul3A_1745 = vector.broadcast %mul3A_1715 : f32 to vector<16xf32>
          %mul3A_1746 = arith.mulf %mul3A_1745, %get3A_1744 : vector<16xf32>
          %add3A_1747 = arith.addf %add3A_1739, %mul3A_1746 : vector<16xf32>
          %add3A_1748 = arith.constant 9 : i32
          %add3A_1749 = arith.addi %mul3A_1071, %add3A_1748 : i32
          %get3A_1750 = arith.index_cast %add3A_1749 : i32 to index
          %get3A_1751 = arith.constant 32 : index
          %get3A_1752 = tpu.vector_load %arg9[%get3A_1750, %get3A_1751] {strides = array<i32>} : memref<224x128xf32, #tpu.memory_space<vmem>>, vector<16xf32>,
          %mul3A_1753 = vector.broadcast %sub3A_1714 : f32 to vector<16xf32>
          %mul3A_1754 = arith.mulf %mul3A_1753, %get3A_1752 : vector<16xf32>
          %add3A_1755 = arith.addf %add3A_1692, %mul3A_1754 : vector<16xf32>
          %add3A_1756 = arith.constant 9 : i32
          %add3A_1757 = arith.addi %mul3A_1071, %add3A_1756 : i32
          %get3A_1758 = arith.index_cast %add3A_1757 : i32 to index
          %get3A_1759 = arith.constant 96 : index
          %get3A_1760 = tpu.vector_load %arg9[%get3A_1758, %get3A_1759] {strides = array<i32>} : memref<224x128xf32, #tpu.memory_space<vmem>>, vector<16xf32>,
          %mul3A_1761 = vector.broadcast %mul3A_1715 : f32 to vector<16xf32>
          %mul3A_1762 = arith.mulf %mul3A_1761, %get3A_1760 : vector<16xf32>
          %add3A_1763 = arith.addf %add3A_1755, %mul3A_1762 : vector<16xf32>
          %add3A_1764 = arith.constant 9 : i32
          %add3A_1765 = arith.addi %mul3A_1071, %add3A_1764 : i32
          %get3A_1766 = arith.index_cast %add3A_1765 : i32 to index
          %get3A_1767 = arith.constant 48 : index
          %get3A_1768 = tpu.vector_load %arg9[%get3A_1766, %get3A_1767] {strides = array<i32>} : memref<224x128xf32, #tpu.memory_space<vmem>>, vector<16xf32>,
          %mul3A_1769 = vector.broadcast %sub3A_1714 : f32 to vector<16xf32>
          %mul3A_1770 = arith.mulf %mul3A_1769, %get3A_1768 : vector<16xf32>
          %add3A_1771 = arith.addf %add3A_1708, %mul3A_1770 : vector<16xf32>
          %add3A_1772 = arith.constant 9 : i32
          %add3A_1773 = arith.addi %mul3A_1071, %add3A_1772 : i32
          %get3A_1774 = arith.index_cast %add3A_1773 : i32 to index
          %get3A_1775 = arith.constant 112 : index
          %get3A_1776 = tpu.vector_load %arg9[%get3A_1774, %get3A_1775] {strides = array<i32>} : memref<224x128xf32, #tpu.memory_space<vmem>>, vector<16xf32>,
          %mul3A_1777 = vector.broadcast %mul3A_1715 : f32 to vector<16xf32>
          %mul3A_1778 = arith.mulf %mul3A_1777, %get3A_1776 : vector<16xf32>
          %add3A_1779 = arith.addf %add3A_1771, %mul3A_1778 : vector<16xf32>
          %slice3A_1780 = vector.extract_strided_slice %get3A_1064 {offsets = [10], sizes = [1], strides = [1]} : vector<16xf32> to vector<1xf32>
          %squeeze3A_1781 = vector.extract %slice3A_1780[0] : f32 from vector<1xf32>
          %slice3A_1782 = vector.extract_strided_slice %get3A_1069 {offsets = [10], sizes = [1], strides = [1]} : vector<16xf32> to vector<1xf32>
          %squeeze3A_1783 = vector.extract %slice3A_1782[0] : f32 from vector<1xf32>
          %mul3A_1784 = arith.mulf %squeeze3A_1781, %squeeze3A_1783 : f32
          %sub3A_1785 = arith.subf %squeeze3A_1781, %mul3A_1784 : f32
          %mul3A_1786 = arith.mulf %squeeze3A_1781, %squeeze3A_1783 : f32
          %add3A_1787 = arith.constant 10 : i32
          %add3A_1788 = arith.addi %mul3A_1071, %add3A_1787 : i32
          %get3A_1789 = arith.index_cast %add3A_1788 : i32 to index
          %get3A_1790 = arith.constant 0 : index
          %get3A_1791 = tpu.vector_load %arg9[%get3A_1789, %get3A_1790] {strides = array<i32>} : memref<224x128xf32, #tpu.memory_space<vmem>>, vector<16xf32>,
          %mul3A_1792 = vector.broadcast %sub3A_1785 : f32 to vector<16xf32>
          %mul3A_1793 = arith.mulf %mul3A_1792, %get3A_1791 : vector<16xf32>
          %add3A_1794 = arith.addf %add3A_1731, %mul3A_1793 : vector<16xf32>
          %add3A_1795 = arith.constant 10 : i32
          %add3A_1796 = arith.addi %mul3A_1071, %add3A_1795 : i32
          %get3A_1797 = arith.index_cast %add3A_1796 : i32 to index
          %get3A_1798 = arith.constant 64 : index
          %get3A_1799 = tpu.vector_load %arg9[%get3A_1797, %get3A_1798] {strides = array<i32>} : memref<224x128xf32, #tpu.memory_space<vmem>>, vector<16xf32>,
          %mul3A_1800 = vector.broadcast %mul3A_1786 : f32 to vector<16xf32>
          %mul3A_1801 = arith.mulf %mul3A_1800, %get3A_1799 : vector<16xf32>
          %add3A_1802 = arith.addf %add3A_1794, %mul3A_1801 : vector<16xf32>
          %add3A_1803 = arith.constant 10 : i32
          %add3A_1804 = arith.addi %mul3A_1071, %add3A_1803 : i32
          %get3A_1805 = arith.index_cast %add3A_1804 : i32 to index
          %get3A_1806 = arith.constant 16 : index
          %get3A_1807 = tpu.vector_load %arg9[%get3A_1805, %get3A_1806] {strides = array<i32>} : memref<224x128xf32, #tpu.memory_space<vmem>>, vector<16xf32>,
          %mul3A_1808 = vector.broadcast %sub3A_1785 : f32 to vector<16xf32>
          %mul3A_1809 = arith.mulf %mul3A_1808, %get3A_1807 : vector<16xf32>
          %add3A_1810 = arith.addf %add3A_1747, %mul3A_1809 : vector<16xf32>
          %add3A_1811 = arith.constant 10 : i32
          %add3A_1812 = arith.addi %mul3A_1071, %add3A_1811 : i32
          %get3A_1813 = arith.index_cast %add3A_1812 : i32 to index
          %get3A_1814 = arith.constant 80 : index
          %get3A_1815 = tpu.vector_load %arg9[%get3A_1813, %get3A_1814] {strides = array<i32>} : memref<224x128xf32, #tpu.memory_space<vmem>>, vector<16xf32>,
          %mul3A_1816 = vector.broadcast %mul3A_1786 : f32 to vector<16xf32>
          %mul3A_1817 = arith.mulf %mul3A_1816, %get3A_1815 : vector<16xf32>
          %add3A_1818 = arith.addf %add3A_1810, %mul3A_1817 : vector<16xf32>
          %add3A_1819 = arith.constant 10 : i32
          %add3A_1820 = arith.addi %mul3A_1071, %add3A_1819 : i32
          %get3A_1821 = arith.index_cast %add3A_1820 : i32 to index
          %get3A_1822 = arith.constant 32 : index
          %get3A_1823 = tpu.vector_load %arg9[%get3A_1821, %get3A_1822] {strides = array<i32>} : memref<224x128xf32, #tpu.memory_space<vmem>>, vector<16xf32>,
          %mul3A_1824 = vector.broadcast %sub3A_1785 : f32 to vector<16xf32>
          %mul3A_1825 = arith.mulf %mul3A_1824, %get3A_1823 : vector<16xf32>
          %add3A_1826 = arith.addf %add3A_1763, %mul3A_1825 : vector<16xf32>
          %add3A_1827 = arith.constant 10 : i32
          %add3A_1828 = arith.addi %mul3A_1071, %add3A_1827 : i32
          %get3A_1829 = arith.index_cast %add3A_1828 : i32 to index
          %get3A_1830 = arith.constant 96 : index
          %get3A_1831 = tpu.vector_load %arg9[%get3A_1829, %get3A_1830] {strides = array<i32>} : memref<224x128xf32, #tpu.memory_space<vmem>>, vector<16xf32>,
          %mul3A_1832 = vector.broadcast %mul3A_1786 : f32 to vector<16xf32>
          %mul3A_1833 = arith.mulf %mul3A_1832, %get3A_1831 : vector<16xf32>
          %add3A_1834 = arith.addf %add3A_1826, %mul3A_1833 : vector<16xf32>
          %add3A_1835 = arith.constant 10 : i32
          %add3A_1836 = arith.addi %mul3A_1071, %add3A_1835 : i32
          %get3A_1837 = arith.index_cast %add3A_1836 : i32 to index
          %get3A_1838 = arith.constant 48 : index
          %get3A_1839 = tpu.vector_load %arg9[%get3A_1837, %get3A_1838] {strides = array<i32>} : memref<224x128xf32, #tpu.memory_space<vmem>>, vector<16xf32>,
          %mul3A_1840 = vector.broadcast %sub3A_1785 : f32 to vector<16xf32>
          %mul3A_1841 = arith.mulf %mul3A_1840, %get3A_1839 : vector<16xf32>
          %add3A_1842 = arith.addf %add3A_1779, %mul3A_1841 : vector<16xf32>
          %add3A_1843 = arith.constant 10 : i32
          %add3A_1844 = arith.addi %mul3A_1071, %add3A_1843 : i32
          %get3A_1845 = arith.index_cast %add3A_1844 : i32 to index
          %get3A_1846 = arith.constant 112 : index
          %get3A_1847 = tpu.vector_load %arg9[%get3A_1845, %get3A_1846] {strides = array<i32>} : memref<224x128xf32, #tpu.memory_space<vmem>>, vector<16xf32>,
          %mul3A_1848 = vector.broadcast %mul3A_1786 : f32 to vector<16xf32>
          %mul3A_1849 = arith.mulf %mul3A_1848, %get3A_1847 : vector<16xf32>
          %add3A_1850 = arith.addf %add3A_1842, %mul3A_1849 : vector<16xf32>
          %slice3A_1851 = vector.extract_strided_slice %get3A_1064 {offsets = [11], sizes = [1], strides = [1]} : vector<16xf32> to vector<1xf32>
          %squeeze3A_1852 = vector.extract %slice3A_1851[0] : f32 from vector<1xf32>
          %slice3A_1853 = vector.extract_strided_slice %get3A_1069 {offsets = [11], sizes = [1], strides = [1]} : vector<16xf32> to vector<1xf32>
          %squeeze3A_1854 = vector.extract %slice3A_1853[0] : f32 from vector<1xf32>
          %mul3A_1855 = arith.mulf %squeeze3A_1852, %squeeze3A_1854 : f32
          %sub3A_1856 = arith.subf %squeeze3A_1852, %mul3A_1855 : f32
          %mul3A_1857 = arith.mulf %squeeze3A_1852, %squeeze3A_1854 : f32
          %add3A_1858 = arith.constant 11 : i32
          %add3A_1859 = arith.addi %mul3A_1071, %add3A_1858 : i32
          %get3A_1860 = arith.index_cast %add3A_1859 : i32 to index
          %get3A_1861 = arith.constant 0 : index
          %get3A_1862 = tpu.vector_load %arg9[%get3A_1860, %get3A_1861] {strides = array<i32>} : memref<224x128xf32, #tpu.memory_space<vmem>>, vector<16xf32>,
          %mul3A_1863 = vector.broadcast %sub3A_1856 : f32 to vector<16xf32>
          %mul3A_1864 = arith.mulf %mul3A_1863, %get3A_1862 : vector<16xf32>
          %add3A_1865 = arith.addf %add3A_1802, %mul3A_1864 : vector<16xf32>
          %add3A_1866 = arith.constant 11 : i32
          %add3A_1867 = arith.addi %mul3A_1071, %add3A_1866 : i32
          %get3A_1868 = arith.index_cast %add3A_1867 : i32 to index
          %get3A_1869 = arith.constant 64 : index
          %get3A_1870 = tpu.vector_load %arg9[%get3A_1868, %get3A_1869] {strides = array<i32>} : memref<224x128xf32, #tpu.memory_space<vmem>>, vector<16xf32>,
          %mul3A_1871 = vector.broadcast %mul3A_1857 : f32 to vector<16xf32>
          %mul3A_1872 = arith.mulf %mul3A_1871, %get3A_1870 : vector<16xf32>
          %add3A_1873 = arith.addf %add3A_1865, %mul3A_1872 : vector<16xf32>
          %add3A_1874 = arith.constant 11 : i32
          %add3A_1875 = arith.addi %mul3A_1071, %add3A_1874 : i32
          %get3A_1876 = arith.index_cast %add3A_1875 : i32 to index
          %get3A_1877 = arith.constant 16 : index
          %get3A_1878 = tpu.vector_load %arg9[%get3A_1876, %get3A_1877] {strides = array<i32>} : memref<224x128xf32, #tpu.memory_space<vmem>>, vector<16xf32>,
          %mul3A_1879 = vector.broadcast %sub3A_1856 : f32 to vector<16xf32>
          %mul3A_1880 = arith.mulf %mul3A_1879, %get3A_1878 : vector<16xf32>
          %add3A_1881 = arith.addf %add3A_1818, %mul3A_1880 : vector<16xf32>
          %add3A_1882 = arith.constant 11 : i32
          %add3A_1883 = arith.addi %mul3A_1071, %add3A_1882 : i32
          %get3A_1884 = arith.index_cast %add3A_1883 : i32 to index
          %get3A_1885 = arith.constant 80 : index
          %get3A_1886 = tpu.vector_load %arg9[%get3A_1884, %get3A_1885] {strides = array<i32>} : memref<224x128xf32, #tpu.memory_space<vmem>>, vector<16xf32>,
          %mul3A_1887 = vector.broadcast %mul3A_1857 : f32 to vector<16xf32>
          %mul3A_1888 = arith.mulf %mul3A_1887, %get3A_1886 : vector<16xf32>
          %add3A_1889 = arith.addf %add3A_1881, %mul3A_1888 : vector<16xf32>
          %add3A_1890 = arith.constant 11 : i32
          %add3A_1891 = arith.addi %mul3A_1071, %add3A_1890 : i32
          %get3A_1892 = arith.index_cast %add3A_1891 : i32 to index
          %get3A_1893 = arith.constant 32 : index
          %get3A_1894 = tpu.vector_load %arg9[%get3A_1892, %get3A_1893] {strides = array<i32>} : memref<224x128xf32, #tpu.memory_space<vmem>>, vector<16xf32>,
          %mul3A_1895 = vector.broadcast %sub3A_1856 : f32 to vector<16xf32>
          %mul3A_1896 = arith.mulf %mul3A_1895, %get3A_1894 : vector<16xf32>
          %add3A_1897 = arith.addf %add3A_1834, %mul3A_1896 : vector<16xf32>
          %add3A_1898 = arith.constant 11 : i32
          %add3A_1899 = arith.addi %mul3A_1071, %add3A_1898 : i32
          %get3A_1900 = arith.index_cast %add3A_1899 : i32 to index
          %get3A_1901 = arith.constant 96 : index
          %get3A_1902 = tpu.vector_load %arg9[%get3A_1900, %get3A_1901] {strides = array<i32>} : memref<224x128xf32, #tpu.memory_space<vmem>>, vector<16xf32>,
          %mul3A_1903 = vector.broadcast %mul3A_1857 : f32 to vector<16xf32>
          %mul3A_1904 = arith.mulf %mul3A_1903, %get3A_1902 : vector<16xf32>
          %add3A_1905 = arith.addf %add3A_1897, %mul3A_1904 : vector<16xf32>
          %add3A_1906 = arith.constant 11 : i32
          %add3A_1907 = arith.addi %mul3A_1071, %add3A_1906 : i32
          %get3A_1908 = arith.index_cast %add3A_1907 : i32 to index
          %get3A_1909 = arith.constant 48 : index
          %get3A_1910 = tpu.vector_load %arg9[%get3A_1908, %get3A_1909] {strides = array<i32>} : memref<224x128xf32, #tpu.memory_space<vmem>>, vector<16xf32>,
          %mul3A_1911 = vector.broadcast %sub3A_1856 : f32 to vector<16xf32>
          %mul3A_1912 = arith.mulf %mul3A_1911, %get3A_1910 : vector<16xf32>
          %add3A_1913 = arith.addf %add3A_1850, %mul3A_1912 : vector<16xf32>
          %add3A_1914 = arith.constant 11 : i32
          %add3A_1915 = arith.addi %mul3A_1071, %add3A_1914 : i32
          %get3A_1916 = arith.index_cast %add3A_1915 : i32 to index
          %get3A_1917 = arith.constant 112 : index
          %get3A_1918 = tpu.vector_load %arg9[%get3A_1916, %get3A_1917] {strides = array<i32>} : memref<224x128xf32, #tpu.memory_space<vmem>>, vector<16xf32>,
          %mul3A_1919 = vector.broadcast %mul3A_1857 : f32 to vector<16xf32>
          %mul3A_1920 = arith.mulf %mul3A_1919, %get3A_1918 : vector<16xf32>
          %add3A_1921 = arith.addf %add3A_1913, %mul3A_1920 : vector<16xf32>
          %slice3A_1922 = vector.extract_strided_slice %get3A_1064 {offsets = [12], sizes = [1], strides = [1]} : vector<16xf32> to vector<1xf32>
          %squeeze3A_1923 = vector.extract %slice3A_1922[0] : f32 from vector<1xf32>
          %slice3A_1924 = vector.extract_strided_slice %get3A_1069 {offsets = [12], sizes = [1], strides = [1]} : vector<16xf32> to vector<1xf32>
          %squeeze3A_1925 = vector.extract %slice3A_1924[0] : f32 from vector<1xf32>
          %mul3A_1926 = arith.mulf %squeeze3A_1923, %squeeze3A_1925 : f32
          %sub3A_1927 = arith.subf %squeeze3A_1923, %mul3A_1926 : f32
          %mul3A_1928 = arith.mulf %squeeze3A_1923, %squeeze3A_1925 : f32
          %add3A_1929 = arith.constant 12 : i32
          %add3A_1930 = arith.addi %mul3A_1071, %add3A_1929 : i32
          %get3A_1931 = arith.index_cast %add3A_1930 : i32 to index
          %get3A_1932 = arith.constant 0 : index
          %get3A_1933 = tpu.vector_load %arg9[%get3A_1931, %get3A_1932] {strides = array<i32>} : memref<224x128xf32, #tpu.memory_space<vmem>>, vector<16xf32>,
          %mul3A_1934 = vector.broadcast %sub3A_1927 : f32 to vector<16xf32>
          %mul3A_1935 = arith.mulf %mul3A_1934, %get3A_1933 : vector<16xf32>
          %add3A_1936 = arith.addf %add3A_1873, %mul3A_1935 : vector<16xf32>
          %add3A_1937 = arith.constant 12 : i32
          %add3A_1938 = arith.addi %mul3A_1071, %add3A_1937 : i32
          %get3A_1939 = arith.index_cast %add3A_1938 : i32 to index
          %get3A_1940 = arith.constant 64 : index
          %get3A_1941 = tpu.vector_load %arg9[%get3A_1939, %get3A_1940] {strides = array<i32>} : memref<224x128xf32, #tpu.memory_space<vmem>>, vector<16xf32>,
          %mul3A_1942 = vector.broadcast %mul3A_1928 : f32 to vector<16xf32>
          %mul3A_1943 = arith.mulf %mul3A_1942, %get3A_1941 : vector<16xf32>
          %add3A_1944 = arith.addf %add3A_1936, %mul3A_1943 : vector<16xf32>
          %add3A_1945 = arith.constant 12 : i32
          %add3A_1946 = arith.addi %mul3A_1071, %add3A_1945 : i32
          %get3A_1947 = arith.index_cast %add3A_1946 : i32 to index
          %get3A_1948 = arith.constant 16 : index
          %get3A_1949 = tpu.vector_load %arg9[%get3A_1947, %get3A_1948] {strides = array<i32>} : memref<224x128xf32, #tpu.memory_space<vmem>>, vector<16xf32>,
          %mul3A_1950 = vector.broadcast %sub3A_1927 : f32 to vector<16xf32>
          %mul3A_1951 = arith.mulf %mul3A_1950, %get3A_1949 : vector<16xf32>
          %add3A_1952 = arith.addf %add3A_1889, %mul3A_1951 : vector<16xf32>
          %add3A_1953 = arith.constant 12 : i32
          %add3A_1954 = arith.addi %mul3A_1071, %add3A_1953 : i32
          %get3A_1955 = arith.index_cast %add3A_1954 : i32 to index
          %get3A_1956 = arith.constant 80 : index
          %get3A_1957 = tpu.vector_load %arg9[%get3A_1955, %get3A_1956] {strides = array<i32>} : memref<224x128xf32, #tpu.memory_space<vmem>>, vector<16xf32>,
          %mul3A_1958 = vector.broadcast %mul3A_1928 : f32 to vector<16xf32>
          %mul3A_1959 = arith.mulf %mul3A_1958, %get3A_1957 : vector<16xf32>
          %add3A_1960 = arith.addf %add3A_1952, %mul3A_1959 : vector<16xf32>
          %add3A_1961 = arith.constant 12 : i32
          %add3A_1962 = arith.addi %mul3A_1071, %add3A_1961 : i32
          %get3A_1963 = arith.index_cast %add3A_1962 : i32 to index
          %get3A_1964 = arith.constant 32 : index
          %get3A_1965 = tpu.vector_load %arg9[%get3A_1963, %get3A_1964] {strides = array<i32>} : memref<224x128xf32, #tpu.memory_space<vmem>>, vector<16xf32>,
          %mul3A_1966 = vector.broadcast %sub3A_1927 : f32 to vector<16xf32>
          %mul3A_1967 = arith.mulf %mul3A_1966, %get3A_1965 : vector<16xf32>
          %add3A_1968 = arith.addf %add3A_1905, %mul3A_1967 : vector<16xf32>
          %add3A_1969 = arith.constant 12 : i32
          %add3A_1970 = arith.addi %mul3A_1071, %add3A_1969 : i32
          %get3A_1971 = arith.index_cast %add3A_1970 : i32 to index
          %get3A_1972 = arith.constant 96 : index
          %get3A_1973 = tpu.vector_load %arg9[%get3A_1971, %get3A_1972] {strides = array<i32>} : memref<224x128xf32, #tpu.memory_space<vmem>>, vector<16xf32>,
          %mul3A_1974 = vector.broadcast %mul3A_1928 : f32 to vector<16xf32>
          %mul3A_1975 = arith.mulf %mul3A_1974, %get3A_1973 : vector<16xf32>
          %add3A_1976 = arith.addf %add3A_1968, %mul3A_1975 : vector<16xf32>
          %add3A_1977 = arith.constant 12 : i32
          %add3A_1978 = arith.addi %mul3A_1071, %add3A_1977 : i32
          %get3A_1979 = arith.index_cast %add3A_1978 : i32 to index
          %get3A_1980 = arith.constant 48 : index
          %get3A_1981 = tpu.vector_load %arg9[%get3A_1979, %get3A_1980] {strides = array<i32>} : memref<224x128xf32, #tpu.memory_space<vmem>>, vector<16xf32>,
          %mul3A_1982 = vector.broadcast %sub3A_1927 : f32 to vector<16xf32>
          %mul3A_1983 = arith.mulf %mul3A_1982, %get3A_1981 : vector<16xf32>
          %add3A_1984 = arith.addf %add3A_1921, %mul3A_1983 : vector<16xf32>
          %add3A_1985 = arith.constant 12 : i32
          %add3A_1986 = arith.addi %mul3A_1071, %add3A_1985 : i32
          %get3A_1987 = arith.index_cast %add3A_1986 : i32 to index
          %get3A_1988 = arith.constant 112 : index
          %get3A_1989 = tpu.vector_load %arg9[%get3A_1987, %get3A_1988] {strides = array<i32>} : memref<224x128xf32, #tpu.memory_space<vmem>>, vector<16xf32>,
          %mul3A_1990 = vector.broadcast %mul3A_1928 : f32 to vector<16xf32>
          %mul3A_1991 = arith.mulf %mul3A_1990, %get3A_1989 : vector<16xf32>
          %add3A_1992 = arith.addf %add3A_1984, %mul3A_1991 : vector<16xf32>
          %slice3A_1993 = vector.extract_strided_slice %get3A_1064 {offsets = [13], sizes = [1], strides = [1]} : vector<16xf32> to vector<1xf32>
          %squeeze3A_1994 = vector.extract %slice3A_1993[0] : f32 from vector<1xf32>
          %slice3A_1995 = vector.extract_strided_slice %get3A_1069 {offsets = [13], sizes = [1], strides = [1]} : vector<16xf32> to vector<1xf32>
          %squeeze3A_1996 = vector.extract %slice3A_1995[0] : f32 from vector<1xf32>
          %mul3A_1997 = arith.mulf %squeeze3A_1994, %squeeze3A_1996 : f32
          %sub3A_1998 = arith.subf %squeeze3A_1994, %mul3A_1997 : f32
          %mul3A_1999 = arith.mulf %squeeze3A_1994, %squeeze3A_1996 : f32
          %add3A_2000 = arith.constant 13 : i32
          %add3A_2001 = arith.addi %mul3A_1071, %add3A_2000 : i32
          %get3A_2002 = arith.index_cast %add3A_2001 : i32 to index
          %get3A_2003 = arith.constant 0 : index
          %get3A_2004 = tpu.vector_load %arg9[%get3A_2002, %get3A_2003] {strides = array<i32>} : memref<224x128xf32, #tpu.memory_space<vmem>>, vector<16xf32>,
          %mul3A_2005 = vector.broadcast %sub3A_1998 : f32 to vector<16xf32>
          %mul3A_2006 = arith.mulf %mul3A_2005, %get3A_2004 : vector<16xf32>
          %add3A_2007 = arith.addf %add3A_1944, %mul3A_2006 : vector<16xf32>
          %add3A_2008 = arith.constant 13 : i32
          %add3A_2009 = arith.addi %mul3A_1071, %add3A_2008 : i32
          %get3A_2010 = arith.index_cast %add3A_2009 : i32 to index
          %get3A_2011 = arith.constant 64 : index
          %get3A_2012 = tpu.vector_load %arg9[%get3A_2010, %get3A_2011] {strides = array<i32>} : memref<224x128xf32, #tpu.memory_space<vmem>>, vector<16xf32>,
          %mul3A_2013 = vector.broadcast %mul3A_1999 : f32 to vector<16xf32>
          %mul3A_2014 = arith.mulf %mul3A_2013, %get3A_2012 : vector<16xf32>
          %add3A_2015 = arith.addf %add3A_2007, %mul3A_2014 : vector<16xf32>
          %add3A_2016 = arith.constant 13 : i32
          %add3A_2017 = arith.addi %mul3A_1071, %add3A_2016 : i32
          %get3A_2018 = arith.index_cast %add3A_2017 : i32 to index
          %get3A_2019 = arith.constant 16 : index
          %get3A_2020 = tpu.vector_load %arg9[%get3A_2018, %get3A_2019] {strides = array<i32>} : memref<224x128xf32, #tpu.memory_space<vmem>>, vector<16xf32>,
          %mul3A_2021 = vector.broadcast %sub3A_1998 : f32 to vector<16xf32>
          %mul3A_2022 = arith.mulf %mul3A_2021, %get3A_2020 : vector<16xf32>
          %add3A_2023 = arith.addf %add3A_1960, %mul3A_2022 : vector<16xf32>
          %add3A_2024 = arith.constant 13 : i32
          %add3A_2025 = arith.addi %mul3A_1071, %add3A_2024 : i32
          %get3A_2026 = arith.index_cast %add3A_2025 : i32 to index
          %get3A_2027 = arith.constant 80 : index
          %get3A_2028 = tpu.vector_load %arg9[%get3A_2026, %get3A_2027] {strides = array<i32>} : memref<224x128xf32, #tpu.memory_space<vmem>>, vector<16xf32>,
          %mul3A_2029 = vector.broadcast %mul3A_1999 : f32 to vector<16xf32>
          %mul3A_2030 = arith.mulf %mul3A_2029, %get3A_2028 : vector<16xf32>
          %add3A_2031 = arith.addf %add3A_2023, %mul3A_2030 : vector<16xf32>
          %add3A_2032 = arith.constant 13 : i32
          %add3A_2033 = arith.addi %mul3A_1071, %add3A_2032 : i32
          %get3A_2034 = arith.index_cast %add3A_2033 : i32 to index
          %get3A_2035 = arith.constant 32 : index
          %get3A_2036 = tpu.vector_load %arg9[%get3A_2034, %get3A_2035] {strides = array<i32>} : memref<224x128xf32, #tpu.memory_space<vmem>>, vector<16xf32>,
          %mul3A_2037 = vector.broadcast %sub3A_1998 : f32 to vector<16xf32>
          %mul3A_2038 = arith.mulf %mul3A_2037, %get3A_2036 : vector<16xf32>
          %add3A_2039 = arith.addf %add3A_1976, %mul3A_2038 : vector<16xf32>
          %add3A_2040 = arith.constant 13 : i32
          %add3A_2041 = arith.addi %mul3A_1071, %add3A_2040 : i32
          %get3A_2042 = arith.index_cast %add3A_2041 : i32 to index
          %get3A_2043 = arith.constant 96 : index
          %get3A_2044 = tpu.vector_load %arg9[%get3A_2042, %get3A_2043] {strides = array<i32>} : memref<224x128xf32, #tpu.memory_space<vmem>>, vector<16xf32>,
          %mul3A_2045 = vector.broadcast %mul3A_1999 : f32 to vector<16xf32>
          %mul3A_2046 = arith.mulf %mul3A_2045, %get3A_2044 : vector<16xf32>
          %add3A_2047 = arith.addf %add3A_2039, %mul3A_2046 : vector<16xf32>
          %add3A_2048 = arith.constant 13 : i32
          %add3A_2049 = arith.addi %mul3A_1071, %add3A_2048 : i32
          %get3A_2050 = arith.index_cast %add3A_2049 : i32 to index
          %get3A_2051 = arith.constant 48 : index
          %get3A_2052 = tpu.vector_load %arg9[%get3A_2050, %get3A_2051] {strides = array<i32>} : memref<224x128xf32, #tpu.memory_space<vmem>>, vector<16xf32>,
          %mul3A_2053 = vector.broadcast %sub3A_1998 : f32 to vector<16xf32>
          %mul3A_2054 = arith.mulf %mul3A_2053, %get3A_2052 : vector<16xf32>
          %add3A_2055 = arith.addf %add3A_1992, %mul3A_2054 : vector<16xf32>
          %add3A_2056 = arith.constant 13 : i32
          %add3A_2057 = arith.addi %mul3A_1071, %add3A_2056 : i32
          %get3A_2058 = arith.index_cast %add3A_2057 : i32 to index
          %get3A_2059 = arith.constant 112 : index
          %get3A_2060 = tpu.vector_load %arg9[%get3A_2058, %get3A_2059] {strides = array<i32>} : memref<224x128xf32, #tpu.memory_space<vmem>>, vector<16xf32>,
          %mul3A_2061 = vector.broadcast %mul3A_1999 : f32 to vector<16xf32>
          %mul3A_2062 = arith.mulf %mul3A_2061, %get3A_2060 : vector<16xf32>
          %add3A_2063 = arith.addf %add3A_2055, %mul3A_2062 : vector<16xf32>
          %slice3A_2064 = vector.extract_strided_slice %get3A_1064 {offsets = [14], sizes = [1], strides = [1]} : vector<16xf32> to vector<1xf32>
          %squeeze3A_2065 = vector.extract %slice3A_2064[0] : f32 from vector<1xf32>
          %slice3A_2066 = vector.extract_strided_slice %get3A_1069 {offsets = [14], sizes = [1], strides = [1]} : vector<16xf32> to vector<1xf32>
          %squeeze3A_2067 = vector.extract %slice3A_2066[0] : f32 from vector<1xf32>
          %mul3A_2068 = arith.mulf %squeeze3A_2065, %squeeze3A_2067 : f32
          %sub3A_2069 = arith.subf %squeeze3A_2065, %mul3A_2068 : f32
          %mul3A_2070 = arith.mulf %squeeze3A_2065, %squeeze3A_2067 : f32
          %add3A_2071 = arith.constant 14 : i32
          %add3A_2072 = arith.addi %mul3A_1071, %add3A_2071 : i32
          %get3A_2073 = arith.index_cast %add3A_2072 : i32 to index
          %get3A_2074 = arith.constant 0 : index
          %get3A_2075 = tpu.vector_load %arg9[%get3A_2073, %get3A_2074] {strides = array<i32>} : memref<224x128xf32, #tpu.memory_space<vmem>>, vector<16xf32>,
          %mul3A_2076 = vector.broadcast %sub3A_2069 : f32 to vector<16xf32>
          %mul3A_2077 = arith.mulf %mul3A_2076, %get3A_2075 : vector<16xf32>
          %add3A_2078 = arith.addf %add3A_2015, %mul3A_2077 : vector<16xf32>
          %add3A_2079 = arith.constant 14 : i32
          %add3A_2080 = arith.addi %mul3A_1071, %add3A_2079 : i32
          %get3A_2081 = arith.index_cast %add3A_2080 : i32 to index
          %get3A_2082 = arith.constant 64 : index
          %get3A_2083 = tpu.vector_load %arg9[%get3A_2081, %get3A_2082] {strides = array<i32>} : memref<224x128xf32, #tpu.memory_space<vmem>>, vector<16xf32>,
          %mul3A_2084 = vector.broadcast %mul3A_2070 : f32 to vector<16xf32>
          %mul3A_2085 = arith.mulf %mul3A_2084, %get3A_2083 : vector<16xf32>
          %add3A_2086 = arith.addf %add3A_2078, %mul3A_2085 : vector<16xf32>
          %add3A_2087 = arith.constant 14 : i32
          %add3A_2088 = arith.addi %mul3A_1071, %add3A_2087 : i32
          %get3A_2089 = arith.index_cast %add3A_2088 : i32 to index
          %get3A_2090 = arith.constant 16 : index
          %get3A_2091 = tpu.vector_load %arg9[%get3A_2089, %get3A_2090] {strides = array<i32>} : memref<224x128xf32, #tpu.memory_space<vmem>>, vector<16xf32>,
          %mul3A_2092 = vector.broadcast %sub3A_2069 : f32 to vector<16xf32>
          %mul3A_2093 = arith.mulf %mul3A_2092, %get3A_2091 : vector<16xf32>
          %add3A_2094 = arith.addf %add3A_2031, %mul3A_2093 : vector<16xf32>
          %add3A_2095 = arith.constant 14 : i32
          %add3A_2096 = arith.addi %mul3A_1071, %add3A_2095 : i32
          %get3A_2097 = arith.index_cast %add3A_2096 : i32 to index
          %get3A_2098 = arith.constant 80 : index
          %get3A_2099 = tpu.vector_load %arg9[%get3A_2097, %get3A_2098] {strides = array<i32>} : memref<224x128xf32, #tpu.memory_space<vmem>>, vector<16xf32>,
          %mul3A_2100 = vector.broadcast %mul3A_2070 : f32 to vector<16xf32>
          %mul3A_2101 = arith.mulf %mul3A_2100, %get3A_2099 : vector<16xf32>
          %add3A_2102 = arith.addf %add3A_2094, %mul3A_2101 : vector<16xf32>
          %add3A_2103 = arith.constant 14 : i32
          %add3A_2104 = arith.addi %mul3A_1071, %add3A_2103 : i32
          %get3A_2105 = arith.index_cast %add3A_2104 : i32 to index
          %get3A_2106 = arith.constant 32 : index
          %get3A_2107 = tpu.vector_load %arg9[%get3A_2105, %get3A_2106] {strides = array<i32>} : memref<224x128xf32, #tpu.memory_space<vmem>>, vector<16xf32>,
          %mul3A_2108 = vector.broadcast %sub3A_2069 : f32 to vector<16xf32>
          %mul3A_2109 = arith.mulf %mul3A_2108, %get3A_2107 : vector<16xf32>
          %add3A_2110 = arith.addf %add3A_2047, %mul3A_2109 : vector<16xf32>
          %add3A_2111 = arith.constant 14 : i32
          %add3A_2112 = arith.addi %mul3A_1071, %add3A_2111 : i32
          %get3A_2113 = arith.index_cast %add3A_2112 : i32 to index
          %get3A_2114 = arith.constant 96 : index
          %get3A_2115 = tpu.vector_load %arg9[%get3A_2113, %get3A_2114] {strides = array<i32>} : memref<224x128xf32, #tpu.memory_space<vmem>>, vector<16xf32>,
          %mul3A_2116 = vector.broadcast %mul3A_2070 : f32 to vector<16xf32>
          %mul3A_2117 = arith.mulf %mul3A_2116, %get3A_2115 : vector<16xf32>
          %add3A_2118 = arith.addf %add3A_2110, %mul3A_2117 : vector<16xf32>
          %add3A_2119 = arith.constant 14 : i32
          %add3A_2120 = arith.addi %mul3A_1071, %add3A_2119 : i32
          %get3A_2121 = arith.index_cast %add3A_2120 : i32 to index
          %get3A_2122 = arith.constant 48 : index
          %get3A_2123 = tpu.vector_load %arg9[%get3A_2121, %get3A_2122] {strides = array<i32>} : memref<224x128xf32, #tpu.memory_space<vmem>>, vector<16xf32>,
          %mul3A_2124 = vector.broadcast %sub3A_2069 : f32 to vector<16xf32>
          %mul3A_2125 = arith.mulf %mul3A_2124, %get3A_2123 : vector<16xf32>
          %add3A_2126 = arith.addf %add3A_2063, %mul3A_2125 : vector<16xf32>
          %add3A_2127 = arith.constant 14 : i32
          %add3A_2128 = arith.addi %mul3A_1071, %add3A_2127 : i32
          %get3A_2129 = arith.index_cast %add3A_2128 : i32 to index
          %get3A_2130 = arith.constant 112 : index
          %get3A_2131 = tpu.vector_load %arg9[%get3A_2129, %get3A_2130] {strides = array<i32>} : memref<224x128xf32, #tpu.memory_space<vmem>>, vector<16xf32>,
          %mul3A_2132 = vector.broadcast %mul3A_2070 : f32 to vector<16xf32>
          %mul3A_2133 = arith.mulf %mul3A_2132, %get3A_2131 : vector<16xf32>
          %add3A_2134 = arith.addf %add3A_2126, %mul3A_2133 : vector<16xf32>
          %slice3A_2135 = vector.extract_strided_slice %get3A_1064 {offsets = [15], sizes = [1], strides = [1]} : vector<16xf32> to vector<1xf32>
          %squeeze3A_2136 = vector.extract %slice3A_2135[0] : f32 from vector<1xf32>
          %slice3A_2137 = vector.extract_strided_slice %get3A_1069 {offsets = [15], sizes = [1], strides = [1]} : vector<16xf32> to vector<1xf32>
          %squeeze3A_2138 = vector.extract %slice3A_2137[0] : f32 from vector<1xf32>
          %mul3A_2139 = arith.mulf %squeeze3A_2136, %squeeze3A_2138 : f32
          %sub3A_2140 = arith.subf %squeeze3A_2136, %mul3A_2139 : f32
          %mul3A_2141 = arith.mulf %squeeze3A_2136, %squeeze3A_2138 : f32
          %add3A_2142 = arith.constant 15 : i32
          %add3A_2143 = arith.addi %mul3A_1071, %add3A_2142 : i32
          %get3A_2144 = arith.index_cast %add3A_2143 : i32 to index
          %get3A_2145 = arith.constant 0 : index
          %get3A_2146 = tpu.vector_load %arg9[%get3A_2144, %get3A_2145] {strides = array<i32>} : memref<224x128xf32, #tpu.memory_space<vmem>>, vector<16xf32>,
          %mul3A_2147 = vector.broadcast %sub3A_2140 : f32 to vector<16xf32>
          %mul3A_2148 = arith.mulf %mul3A_2147, %get3A_2146 : vector<16xf32>
          %add3A_2149 = arith.addf %add3A_2086, %mul3A_2148 : vector<16xf32>
          %add3A_2150 = arith.constant 15 : i32
          %add3A_2151 = arith.addi %mul3A_1071, %add3A_2150 : i32
          %get3A_2152 = arith.index_cast %add3A_2151 : i32 to index
          %get3A_2153 = arith.constant 64 : index
          %get3A_2154 = tpu.vector_load %arg9[%get3A_2152, %get3A_2153] {strides = array<i32>} : memref<224x128xf32, #tpu.memory_space<vmem>>, vector<16xf32>,
          %mul3A_2155 = vector.broadcast %mul3A_2141 : f32 to vector<16xf32>
          %mul3A_2156 = arith.mulf %mul3A_2155, %get3A_2154 : vector<16xf32>
          %add3A_2157 = arith.addf %add3A_2149, %mul3A_2156 : vector<16xf32>
          %add3A_2158 = arith.constant 15 : i32
          %add3A_2159 = arith.addi %mul3A_1071, %add3A_2158 : i32
          %get3A_2160 = arith.index_cast %add3A_2159 : i32 to index
          %get3A_2161 = arith.constant 16 : index
          %get3A_2162 = tpu.vector_load %arg9[%get3A_2160, %get3A_2161] {strides = array<i32>} : memref<224x128xf32, #tpu.memory_space<vmem>>, vector<16xf32>,
          %mul3A_2163 = vector.broadcast %sub3A_2140 : f32 to vector<16xf32>
          %mul3A_2164 = arith.mulf %mul3A_2163, %get3A_2162 : vector<16xf32>
          %add3A_2165 = arith.addf %add3A_2102, %mul3A_2164 : vector<16xf32>
          %add3A_2166 = arith.constant 15 : i32
          %add3A_2167 = arith.addi %mul3A_1071, %add3A_2166 : i32
          %get3A_2168 = arith.index_cast %add3A_2167 : i32 to index
          %get3A_2169 = arith.constant 80 : index
          %get3A_2170 = tpu.vector_load %arg9[%get3A_2168, %get3A_2169] {strides = array<i32>} : memref<224x128xf32, #tpu.memory_space<vmem>>, vector<16xf32>,
          %mul3A_2171 = vector.broadcast %mul3A_2141 : f32 to vector<16xf32>
          %mul3A_2172 = arith.mulf %mul3A_2171, %get3A_2170 : vector<16xf32>
          %add3A_2173 = arith.addf %add3A_2165, %mul3A_2172 : vector<16xf32>
          %add3A_2174 = arith.constant 15 : i32
          %add3A_2175 = arith.addi %mul3A_1071, %add3A_2174 : i32
          %get3A_2176 = arith.index_cast %add3A_2175 : i32 to index
          %get3A_2177 = arith.constant 32 : index
          %get3A_2178 = tpu.vector_load %arg9[%get3A_2176, %get3A_2177] {strides = array<i32>} : memref<224x128xf32, #tpu.memory_space<vmem>>, vector<16xf32>,
          %mul3A_2179 = vector.broadcast %sub3A_2140 : f32 to vector<16xf32>
          %mul3A_2180 = arith.mulf %mul3A_2179, %get3A_2178 : vector<16xf32>
          %add3A_2181 = arith.addf %add3A_2118, %mul3A_2180 : vector<16xf32>
          %add3A_2182 = arith.constant 15 : i32
          %add3A_2183 = arith.addi %mul3A_1071, %add3A_2182 : i32
          %get3A_2184 = arith.index_cast %add3A_2183 : i32 to index
          %get3A_2185 = arith.constant 96 : index
          %get3A_2186 = tpu.vector_load %arg9[%get3A_2184, %get3A_2185] {strides = array<i32>} : memref<224x128xf32, #tpu.memory_space<vmem>>, vector<16xf32>,
          %mul3A_2187 = vector.broadcast %mul3A_2141 : f32 to vector<16xf32>
          %mul3A_2188 = arith.mulf %mul3A_2187, %get3A_2186 : vector<16xf32>
          %add3A_2189 = arith.addf %add3A_2181, %mul3A_2188 : vector<16xf32>
          %add3A_2190 = arith.constant 15 : i32
          %add3A_2191 = arith.addi %mul3A_1071, %add3A_2190 : i32
          %get3A_2192 = arith.index_cast %add3A_2191 : i32 to index
          %get3A_2193 = arith.constant 48 : index
          %get3A_2194 = tpu.vector_load %arg9[%get3A_2192, %get3A_2193] {strides = array<i32>} : memref<224x128xf32, #tpu.memory_space<vmem>>, vector<16xf32>,
          %mul3A_2195 = vector.broadcast %sub3A_2140 : f32 to vector<16xf32>
          %mul3A_2196 = arith.mulf %mul3A_2195, %get3A_2194 : vector<16xf32>
          %add3A_2197 = arith.addf %add3A_2134, %mul3A_2196 : vector<16xf32>
          %add3A_2198 = arith.constant 15 : i32
          %add3A_2199 = arith.addi %mul3A_1071, %add3A_2198 : i32
          %get3A_2200 = arith.index_cast %add3A_2199 : i32 to index
          %get3A_2201 = arith.constant 112 : index
          %get3A_2202 = tpu.vector_load %arg9[%get3A_2200, %get3A_2201] {strides = array<i32>} : memref<224x128xf32, #tpu.memory_space<vmem>>, vector<16xf32>,
          %mul3A_2203 = vector.broadcast %mul3A_2141 : f32 to vector<16xf32>
          %mul3A_2204 = arith.mulf %mul3A_2203, %get3A_2202 : vector<16xf32>
          %add3A_2205 = arith.addf %add3A_2197, %mul3A_2204 : vector<16xf32>
          scf.yield %add3A_2157, %add3A_2173, %add3A_2189, %add3A_2205 : vector<16xf32>, vector<16xf32>, vector<16xf32>, vector<16xf32>
        }
        %scan3A_1039 = arith.constant 14 : i32
        %mul3A_1040 = arith.mulf %scan3A_1038#0, %div3A : vector<16xf32>
        %swap3A_1041 = arith.index_cast %scan3A_786 : i32 to index
        %swap3A_1042 = arith.constant 0 : index
        %swap3A_1043 = tpu.vector_load %arg11[%swap3A_1041, %swap3A_1042] {strides = array<i32>} : memref<16x64xf32, #tpu.memory_space<vmem>>, vector<16xf32>,
        tpu.vector_store %arg11[%swap3A_1041, %swap3A_1042], %mul3A_1040 {strides = array<i32>} : memref<16x64xf32, #tpu.memory_space<vmem>>, vector<16xf32>,
        %mul3A_1044 = arith.mulf %scan3A_1038#1, %div3A : vector<16xf32>
        %swap3A_1045 = arith.index_cast %scan3A_786 : i32 to index
        %swap3A_1046 = arith.constant 16 : index
        %swap3A_1047 = tpu.vector_load %arg11[%swap3A_1045, %swap3A_1046] {strides = array<i32>} : memref<16x64xf32, #tpu.memory_space<vmem>>, vector<16xf32>,
        tpu.vector_store %arg11[%swap3A_1045, %swap3A_1046], %mul3A_1044 {strides = array<i32>} : memref<16x64xf32, #tpu.memory_space<vmem>>, vector<16xf32>,
        %mul3A_1048 = arith.mulf %scan3A_1038#2, %div3A : vector<16xf32>
        %swap3A_1049 = arith.index_cast %scan3A_786 : i32 to index
        %swap3A_1050 = arith.constant 32 : index
        %swap3A_1051 = tpu.vector_load %arg11[%swap3A_1049, %swap3A_1050] {strides = array<i32>} : memref<16x64xf32, #tpu.memory_space<vmem>>, vector<16xf32>,
        tpu.vector_store %arg11[%swap3A_1049, %swap3A_1050], %mul3A_1048 {strides = array<i32>} : memref<16x64xf32, #tpu.memory_space<vmem>>, vector<16xf32>,
        %mul3A_1052 = arith.mulf %scan3A_1038#3, %div3A : vector<16xf32>
        %swap3A_1053 = arith.index_cast %scan3A_786 : i32 to index
        %swap3A_1054 = arith.constant 48 : index
        %swap3A_1055 = tpu.vector_load %arg11[%swap3A_1053, %swap3A_1054] {strides = array<i32>} : memref<16x64xf32, #tpu.memory_space<vmem>>, vector<16xf32>,
        tpu.vector_store %arg11[%swap3A_1053, %swap3A_1054], %mul3A_1052 {strides = array<i32>} : memref<16x64xf32, #tpu.memory_space<vmem>>, vector<16xf32>,
      }
      %scan3A_785 = arith.constant 16 : i32
      "tpu.region"() ({
        %run_scoped3A = tpu.sem_alloc : memref<!tpu.dma_semaphore, #tpu.memory_space<semaphore_mem>>
        %dma_start3A = arith.constant 0 : i32
        %dma_start3A_786 = tpu.memref_slice %arg6[%add3A_779, %dma_start3A] : memref<4096x64xf32, #tpu.memory_space<hbm>> -> memref<16x64xf32, #tpu.memory_space<hbm>>
        %dma_start3A_787 = arith.constant 0 : i32
        %dma_start3A_788 = tpu.memref_slice %arg6[%add3A_779, %dma_start3A_787] : memref<4096x64xf32, #tpu.memory_space<hbm>> -> memref<16x64xf32, #tpu.memory_space<hbm>>
        tpu.enqueue_dma source(%arg11 : memref<16x64xf32, #tpu.memory_space<vmem>>) target(%dma_start3A_788 : memref<16x64xf32, #tpu.memory_space<hbm>>) target_semaphore(%run_scoped3A : memref<!tpu.dma_semaphore, #tpu.memory_space<semaphore_mem>>)
        %dma_wait3A = arith.constant 0 : i32
        %dma_wait3A_789 = tpu.memref_slice %arg6[%add3A_779, %dma_wait3A] : memref<4096x64xf32, #tpu.memory_space<hbm>> -> memref<16x64xf32, #tpu.memory_space<hbm>>
        %dma_wait3A_790 = arith.constant 0 : i32
        %dma_wait3A_791 = tpu.memref_slice %arg6[%add3A_779, %dma_wait3A_790] : memref<4096x64xf32, #tpu.memory_space<hbm>> -> memref<16x64xf32, #tpu.memory_space<hbm>>
        tpu.wait_dma2 semaphore(%run_scoped3A : memref<!tpu.dma_semaphore, #tpu.memory_space<semaphore_mem>>) src(%arg11 : memref<16x64xf32, #tpu.memory_space<vmem>>) dst(%dma_wait3A_791 : memref<16x64xf32, #tpu.memory_space<hbm>>)
        tpu.yield
      }) : () -> ()
    }
    %scan3A_775 = arith.constant 8 : i32
    return
  }
}

</mosaic_0001>

<sc_bundles>
// kernel: kernel.3.cloned.1.call-start
scs
__scs_entry_jumppad:
0x0: {  	(pc) =	sbr.rel $0x88, $3  }
0x1: {  	(tag) =	ssettag $0x0;
	lr =	simm.s32 $0x1  }
0x2: {  	[smem:$0x3F9E] =	sst lr;
	_ =	strace $0xD0000000  }
0x3: {  	_ = 	snop  }
0x4: {  	_ = 	snop  }
0x5: {  	_ = 	snop  }
0x6: {  	_ = 	snop  }
0x7: {  	_ = 	snop  }
__scs_overlays_trampoline_lowered:
0x8: {  	[smem:$0x3FAD] =	sst s0  }
0x9: {  	[smem:$0x3FAE] =	sst s1  }
0xa: {  	[smem:$0x3FAF] =	sst s2  }
0xb: {  	[smem:$0x3FB0] =	sst s3  }
0xc: {  	[smem:$0x3FB1] =	sst s4  }
0xd: {  	[smem:$0x3FB2] =	sst s5  }
0xe: {  	[smem:$0x3FB3] =	sst s6  }
0xf: {  	[smem:$0x3FB4] =	sst s7  }
0x10: {  	[smem:$0x3FB5] =	sst s8  }
0x11: {  	[smem:$0x3FB6] =	sst s9;
	s0 =	simm.s32 @!p0 $0x0  }
0x12: {  	s1 =	sld [smem:$0x3F9C];
	s0 =	simm.s32 @p0 $0x1  }
0x13: {  	[smem:$0x3FB7] =	sst s0;
	s0 =	simm.s32 @!p1 $0x0  }
0x14: {  	s2 =	sld [smem:$0x3F9B];
	s0 =	simm.s32 @p1 $0x1  }
0x15: {  	[smem:$0x3FB8] =	sst s0;
	s0 =	simm.s32 @!p2 $0x0  }
0x16: {  	s3 =	sld [smem:$0x3FDB];
	s0 =	simm.s32 @p2 $0x1  }
0x17: {  	s4 =	simm.s32 $0x1BF5;
	[smem:$0x3FBA] =	sst s0  }
0x18: {  	s0 =	sld [smem:$0x3F9D];
	_ =	swait.ge [sflag:s4], $0x0  }
0x19: {  	s7 =	sld [smem:$0x3F9E]  }
0x1a: {  	s8 =	sadd.s32 $0xFFFFE003, lr  }
0x1b: {  	s9 =	sadd.s32 $0xFFFFFEF7, lr;
	s5 =	simm.s32 $0xFFFFFFFF;
	p2 =	slt.u32 s8, $0xFFFFF086  }
0x1c: {  	p1 =	slt.u32 s9, $0xF7A;
	s5 =	simm.s32 @!p2 $0x0  }
0x1d: {  	s5 =	simm.s32 @p1 $0x1;
	p0 =	seq.s32 s7, s2  }
0x1e: {  	s7 =	smul.u32 @!p0 $0xF7A, s2;
	p2 =	seq.s32 @!p0 s5, $0x0  }
0x1f: {  	s9 =	smul.u32 $0xF7A, s1;
	s8 =	simm.s32 @!p0 $0x1BF5;
	p2 =	por !p2, p0  }
0x20: {  	[sflag:s8] =	ssyncset.s32 @!p0 $0xFFFFF086;
	s6 =	sadd.s32 @!p0 s3, s7;
	s7 =	simm.s32 @!p0 $0x108  }
0x21: {  	s3 =	sadd.s32 s3, s9;
	s6 =	sadd.s32 @!p0 $0x88, s6;
	s7 =	simm.s32 @p2 $0x1082  }
0x22: {  	[simem:s7], [sflag:s8] =	dma.local @!p0 [hbm:s6], $0xF7A  }
0x23: {  	s9 =	sor.u32 $0xD0000000, s2;
	s6 =	simm.s32 $0x108;
	_ =	swait.ge @!p0 [sflag:s8], $0x0  }
0x24: {  	s3 =	sadd.s32 $0x88, s3;
	s6 =	simm.s32 @!p1 $0x1082;
	[sflag:s4] =	ssyncset.s32 $0xFFFFF086  }
0x25: {  	[simem:s6], [sflag:s4] =	dma.local [hbm:s3], $0xF7A  }
0x26: {  	[smem:$0x3F9E] =	sst s1;
	(tag) =	ssettag s2;
	_ =	strace s9  }
0x27: {  	s1 =	sld [smem:$0x3FAE]  }
0x28: {  	s2 =	sld [smem:$0x3FAF]  }
0x29: {  	s4 =	sld [smem:$0x3FB1]  }
0x2a: {  	p0 =	seq.s32 s5, $0x0;
	s5 =	sld [smem:$0x3FB2]  }
0x2b: {  	s6 =	sld [smem:$0x3FB3]  }
0x2c: {  	s7 =	sld [smem:$0x3FB4]  }
0x2d: {  	s3 =	simm.s32 $0x108;
	s8 =	sld [smem:$0x3FB5]  }
0x2e: {  	s3 =	simm.s32 @!p0 $0x1082;
	s9 =	sld [smem:$0x3FB6]  }
0x2f: {  	lr =	sadd.s32 s0, s3;
	s0 =	sld [smem:$0x3FAD]  }
0x30: {  	s3 =	sld [smem:$0x3FB0]  }
0x31: {  	[smem:$0x3FB9] =	sst s10  }
0x32: {  	s10 =	sld [smem:$0x3FB7];
	_ =	sdelay $0x3  }
0x33: {  	p0 =	seq.s32 s10, $0x1;
	s10 =	sld [smem:$0x3FB9];
	_ =	sdelay $0x3  }
0x34: {  	[smem:$0x3FB9] =	sst s10  }
0x35: {  	s10 =	sld [smem:$0x3FB8];
	_ =	sdelay $0x3  }
0x36: {  	p1 =	seq.s32 s10, $0x1;
	s10 =	sld [smem:$0x3FB9];
	_ =	sdelay $0x3  }
0x37: {  	[smem:$0x3FB9] =	sst s10  }
0x38: {  	s10 =	sld [smem:$0x3FBA]  }
0x39: {  	_ = 	snop;
	(pc) =	sbr.ind lr, $3  }
0x3a: {  	_ = 	snop  }
0x3b: {  	_ = 	snop  }
0x3c: {  	p2 =	seq.s32 s10, $0x1;
	s10 =	sld [smem:$0x3FB9]  }
0x3d: {  	_ =	shalt  }
0x3e: {  	_ =	shalt  }
0x3f: {  	_ =	shalt  }
0x40: {  	_ =	shalt  }
0x41: {  	_ =	shalt  }
0x42: {  	_ =	shalt  }
0x43: {  	_ =	shalt  }
0x44: {  	_ =	shalt  }
0x45: {  	_ =	shalt  }
0x46: {  	_ =	shalt  }
0x47: {  	_ =	shalt  }
0x48: {  	_ =	shalt  }
0x49: {  	_ =	shalt  }
0x4a: {  	_ =	shalt  }
0x4b: {  	_ =	shalt  }
0x4c: {  	_ =	shalt  }
0x4d: {  	_ =	shalt  }
0x4e: {  	_ =	shalt  }
0x4f: {  	_ =	shalt  }
0x50: {  	_ =	shalt  }
0x51: {  	_ =	shalt  }
0x52: {  	_ =	shalt  }
0x53: {  	_ =	shalt  }
0x54: {  	_ =	shalt  }
0x55: {  	_ =	shalt  }
0x56: {  	_ =	shalt  }
0x57: {  	_ =	shalt  }
0x58: {  	_ =	shalt  }
0x59: {  	_ =	shalt  }
0x5a: {  	_ =	shalt  }
0x5b: {  	_ =	shalt  }
0x5c: {  	_ =	shalt  }
0x5d: {  	_ =	shalt  }
0x5e: {  	_ =	shalt  }
0x5f: {  	_ =	shalt  }
0x60: {  	_ =	shalt  }
0x61: {  	_ =	shalt  }
0x62: {  	_ =	shalt  }
0x63: {  	_ =	shalt  }
0x64: {  	_ =	shalt  }
0x65: {  	_ =	shalt  }
0x66: {  	_ =	shalt  }
0x67: {  	_ =	shalt  }
0x68: {  	_ =	shalt  }
0x69: {  	_ =	shalt  }
0x6a: {  	_ =	shalt  }
0x6b: {  	_ =	shalt  }
0x6c: {  	_ =	shalt  }
0x6d: {  	_ =	shalt  }
0x6e: {  	_ =	shalt  }
0x6f: {  	_ =	shalt  }
0x70: {  	_ =	shalt  }
0x71: {  	_ =	shalt  }
0x72: {  	_ =	shalt  }
0x73: {  	_ =	shalt  }
0x74: {  	_ =	shalt  }
0x75: {  	_ =	shalt  }
0x76: {  	_ =	shalt  }
0x77: {  	_ =	shalt  }
0x78: {  	_ =	shalt  }
0x79: {  	_ =	shalt  }
0x7a: {  	_ =	shalt  }
0x7b: {  	_ =	shalt  }
0x7c: {  	_ =	shalt  }
0x7d: {  	_ =	shalt  }
0x7e: {  	_ =	shalt  }
0x7f: {  	_ =	shalt  }
0x80: {  	_ =	shalt  }
0x81: {  	_ =	shalt  }
0x82: {  	_ =	shalt  }
0x83: {  	_ =	shalt  }
0x84: {  	_ =	shalt  }
0x85: {  	_ =	shalt  }
0x86: {  	_ =	shalt  }
0x87: {  	_ =	shalt  }
.Lfunc_end0:
.L_simem_size_0:
called_computation_lowered:
.L_overlay_start_0:
0x88: {  	s2 =	sld [smem:$0x3FD9]  }
0x89: {  	s3 =	sld [smem:$0x3FFE];
	_ =	sdelay $0x1  }
0x8a: {  	s1 =	srdreg.scid  }
0x8b: {  	s0 =	sand.u32 $0x1, s1  }
0x8c: {  	s16 =	sshll.u32 s0, $0xA;
	s2 =	sadd.s32 s3, s2  }
0x8d: {  	s2 =	sadd.s32 s2, s16  }
0x8e: {  	[smem:$0x3FC5] =	sst s2  }
0x8f: {  	_ = 	snop  }
0x90: {  	(tm) =	ssettm $0x1  }
0x91: {  	s17 =	sld [smem:$0x3FFB];
	_ =	sdelay $0x3  }
0x92: {  	_ =	strace s17  }
0x93: {  	s2 =	sld [smem:$0x3FFC];
	_ =	sdelay $0x3  }
0x94: {  	_ =	strace s2  }
0x95: {  	s2 =	sld [smem:$0x3FFD];
	_ =	sdelay $0x3  }
0x96: {  	_ =	strace s2  }
0x97: {  	_ =	strace $0x8FFFFFFF  }
0x98: {  	s18 =	sld [smem:$0x3FDB];
	_ =	sdelay $0x1  }
0x99: {  	s19 =	simm.s32 $_scs_section_size  }
0x9a: {  	s4 =	simm.s32 $_size__tile_overlayer_lowered;
	s5 =	simm.s32 $_tile_overlayer_lowered  }
0x9b: {  	s22 =	simm.s32 $0x1BFF;
	s21 =	sshll.u32 s5, $0x1;
	s2 =	sadd.s32 s19, s18  }
0x9c: {  	s6 =	simm.s32 $0x0;
	s20 =	sshll.u32 s4, $0x1;
	s4 =	sadd.s32 s21, s2  }
0x9d: {  	[timem:s6], [sflag:s22] =	dma.local [hbm:s4], s20  }
0x9e: {  	_ =	swait.ge [sflag:s22], s20  }
0x9f: {  	s3 =	ssub.s32 $0x0, s20;
	[sflag:s22] =	ssyncset.done $0x0  }
0xa0: {  	[sflag:s22] =	ssyncadd.s32 s3;
	_ =	sdelay $0x1  }
0xa1: {  	s23 =	simm.s32 $0x1B8B  }
0xa2: {  	_ =	swait.ge [sflag:s23], $0x1  }
0xa3: {  	[sflag:s23] =	ssyncset.done $0x0  }
0xa4: {  	s25 =	simm.s32 $0x1B8E;
	s24 =	sld [smem:$0x3FFE];
	[sflag:s23] =	ssyncadd.s32 $0xFFFFFFFF  }
0xa5: {  	s26 =	simm.s32 $execute0_lowered;
	[smem:$0x3FD2] =	sst s25  }
0xa6: {  	s4 =	sshll.u32 s26, $0x1;
	_ =	strace $0x80000046;
	[dreg:$0x1] =	wrdreg $0xFFFFFFFF  }
0xa7: {  	s28 =	simm.s32 $_size_execute0_lowered;
	s2 =	sadd.s32 s2, s4;
	[dreg:$0x0] =	wrdreg $0x0  }
0xa8: {  	s4 =	sshll.u32 s28, $0x1;
	[dreg:$0x2] =	wrdreg s2  }
0xa9: {  	[dreg:$0x3] =	wrdreg s4  }
0xaa: {  	[dreg:$0x4] =	wrdreg $0xC0  }
0xab: {  	_ =	task [dreg:s6], $0x5FFFF  }
0xac: {  	[dreg:$0x1] =	wrdreg $0xFFFFFFFF  }
0xad: {  	[dreg:$0x0] =	wrdreg $0x60  }
0xae: {  	[dreg:$0x2] =	wrdreg s24  }
0xaf: {  	[dreg:$0x3] =	wrdreg $0x9  }
0xb0: {  	_ =	task.clear_ibuf [dreg:s6], $0x4FFFF;
	_ =	strace $0x90000046  }
0xb1: {  	s29 =	simm.s32 $0x9;
	_ =	strace $0x80000048  }
0xb2: {  	_ =	swait.ge [sflag:s29], $0x1  }
0xb3: {  	[sflag:s29] =	ssyncadd.s32 $0xFFFFFFFF  }
0xb4: {  	_ =	strace $0x90000048  }
0xb5: {  	_ =	sfence  }
0xb6: {  	s30 =	sld [smem:$0x0];
	_ =	sdelay $0x2  }
0xb7: {  	s31 =	sshll.u32 s1, $0xD;
	s1 =	sshrl.u32 s1, $0x2  }
0xb8: {  	s3 =	sand.u32 $0x4000, s31;
	s1 =	sadd.s32 s1, s30  }
0xb9: {  	s0 =	sor.u32 s3, s0;
	s1 =	sshll.u32 s1, $0x11  }
0xba: {  	s0 =	sor.u32 s1, s0  }
0xbb: {  	s0 =	sadd.s32 $0x8F2B, s0  }
0xbc: {  	[sflag:s0] =	ssyncadd.remote.s32 $0x1  }
0xbd: {  	_ =	sfence.sel $0xFFFF  }
0xbe: {  	[dreg:$0x0] =	wrdreg $0xFFFFFFFF;
	(pc) =	sbr.abs _section_cstart, $3  }
0xbf: {  	[dreg:$0x1] =	wrdreg $0xFFFFFFFF  }
0xc0: {  	_ =	task.clear_ibuf [dreg:s6], $0x2FFFF;
	_ =	strace $0x9FFFFFFF  }
0xc1: {  	(tm) =	ssettm $0x7FFFFFFF  }
tec
execute0_lowered:
.L_overlay_start_1:
0x0: {  	(tag) =	ssettag $0x1  }
0x1: {  	s0 =	rddreg [dreg:$0x0];
	s1 =	simm.s32 $0x0;
	s23 =	srdreg.scid  }
0x2: {  	s4 =	stileid.u32;
	[smem:$0x7FF] =	sst s1  }
0x3: {  	s2 =	sadd.s32 $0xA00, s0;
	s1 =	sand.u32 $0x1, s23;
	s24 =	sadd.s32 $0x40A00, s0  }
0x4: {  	s25 =	sadd.s32 $0xFA2E00, s0;
	_ =	strace $0x80000047;
	[dreg:$0x8] =	wrdreg s2  }
0x5: {  	s3 =	sadd.s32 $0x60A00, s0;
	s29 =	sshll.u32 s4, $0x8;
	[dreg:$0x9] =	wrdreg s24  }
0x6: {  	s0 =	sadd.s32 $0x7F400, s0;
	[dreg:$0xa] =	wrdreg s25;
	s26 =	ssub.s32 $0x2, s1  }
0x7: {  	[dreg:$0xb] =	wrdreg s3;
	s1 =	sshll.u32 s1, $0x7;
	s28 =	sshrl.u32 s26, $0x1  }
0x8: {  	[dreg:$0xc] =	wrdreg s0;
	s30 =	sor.u32 s1, s29;
	s2 =	ssub.s32 s26, s28  }
0x9: {  	[dreg:$0xd] =	wrdreg s30;
	s31 =	smax.u32 s2, $0x1  }
0xa: {  	s1 =	simm.s32 $0x0;
	s2 =	simm.s32 $0x2;
	[dreg:$0xe] =	wrdreg s31  }
.LBB2_1:
0xb: {  	v0 =	vimm.f32 $0.0e+00  }
0xc: {  	[tilespmem:$0x6200] =	vst v0  }
0xd: {  	[tilespmem:$0x6210] =	vst v0  }
0xe: {  	[tilespmem:$0x6220] =	vst v0  }
0xf: {  	[tilespmem:$0x6230] =	vst v0  }
0x10: {  	[tilespmem:$0x6240] =	vst v0  }
0x11: {  	[tilespmem:$0x6250] =	vst v0  }
0x12: {  	[tilespmem:$0x6260] =	vst v0  }
0x13: {  	[tilespmem:$0x6270] =	vst v0  }
0x14: {  	[tilespmem:$0x6280] =	vst v0  }
0x15: {  	[tilespmem:$0x6290] =	vst v0  }
0x16: {  	[tilespmem:$0x62A0] =	vst v0  }
0x17: {  	[tilespmem:$0x62B0] =	vst v0  }
0x18: {  	[tilespmem:$0x62C0] =	vst v0  }
0x19: {  	[tilespmem:$0x62D0] =	vst v0  }
0x1a: {  	[tilespmem:$0x62E0] =	vst v0  }
0x1b: {  	[tilespmem:$0x62F0] =	vst v0  }
0x1c: {  	[tilespmem:$0x6300] =	vst v0  }
0x1d: {  	[tilespmem:$0x6310] =	vst v0  }
0x1e: {  	[tilespmem:$0x6320] =	vst v0  }
0x1f: {  	[tilespmem:$0x6330] =	vst v0  }
0x20: {  	[tilespmem:$0x6340] =	vst v0  }
0x21: {  	[tilespmem:$0x6350] =	vst v0  }
0x22: {  	[tilespmem:$0x6360] =	vst v0  }
0x23: {  	[tilespmem:$0x6370] =	vst v0  }
0x24: {  	[tilespmem:$0x6380] =	vst v0  }
0x25: {  	[tilespmem:$0x6390] =	vst v0  }
0x26: {  	[tilespmem:$0x63A0] =	vst v0  }
0x27: {  	[tilespmem:$0x63B0] =	vst v0  }
0x28: {  	[tilespmem:$0x63C0] =	vst v0  }
0x29: {  	[tilespmem:$0x63D0] =	vst v0  }
0x2a: {  	[tilespmem:$0x63E0] =	vst v0  }
0x2b: {  	[tilespmem:$0x63F0] =	vst v0  }
0x2c: {  	[tilespmem:$0x6400] =	vst v0  }
0x2d: {  	[tilespmem:$0x6410] =	vst v0  }
0x2e: {  	[tilespmem:$0x6420] =	vst v0  }
0x2f: {  	[tilespmem:$0x6430] =	vst v0  }
0x30: {  	[tilespmem:$0x6440] =	vst v0  }
0x31: {  	[tilespmem:$0x6450] =	vst v0  }
0x32: {  	[tilespmem:$0x6460] =	vst v0  }
0x33: {  	[tilespmem:$0x6470] =	vst v0  }
0x34: {  	[tilespmem:$0x6480] =	vst v0  }
0x35: {  	[tilespmem:$0x6490] =	vst v0  }
0x36: {  	[tilespmem:$0x64A0] =	vst v0  }
0x37: {  	[tilespmem:$0x64B0] =	vst v0  }
0x38: {  	[tilespmem:$0x64C0] =	vst v0  }
0x39: {  	[tilespmem:$0x64D0] =	vst v0  }
0x3a: {  	[tilespmem:$0x64E0] =	vst v0  }
0x3b: {  	[tilespmem:$0x64F0] =	vst v0  }
0x3c: {  	[tilespmem:$0x6500] =	vst v0  }
0x3d: {  	[tilespmem:$0x6510] =	vst v0  }
0x3e: {  	[tilespmem:$0x6520] =	vst v0  }
0x3f: {  	[tilespmem:$0x6530] =	vst v0  }
0x40: {  	[tilespmem:$0x6540] =	vst v0  }
0x41: {  	[tilespmem:$0x6550] =	vst v0  }
0x42: {  	[tilespmem:$0x6560] =	vst v0  }
0x43: {  	[tilespmem:$0x6570] =	vst v0  }
0x44: {  	[tilespmem:$0x6580] =	vst v0  }
0x45: {  	[tilespmem:$0x6590] =	vst v0  }
0x46: {  	[tilespmem:$0x65A0] =	vst v0  }
0x47: {  	[tilespmem:$0x65B0] =	vst v0  }
0x48: {  	[tilespmem:$0x65C0] =	vst v0  }
0x49: {  	[tilespmem:$0x65D0] =	vst v0  }
0x4a: {  	[tilespmem:$0x65E0] =	vst v0  }
0x4b: {  	[tilespmem:$0x65F0] =	vst v0  }
0x4c: {  	[tilespmem:$0x6600] =	vst v0  }
0x4d: {  	[tilespmem:$0x6610] =	vst v0  }
0x4e: {  	[tilespmem:$0x6620] =	vst v0  }
0x4f: {  	[tilespmem:$0x6630] =	vst v0  }
0x50: {  	[tilespmem:$0x6640] =	vst v0  }
0x51: {  	[tilespmem:$0x6650] =	vst v0  }
0x52: {  	[tilespmem:$0x6660] =	vst v0  }
0x53: {  	[tilespmem:$0x6670] =	vst v0  }
0x54: {  	[tilespmem:$0x6680] =	vst v0  }
0x55: {  	[tilespmem:$0x6690] =	vst v0  }
0x56: {  	[tilespmem:$0x66A0] =	vst v0  }
0x57: {  	[tilespmem:$0x66B0] =	vst v0  }
0x58: {  	[tilespmem:$0x66C0] =	vst v0  }
0x59: {  	[tilespmem:$0x66D0] =	vst v0  }
0x5a: {  	[tilespmem:$0x66E0] =	vst v0  }
0x5b: {  	[tilespmem:$0x66F0] =	vst v0  }
0x5c: {  	[tilespmem:$0x6700] =	vst v0  }
0x5d: {  	[tilespmem:$0x6710] =	vst v0  }
0x5e: {  	[tilespmem:$0x6720] =	vst v0  }
0x5f: {  	[tilespmem:$0x6730] =	vst v0  }
0x60: {  	[tilespmem:$0x6740] =	vst v0  }
0x61: {  	[tilespmem:$0x6750] =	vst v0  }
0x62: {  	[tilespmem:$0x6760] =	vst v0  }
0x63: {  	[tilespmem:$0x6770] =	vst v0  }
0x64: {  	[tilespmem:$0x6780] =	vst v0  }
0x65: {  	[tilespmem:$0x6790] =	vst v0  }
0x66: {  	[tilespmem:$0x67A0] =	vst v0  }
0x67: {  	[tilespmem:$0x67B0] =	vst v0  }
0x68: {  	[tilespmem:$0x67C0] =	vst v0  }
0x69: {  	[tilespmem:$0x67D0] =	vst v0  }
0x6a: {  	[tilespmem:$0x67E0] =	vst v0  }
0x6b: {  	[tilespmem:$0x67F0] =	vst v0  }
0x6c: {  	[tilespmem:$0x9A00] =	vst v0  }
0x6d: {  	[tilespmem:$0x9A10] =	vst v0  }
0x6e: {  	[tilespmem:$0x9A20] =	vst v0  }
0x6f: {  	[tilespmem:$0x9A30] =	vst v0  }
0x70: {  	[tilespmem:$0x9A40] =	vst v0  }
0x71: {  	[tilespmem:$0x9A50] =	vst v0  }
0x72: {  	[tilespmem:$0x9A60] =	vst v0  }
0x73: {  	[tilespmem:$0x9A70] =	vst v0  }
0x74: {  	[tilespmem:$0x9A80] =	vst v0  }
0x75: {  	[tilespmem:$0x9A90] =	vst v0  }
0x76: {  	[tilespmem:$0x9AA0] =	vst v0  }
0x77: {  	[tilespmem:$0x9AB0] =	vst v0  }
0x78: {  	[tilespmem:$0x9AC0] =	vst v0  }
0x79: {  	[tilespmem:$0x9AD0] =	vst v0  }
0x7a: {  	[tilespmem:$0x9AE0] =	vst v0  }
0x7b: {  	[tilespmem:$0x9AF0] =	vst v0  }
0x7c: {  	[tilespmem:$0x9B00] =	vst v0  }
0x7d: {  	[tilespmem:$0x9B10] =	vst v0  }
0x7e: {  	[tilespmem:$0x9B20] =	vst v0  }
0x7f: {  	[tilespmem:$0x9B30] =	vst v0  }
0x80: {  	[tilespmem:$0x9B40] =	vst v0  }
0x81: {  	[tilespmem:$0x9B50] =	vst v0  }
0x82: {  	[tilespmem:$0x9B60] =	vst v0  }
0x83: {  	[tilespmem:$0x9B70] =	vst v0  }
0x84: {  	[tilespmem:$0x9B80] =	vst v0  }
0x85: {  	[tilespmem:$0x9B90] =	vst v0  }
0x86: {  	[tilespmem:$0x9BA0] =	vst v0  }
0x87: {  	[tilespmem:$0x9BB0] =	vst v0  }
0x88: {  	[tilespmem:$0x9BC0] =	vst v0  }
0x89: {  	[tilespmem:$0x9BD0] =	vst v0  }
0x8a: {  	[tilespmem:$0x9BE0] =	vst v0  }
0x8b: {  	[tilespmem:$0x9BF0] =	vst v0  }
0x8c: {  	[tilespmem:$0x9C00] =	vst v0  }
0x8d: {  	[tilespmem:$0x9C10] =	vst v0  }
0x8e: {  	[tilespmem:$0x9C20] =	vst v0  }
0x8f: {  	[tilespmem:$0x9C30] =	vst v0  }
0x90: {  	[tilespmem:$0x9C40] =	vst v0  }
0x91: {  	[tilespmem:$0x9C50] =	vst v0  }
0x92: {  	[tilespmem:$0x9C60] =	vst v0  }
0x93: {  	[tilespmem:$0x9C70] =	vst v0  }
0x94: {  	[tilespmem:$0x9C80] =	vst v0  }
0x95: {  	[tilespmem:$0x9C90] =	vst v0  }
0x96: {  	[tilespmem:$0x9CA0] =	vst v0  }
0x97: {  	[tilespmem:$0x9CB0] =	vst v0  }
0x98: {  	[tilespmem:$0x9CC0] =	vst v0  }
0x99: {  	[tilespmem:$0x9CD0] =	vst v0  }
0x9a: {  	[tilespmem:$0x9CE0] =	vst v0  }
0x9b: {  	[tilespmem:$0x9CF0] =	vst v0  }
0x9c: {  	[tilespmem:$0x9D00] =	vst v0  }
0x9d: {  	[tilespmem:$0x9D10] =	vst v0  }
0x9e: {  	[tilespmem:$0x9D20] =	vst v0  }
0x9f: {  	[tilespmem:$0x9D30] =	vst v0  }
0xa0: {  	[tilespmem:$0x9D40] =	vst v0  }
0xa1: {  	[tilespmem:$0x9D50] =	vst v0  }
0xa2: {  	[tilespmem:$0x9D60] =	vst v0  }
0xa3: {  	[tilespmem:$0x9D70] =	vst v0  }
0xa4: {  	[tilespmem:$0x9D80] =	vst v0  }
0xa5: {  	[tilespmem:$0x9D90] =	vst v0  }
0xa6: {  	[tilespmem:$0x9DA0] =	vst v0  }
0xa7: {  	[tilespmem:$0x9DB0] =	vst v0  }
0xa8: {  	[tilespmem:$0x9DC0] =	vst v0  }
0xa9: {  	[tilespmem:$0x9DD0] =	vst v0  }
0xaa: {  	[tilespmem:$0x9DE0] =	vst v0  }
0xab: {  	[tilespmem:$0x9DF0] =	vst v0  }
0xac: {  	[tilespmem:$0x9E00] =	vst v0  }
0xad: {  	[tilespmem:$0x9E10] =	vst v0  }
0xae: {  	[tilespmem:$0x9E20] =	vst v0  }
0xaf: {  	[tilespmem:$0x9E30] =	vst v0  }
0xb0: {  	[tilespmem:$0x9E40] =	vst v0  }
0xb1: {  	[tilespmem:$0x9E50] =	vst v0  }
0xb2: {  	[tilespmem:$0x9E60] =	vst v0  }
0xb3: {  	[tilespmem:$0x9E70] =	vst v0  }
0xb4: {  	[tilespmem:$0x9E80] =	vst v0  }
0xb5: {  	[tilespmem:$0x9E90] =	vst v0  }
0xb6: {  	[tilespmem:$0x9EA0] =	vst v0  }
0xb7: {  	[tilespmem:$0x9EB0] =	vst v0  }
0xb8: {  	[tilespmem:$0x9EC0] =	vst v0  }
0xb9: {  	[tilespmem:$0x9ED0] =	vst v0  }
0xba: {  	[tilespmem:$0x9EE0] =	vst v0  }
0xbb: {  	[tilespmem:$0x9EF0] =	vst v0  }
0xbc: {  	[tilespmem:$0x9F00] =	vst v0  }
0xbd: {  	[tilespmem:$0x9F10] =	vst v0  }
0xbe: {  	[tilespmem:$0x9F20] =	vst v0  }
0xbf: {  	[tilespmem:$0x9F30] =	vst v0  }
0xc0: {  	[tilespmem:$0x9F40] =	vst v0  }
0xc1: {  	[tilespmem:$0x9F50] =	vst v0  }
0xc2: {  	[tilespmem:$0x9F60] =	vst v0  }
0xc3: {  	[tilespmem:$0x9F70] =	vst v0  }
0xc4: {  	[tilespmem:$0x9F80] =	vst v0  }
0xc5: {  	[tilespmem:$0x9F90] =	vst v0  }
0xc6: {  	[tilespmem:$0x9FA0] =	vst v0  }
0xc7: {  	[tilespmem:$0x9FB0] =	vst v0  }
0xc8: {  	[tilespmem:$0x9FC0] =	vst v0  }
0xc9: {  	[tilespmem:$0x9FD0] =	vst v0  }
0xca: {  	[tilespmem:$0x9FE0] =	vst v0  }
0xcb: {  	[dreg:$0xf] =	wrdreg s1;
	s0 =	simm.s32 $0x0;
	[tilespmem:$0x9FF0] =	vst v0  }
.LBB2_2:
0xcc: {  	s26 =	sshll.u32 s0, $0x4;
	s1 =	rddreg [dreg:$0xd]  }
0xcd: {  	[dreg:$0x10] =	wrdreg s0;
	s3 =	sadd.s32 s1, s26  }
0xce: {  	s28 =	rddreg [dreg:$0x8];
	s0 =	sshll.u32 s3, $0x6  }
0xcf: {  	s4 =	simm.s32 $0x0;
	s0 =	sadd.s32 s28, s0  }
0xd0: {  	[tilespmem:s4], [sflag:$0x2] =	stream.linear.gather [hbm4b:s0+s4], $0x2000, $0x38;
	[tilespmem:$0xA900] =	vst v63  }
0xd1: {  	s31 =	simm.s32 $0x2000;
	_ =	swait.ge [sflag:s2], $0x2000  }
0xd2: {  	s29 =	sshll.u32 s3, $0x5;
	[sflag:s2] =	ssyncset.done $0x0;
	s30 =	rddreg [dreg:$0x9]  }
0xd3: {  	[dreg:$0x11] =	wrdreg s3;
	[sflag:s2] =	ssyncadd.s32 $0xFFFFE000;
	s0 =	sadd.s32 s30, s29  }
0xd4: {  	[tilespmem:s31], [sflag:$0x2] =	stream.linear.gather [hbm4b:s0+s4], $0x1000, $0x38;
	[tilespmem:$0xA900] =	vst v63  }
0xd5: {  	_ =	swait.ge [sflag:s2], $0x1000  }
0xd6: {  	[sflag:s2] =	ssyncset.done $0x0  }
0xd7: {  	s5 =	simm.s32 $0x0;
	[sflag:s2] =	ssyncadd.s32 $0xFFFFF000  }
.LBB2_3:
0xd8: {  	v0 =	vimm.f32 $-1.000000020e+30  }
0xd9: {  	s0 =	sshll.u32 s5, $0x9;
	s2 =	rddreg [dreg:$0xa];
	[tilespmem:$0xA060] =	vst v0  }
0xda: {  	s3 =	simm.s32 $0x64;
	s1 =	simm.s32 $0x3000;
	[tilespmem:$0xA0D0] =	vst v0;
	s0 =	sand.u32 $0x3FFFFE00, s0  }
0xdb: {  	[tilespmem:s1], [sflag:$0x1] =	stream.indirect.gather [hbm4b:s2+s3], $0x80, s0, s3, $0xb8;
	[tilespmem:$0xA900] =	vst v63  }
0xdc: {  	s4 =	simm.s32 $0x6800;
	s13 =	sor.u32 $0x80, s0  }
0xdd: {  	[tilespmem:s4], [sflag:$0x1] =	stream.indirect.gather [hbm4b:s2+s3], $0x80, s13, s3, $0xb8;
	[tilespmem:$0xA900] =	vst v63  }
0xde: {  	s11 =	simm.s32 $0xA000;
	s15 =	rddreg [dreg:$0xb];
	s14 =	sor.u32 $0x100, s0  }
0xdf: {  	[tilespmem:s11], [sflag:$0x1] =	stream.indirect.gather [hbm4b:s15+s3], $0x1, s14, s3, $0xb8;
	[tilespmem:$0xA900] =	vst v63  }
0xe0: {  	s16 =	simm.s32 $0xA070;
	s17 =	simm.s32 $0x1;
	s0 =	sor.u32 $0x180, s0  }
0xe1: {  	[tilespmem:s16], [sflag:$0x1] =	stream.indirect.gather [hbm4b:s15+s3], $0x1, s0, s3, $0xb8;
	[tilespmem:$0xA900] =	vst v63  }
0xe2: {  	_ =	swait.ge [sflag:s17], $0x3200  }
0xe3: {  	[sflag:s17] =	ssyncset.done $0x0  }
0xe4: {  	[sflag:s17] =	ssyncadd.s32 $0xFFFFCE00  }
0xe5: {  	_ =	swait.ge [sflag:s17], $0x3200  }
0xe6: {  	[sflag:s17] =	ssyncset.done $0x0  }
0xe7: {  	[sflag:s17] =	ssyncadd.s32 $0xFFFFCE00  }
0xe8: {  	_ =	swait.ge [sflag:s17], $0x64  }
0xe9: {  	[sflag:s17] =	ssyncset.done $0x0  }
0xea: {  	[sflag:s17] =	ssyncadd.s32 $0xFFFFFF9C  }
0xeb: {  	_ =	swait.ge [sflag:s17], $0x64  }
0xec: {  	[sflag:s17] =	ssyncset.done $0x0  }
0xed: {  	[sflag:s17] =	ssyncadd.s32 $0xFFFFFF9C  }
0xee: {  	v0 =	vld [tilespmem:$0xA000]  }
0xef: {  	v1 =	vld [tilespmem:$0xA010]  }
0xf0: {  	v2 =	vld [tilespmem:$0xA020]  }
0xf1: {  	v3 =	vld [tilespmem:$0xA030]  }
0xf2: {  	v4 =	vld [tilespmem:$0xA040]  }
0xf3: {  	v6 =	vld [tilespmem:$0xA050];
	v5 =	vmax.f32 v0, $-1.000000020e+30  }
0xf4: {  	v7 =	vld [tilespmem:$0xA060];
	v5 =	vmax.f32 v5, v1  }
0xf5: {  	v8 =	vld [tilespmem:$0xA070];
	v5 =	vmax.f32 v5, v2  }
0xf6: {  	v9 =	vld [tilespmem:$0xA080];
	v5 =	vmax.f32 v5, v3  }
0xf7: {  	v10 =	vld [tilespmem:$0xA090];
	v5 =	vmax.f32 v5, v4  }
0xf8: {  	v11 =	vld [tilespmem:$0xA0A0];
	v5 =	vmax.f32 v5, v6  }
0xf9: {  	v12 =	vld [tilespmem:$0xA0B0];
	v5 =	vmax.f32 v5, v7  }
0xfa: {  	v13 =	vld [tilespmem:$0xA0C0];
	v5 =	vmax.f32 v5, v8  }
0xfb: {  	v14 =	vld [tilespmem:$0xA0D0];
	v5 =	vmax.f32 v5, v9  }
0xfc: {  	v5 =	vmax.f32 v5, v10  }
0xfd: {  	v5 =	vmax.f32 v5, v11  }
0xfe: {  	v5 =	vmax.f32 v5, v12  }
0xff: {  	v5 =	vmax.f32 v5, v13  }
0x100: {  	v5 =	vmax.f32 v5, v14  }
0x101: {  	(xrf0) =	vmax.scan.msk.f32 $0xffff, v5;
	_ =	sdelay $0x5  }
0x102: {  	v5, _, _ =	vpop (xrf0)  }
0x103: {  	v5 =	vbroadcast v5, $0xF;
	_ =	sdelay $0x1  }
0x104: {  	v0 =	vsub.f32 v0, v5  }
0x105: {  	v1 =	vsub.f32 v1, v5  }
0x106: {  	v2 =	vsub.f32 v2, v5;
	v0 =	vmul.f32 $1.442695020e+00, v0  }
0x107: {  	v3 =	vsub.f32 v3, v5;
	v1 =	vmul.f32 $1.442695020e+00, v1  }
0x108: {  	(erf) = vpow2.f32 v0;
	v0 =	vmul.f32 $1.442695020e+00, v2;
	v2 =	vsub.f32 v4, v5  }
0x109: {  	(erf) = vpow2.f32 v1;
	v1 =	vmul.f32 $1.442695020e+00, v3;
	v3 =	vsub.f32 v6, v5  }
0x10a: {  	(erf) = vpow2.f32 v0;
	v0 =	vmul.f32 $1.442695020e+00, v2;
	v2 =	vsub.f32 v7, v5  }
0x10b: {  	(erf) = vpow2.f32 v1;
	v1 =	vmul.f32 $1.442695020e+00, v3;
	v3 =	vsub.f32 v8, v5  }
0x10c: {  	(erf) = vpow2.f32 v0;
	v0 =	vmul.f32 $1.442695020e+00, v2;
	v2 =	vsub.f32 v9, v5  }
0x10d: {  	(erf) = vpow2.f32 v1;
	v1 =	vmul.f32 $1.442695020e+00, v3;
	v3 =	vsub.f32 v10, v5  }
0x10e: {  	(erf) = vpow2.f32 v0;
	v0 =	vmul.f32 $1.442695020e+00, v2;
	v2 =	vsub.f32 v11, v5  }
0x10f: {  	(erf) = vpow2.f32 v1;
	v1 =	vmul.f32 $1.442695020e+00, v3;
	v3 =	vsub.f32 v12, v5  }
0x110: {  	(erf) = vpow2.f32 v0;
	v0 =	vmul.f32 $1.442695020e+00, v2;
	v2 =	vsub.f32 v13, v5  }
0x111: {  	v4 =	vpop (erf)  }
0x112: {  	(erf) = vpow2.f32 v1;
	v1 =	vmul.f32 $1.442695020e+00, v3;
	[tilespmem:$0x1FED0] =	vst v4  }
0x113: {  	v3 =	vsub.f32 v14, v5;
	[tilespmem:$0xA000] =	vst v4;
	v4 =	vpop (erf);
	(erf) = vpow2.f32 v0;
	v0 =	vmul.f32 $1.442695020e+00, v2  }
0x114: {  	[tilespmem:$0xA010] =	vst v4;
	v2 =	vpop (erf)  }
0x115: {  	(erf) = vpow2.f32 v1;
	v1 =	vmul.f32 $1.442695020e+00, v3;
	[tilespmem:$0x1FEF0] =	vst v2  }
0x116: {  	[tilespmem:$0xA020] =	vst v2;
	v2 =	vpop (erf)  }
0x117: {  	(erf) = vpow2.f32 v0;
	[tilespmem:$0xA030] =	vst v2;
	v0 =	vpop (erf)  }
0x118: {  	[tilespmem:$0x1FF10] =	vst v0  }
0x119: {  	(erf) = vpow2.f32 v1;
	[tilespmem:$0xA040] =	vst v0;
	v1 =	vpop (erf)  }
0x11a: {  	[tilespmem:$0x1FF20] =	vst v1  }
0x11b: {  	v0 =	vpop (erf);
	[tilespmem:$0xA050] =	vst v1  }
0x11c: {  	[tilespmem:$0x1FF30] =	vst v0  }
0x11d: {  	v1 =	vpop (erf);
	[tilespmem:$0xA060] =	vst v0  }
0x11e: {  	[tilespmem:$0x1FF40] =	vst v1  }
0x11f: {  	v0 =	vpop (erf);
	[tilespmem:$0xA070] =	vst v1  }
0x120: {  	[tilespmem:$0x1FF50] =	vst v0  }
0x121: {  	v1 =	vpop (erf);
	[tilespmem:$0xA080] =	vst v0  }
0x122: {  	[tilespmem:$0x1FF60] =	vst v1  }
0x123: {  	v0 =	vpop (erf);
	[tilespmem:$0xA090] =	vst v1  }
0x124: {  	[tilespmem:$0x1FF70] =	vst v0  }
0x125: {  	v1 =	vpop (erf);
	[tilespmem:$0xA0A0] =	vst v0  }
0x126: {  	v0 =	vpop (erf);
	[tilespmem:$0xA0B0] =	vst v1  }
0x127: {  	[tilespmem:$0x1FF90] =	vst v0  }
0x128: {  	[tilespmem:$0xA0C0] =	vst v0;
	v0 =	vpop (erf)  }
0x129: {  	s24 =	simm.s32 $0x3400;
	[tilespmem:$0xA0D0] =	vst v0  }
0x12a: {  	[tilespmem:$0x1FFA0] =	vst v0;
	v0 =	vld [tilespmem:s24+$0x3C0]  }
0x12b: {  	s18 =	sshll.u32 s5, $0x8;
	s19 =	sshll.u32 s5, $0x7;
	[tilespmem:$0x1FF80] =	vst v1;
	v1 =	vld [tilespmem:s24+$0x3D0]  }
0x12c: {  	s1 =	sand.u32 $0x380, s19;
	s0 =	sand.u32 $0x800, s18;
	v18 =	vld [tilespmem:s24+$0x340]  }
0x12d: {  	s0 =	sor.u32 s1, s0;
	v19 =	vld [tilespmem:s24+$0x350]  }
0x12e: {  	s0 =	sor.u32 $0x2000, s0;
	v21 =	vld [tilespmem:s24+$0x360]  }
0x12f: {  	s20 =	simm.s32 $0x0;
	[dreg:$0x2] =	wrdreg s0;
	v51 =	vld [tilespmem:s24+$0x370]  }
0x130: {  	s21 =	sand.u32 $0x400, s20;
	s0 =	rddreg [dreg:$0x2];
	v6 =	vld [tilespmem:s24+$0x2C0]  }
0x131: {  	s2 =	sand.u32 $0x70, s20;
	s0 =	sadd.s32 s21, s0;
	v61 =	vld [tilespmem:s11+$0x0]  }
0x132: {  	s0 =	sadd.s32 s2, s0;
	v29 =	vld [tilespmem:s24+$0x2D0]  }
0x133: {  	v62 =	vld [tilespmem:s0+$0x0]  }
0x134: {  	v28 =	vld [tilespmem:s24+$0x2E0]  }
0x135: {  	v27 =	vld [tilespmem:s24+$0x2F0]  }
0x136: {  	[tilespmem:$0x1FF00] =	vst v2;
	v2 =	vld [tilespmem:s24+$0x240];
	(v2sf) =	vpush v61, $0xF  }
0x137: {  	v5 =	vld [tilespmem:s24+$0x250];
	(v2sf) =	vpush v61, $0xE  }
0x138: {  	[tilespmem:$0x1FEE0] =	vst v4;
	v4 =	vld [tilespmem:s24+$0x260];
	(v2sf) =	vpush v62, $0xF  }
0x139: {  	v3 =	vld [tilespmem:s24+$0x270]  }
0x13a: {  	v30 =	vld [tilespmem:s24+$0x1C0];
	(v2sf) =	vpush v62, $0xE  }
0x13b: {  	v37 =	vld [tilespmem:s24+$0x1D0]  }
0x13c: {  	v36 =	vld [tilespmem:s24+$0x1E0]  }
0x13d: {  	v35 =	vld [tilespmem:s24+$0x1F0]  }
0x13e: {  	v32 =	vld [tilespmem:s24+$0x140]  }
0x13f: {  	v33 =	vld [tilespmem:s24+$0x150]  }
0x140: {  	v31 =	vld [tilespmem:s24+$0x160]  }
0x141: {  	v34 =	vld [tilespmem:s24+$0x170]  }
0x142: {  	v39 =	vld [tilespmem:s24+$0xC0];
	(v2sf) =	vpush v61, $0xD  }
0x143: {  	v40 =	vld [tilespmem:s24+$0xD0];
	(v2sf) =	vpush v62, $0xD  }
0x144: {  	v38 =	vld [tilespmem:s24+$0xE0];
	(v2sf) =	vpush v61, $0xC  }
0x145: {  	v41 =	vld [tilespmem:s24+$0xF0];
	(v2sf) =	vpush v62, $0xC;
	s30 =	spop (v2sf)  }
0x146: {  	v42 =	vld [tilespmem:s24+$0x40];
	(v2sf) =	vpush v61, $0xB;
	s31 =	spop (v2sf)  }
0x147: {  	v43 =	vld [tilespmem:s24+$0x50];
	(v2sf) =	vpush v62, $0xB;
	s22 =	spop (v2sf)  }
0x148: {  	v44 =	vld [tilespmem:s24+$0x60];
	(v2sf) =	vpush v61, $0xA;
	s25 =	smul.f32 s22, s30  }
0x149: {  	v45 =	vld [tilespmem:s24+$0x70];
	(v2sf) =	vpush v62, $0xA;
	s23 =	spop (v2sf)  }
0x14a: {  	v47 =	vld [tilespmem:s24+$0xFFFFFFC0];
	(v2sf) =	vpush v61, $0x9;
	s29 =	smul.f32 s23, s31;
	v0 =	vmul.f32 s25, v0  }
0x14b: {  	v49 =	vld [tilespmem:s24+$0xFFFFFFD0];
	(v2sf) =	vpush v62, $0x9  }
0x14c: {  	v46 =	vld [tilespmem:s24+$0xFFFFFFE0];
	(v2sf) =	vpush v61, $0x8;
	[tilespmem:$0x1FFB0] =	vst v0;
	v0 =	vmul.f32 s29, v18  }
0x14d: {  	v48 =	vld [tilespmem:s24+$0xFFFFFFF0];
	(v2sf) =	vpush v62, $0x8  }
0x14e: {  	v54 =	vld [tilespmem:s24+$0xFFFFFF40];
	(v2sf) =	vpush v61, $0x7;
	[tilespmem:$0x1FFC0] =	vst v0;
	v0 =	vmul.f32 s29, v19  }
0x14f: {  	v55 =	vld [tilespmem:s24+$0xFFFFFF50];
	(v2sf) =	vpush v62, $0x7  }
0x150: {  	v56 =	vld [tilespmem:s24+$0xFFFFFF60];
	(v2sf) =	vpush v61, $0x6;
	[tilespmem:$0x1FFD0] =	vst v0;
	v0 =	vmul.f32 s29, v21  }
0x151: {  	[dreg:$0x12] =	wrdreg s5;
	v57 =	vld [tilespmem:s24+$0xFFFFFF70];
	(v2sf) =	vpush v62, $0x6;
	s26 =	spop (v2sf)  }
0x152: {  	v26 =	vimm.f32 $0.0e+00;
	[dreg:$0x13] =	wrdreg s19;
	v58 =	vld [tilespmem:s24+$0xFFFFFEC0];
	(v2sf) =	vpush v61, $0x5;
	s28 =	spop (v2sf);
	[tilespmem:$0x1FFE0] =	vst v0;
	v0 =	vmul.f32 s29, v51  }
0x153: {  	s9 =	simm.s32 $0x10;
	v53 =	vimm.f32 $0.0e+00;
	v52 =	vimm.f32 $0.0e+00;
	v59 =	vld [tilespmem:s24+$0xFFFFFED0];
	[dreg:$0x3] =	wrdreg s26;
	(v2sf) =	vpush v62, $0x5;
	s4 =	spop (v2sf)  }
0x154: {  	s18 =	simm.s32 $0x0;
	v60 =	vld [tilespmem:s24+$0xFFFFFEE0];
	v63 =	vmul.f32 s25, v1;
	s0 =	smul.f32 s28, s26;
	(v2sf) =	vpush v61, $0x4;
	s1 =	spop (v2sf);
	v51 =	vimm.f32 $0.0e+00;
	[tilespmem:$0x1FFF0] =	vst v0  }
.LBB2_4:
0x155: {  	v0 =	vld [tilespmem:s24+$0xFFFFFEF0];
	(v2sf) =	vpush v62, $0x4;
	s3 =	spop (v2sf)  }
0x156: {  	v23 =	vld [tilespmem:s24+$0xFFFFFE50];
	(v2sf) =	vpush v61, $0x3;
	s2 =	spop (v2sf)  }
0x157: {  	v7 =	vld [tilespmem:s24+$0xFFFFFDF0];
	s17 =	smul.f32 s2, s3;
	(v2sf) =	vpush v62, $0x3;
	s2 =	spop (v2sf)  }
0x158: {  	v8 =	vld [tilespmem:s24+$0xFFFFFD40];
	(v2sf) =	vpush v61, $0x2;
	s12 =	spop (v2sf)  }
0x159: {  	v9 =	vld [tilespmem:s24+$0xFFFFFD50];
	(v2sf) =	vpush v62, $0x2;
	s7 =	spop (v2sf)  }
0x15a: {  	v10 =	vld [tilespmem:s24+$0xFFFFFD60];
	(v2sf) =	vpush v61, $0x1;
	s5 =	spop (v2sf)  }
0x15b: {  	v11 =	vld [tilespmem:s24+$0xFFFFFD70];
	(v2sf) =	vpush v62, $0x1;
	s10 =	spop (v2sf)  }
0x15c: {  	v12 =	vld [tilespmem:s24+$0xFFFFFCC0];
	(v2sf) =	vpush v61, $0x0;
	s13 =	spop (v2sf)  }
0x15d: {  	v13 =	vld [tilespmem:s24+$0xFFFFFCD0];
	(v2sf) =	vpush v62, $0x0;
	s19 =	spop (v2sf)  }
0x15e: {  	v14 =	vld [tilespmem:s24+$0xFFFFFCE0];
	s20 =	smul.f32 s13, s10;
	s14 =	spop (v2sf)  }
0x15f: {  	v15 =	vld [tilespmem:s24+$0xFFFFFCF0];
	s13 =	smul.f32 s14, s19;
	s14 =	spop (v2sf)  }
0x160: {  	v16 =	vld [tilespmem:s24+$0xFFFFFC40];
	s15 =	spop (v2sf)  }
0x161: {  	s1 =	smul.f32 s1, s4;
	v17 =	vld [tilespmem:s24+$0xFFFFFC50];
	v1 =	vmul.f32 s0, v6;
	s21 =	spop (v2sf)  }
0x162: {  	v18 =	vld [tilespmem:s24+$0xFFFFFC60];
	v6 =	vmul.f32 s0, v28;
	s16 =	spop (v2sf)  }
0x163: {  	[dreg:$0x4] =	wrdreg s4;
	v19 =	vld [tilespmem:s24+$0xFFFFFC10];
	v3 =	vmul.f32 s1, v3;
	[tilespmem:$0x1FE80] =	vst v1;
	s6 =	spop (v2sf)  }
0x164: {  	v28 =	vmul.f32 s1, v2;
	v2 =	vld [tilespmem:s24+$0xFFFFFE60];
	s4 =	smul.f32 s12, s2;
	[tilespmem:$0x1FEA0] =	vst v6;
	s12 =	spop (v2sf)  }
0x165: {  	v1 =	vmul.f32 s0, v29;
	v6 =	vmul.f32 s0, v27;
	[tilespmem:$0x1FE70] =	vst v3;
	v3 =	vld [tilespmem:s24+$0xFFFFFE70];
	s8 =	smul.f32 s5, s7;
	s23 =	spop (v2sf)  }
0x166: {  	v29 =	vmul.f32 s1, v5;
	v27 =	vmul.f32 s1, v4;
	v4 =	vld [tilespmem:s24+$0xFFFFFDC0];
	s5 =	smul.f32 s16, s21;
	s16 =	spop (v2sf)  }
0x167: {  	[dreg:$0x7] =	wrdreg s31;
	v5 =	vld [tilespmem:s24+$0xFFFFFDD0];
	v61 =	vmul.f32 s20, v42;
	v62 =	vmul.f32 s20, v43;
	s22 =	spop (v2sf)  }
0x168: {  	v20 =	vld [tilespmem:s24+$0xFFFFFC20];
	v42 =	vmul.f32 s20, v44;
	v43 =	vmul.f32 s20, v45;
	s15 =	smul.f32 s15, s14;
	s26 =	spop (v2sf)  }
0x169: {  	[tilespmem:$0x1FE90] =	vst v1;
	v1 =	vld [tilespmem:s24+$0xFFFFFE40];
	v44 =	vmul.f32 s13, v46;
	v45 =	vmul.f32 s13, v48;
	s12 =	smul.f32 s12, s6;
	s28 =	spop (v2sf)  }
0x16a: {  	v21 =	vld [tilespmem:s24+$0xFFFFFC30];
	v46 =	vmul.f32 s15, v56;
	v56 =	vmul.f32 s5, v60;
	s16 =	smul.f32 s16, s23;
	s31 =	spop (v2sf)  }
0x16b: {  	[tilespmem:$0x1FEC0] =	vst v63;
	[dreg:$0x5] =	wrdreg s3;
	v60 =	vmul.f32 s12, v2;
	v63 =	vmul.f32 s12, v3;
	v2 =	vld [tilespmem:s24+$0xFFFFFC70];
	s3 =	spop (v2sf)  }
0x16c: {  	[dreg:$0x6] =	wrdreg s30;
	v3 =	vmul.f32 s16, v4;
	v4 =	vmul.f32 s16, v5;
	v5 =	vld [tilespmem:s24+$0xFFFFFC00];
	s30 =	spop (v2sf)  }
0x16d: {  	v50 =	vld [tilespmem:s24+$0xFFFFFC80];
	v48 =	vmul.f32 s15, v57;
	v57 =	vmul.f32 s5, v0;
	s30 =	smul.f32 s30, s3  }
0x16e: {  	v22 =	vld [tilespmem:s24+$0xFFFFFC90];
	v0 =	vmul.f32 s12, v1;
	v1 =	vmul.f32 s12, v23  }
0x16f: {  	v24 =	vld [tilespmem:s24+$0xFFFFFCB0];
	s31 =	smul.f32 s31, s28;
	s3 =	ssub.f32 s3, s30;
	v16 =	vmul.f32 s30, v16;
	v17 =	vmul.f32 s30, v17  }
0x170: {  	v23 =	vld [tilespmem:s24+$0xFFFFFCA0];
	v18 =	vmul.f32 s30, v18;
	v2 =	vmul.f32 s30, v2  }
0x171: {  	[tilespmem:$0x1FEB0] =	vst v6;
	v6 =	vld [tilespmem:s24+$0xFFFFFDE0];
	s28 =	ssub.f32 s28, s31;
	v5 =	vmul.f32 s3, v5;
	v19 =	vmul.f32 s3, v19  }
0x172: {  	v25 =	vld [tilespmem:s24+$0xFFFFFD00];
	v20 =	vmul.f32 s3, v20;
	v21 =	vmul.f32 s3, v21  }
0x173: {  	v5 =	vadd.f32 v5, v26;
	v19 =	vadd.f32 v19, v53;
	v26 =	vmul.f32 s28, v50;
	v50 =	vld [tilespmem:s24+$0xFFFFFD10]  }
0x174: {  	v22 =	vmul.f32 s28, v22;
	v20 =	vadd.f32 v20, v52;
	v21 =	vadd.f32 v21, v51;
	v51 =	vld [tilespmem:s24+$0xFFFFFD20]  }
0x175: {  	s26 =	smul.f32 s26, s22;
	v52 =	vmul.f32 s28, v23;
	v23 =	vld [tilespmem:s24+$0xFFFFFD90];
	v5 =	vadd.f32 v5, v16;
	v16 =	vadd.f32 v19, v17  }
0x176: {  	v6 =	vmul.f32 s16, v6;
	v13 =	vmul.f32 s31, v13;
	v19 =	vld [tilespmem:s24+$0xFFFFFD30];
	v18 =	vadd.f32 v18, v20  }
0x177: {  	s22 =	ssub.f32 s22, s26;
	v53 =	vmul.f32 s28, v24;
	v2 =	vadd.f32 v2, v21;
	v21 =	vld [tilespmem:s24+$0xFFFFFD80];
	v16 =	vadd.f32 v22, v16  }
0x178: {  	v14 =	vmul.f32 s31, v14;
	v15 =	vmul.f32 s31, v15;
	v20 =	vld [tilespmem:s24+$0xFFFFFDA0];
	v17 =	vadd.f32 v52, v18  }
0x179: {  	v2 =	vadd.f32 v53, v2;
	v18 =	vmul.f32 s22, v50;
	v50 =	vadd.f32 v13, v16;
	v16 =	vld [tilespmem:s24+$0xFFFFFDB0]  }
0x17a: {  	v12 =	vmul.f32 s31, v12;
	v5 =	vadd.f32 v26, v5;
	v14 =	vadd.f32 v14, v17;
	v17 =	vld [tilespmem:s24+$0xFFFFFE00]  }
0x17b: {  	v7 =	vmul.f32 s16, v7;
	s16 =	ssub.f32 s23, s16;
	v22 =	vmul.f32 s22, v25;
	v2 =	vadd.f32 v15, v2;
	v15 =	vld [tilespmem:s24+$0xFFFFFE20]  }
0x17c: {  	v52 =	vmul.f32 s22, v51;
	v5 =	vadd.f32 v12, v5;
	v53 =	vmul.f32 s22, v19;
	v19 =	vld [tilespmem:s24+$0xFFFFFE10]  }
0x17d: {  	v8 =	vmul.f32 s26, v8;
	v51 =	vmul.f32 s16, v20;
	v20 =	vld [tilespmem:s24+$0xFFFFFE80]  }
0x17e: {  	s23 =	ssub.f32 s6, s12;
	v9 =	vmul.f32 s26, v9;
	v5 =	vadd.f32 v22, v5;
	v13 =	vadd.f32 v52, v14;
	v52 =	vld [tilespmem:s24+$0xFFFFFE30]  }
0x17f: {  	v10 =	vmul.f32 s26, v10;
	v12 =	vadd.f32 v18, v50;
	v22 =	vmul.f32 s16, v21;
	v18 =	vld [tilespmem:s24+$0xFFFFFF90]  }
0x180: {  	v50 =	vmul.f32 s16, v23;
	v5 =	vadd.f32 v8, v5;
	v21 =	vmul.f32 s23, v17;
	v17 =	vld [tilespmem:s24+$0xFFFFFF80]  }
0x181: {  	v2 =	vadd.f32 v53, v2;
	v8 =	vadd.f32 v9, v12;
	v53 =	vmul.f32 s16, v16;
	v16 =	vld [tilespmem:s24+$0x3F0]  }
0x182: {  	v11 =	vmul.f32 s26, v11;
	v10 =	vadd.f32 v10, v13;
	v5 =	vadd.f32 v22, v5;
	v22 =	vld [tilespmem:s24+$0xFFFFFE90]  }
0x183: {  	v8 =	vadd.f32 v50, v8;
	v50 =	vld [tilespmem:s24+$0xFFFFFEA0]  }
0x184: {  	v2 =	vadd.f32 v11, v2;
	v9 =	vadd.f32 v51, v10;
	v51 =	vld [tilespmem:s24+$0xFFFFFF00]  }
0x185: {  	v23 =	vmul.f32 s23, v19;
	v19 =	vld [tilespmem:s24+$0xFFFFFFB0]  }
0x186: {  	v58 =	vmul.f32 s5, v58;
	v59 =	vmul.f32 s5, v59;
	s5 =	ssub.f32 s21, s5;
	v2 =	vadd.f32 v53, v2;
	v53 =	vld [tilespmem:s24+$0xFFFFFF10]  }
0x187: {  	v3 =	vadd.f32 v3, v5;
	v4 =	vadd.f32 v4, v8;
	v8 =	vld [tilespmem:s24+$0xFFFFFEB0]  }
0x188: {  	v2 =	vadd.f32 v7, v2;
	v7 =	vmul.f32 s23, v52;
	v52 =	vmul.f32 s5, v20;
	v20 =	vld [tilespmem:s24+$0x0]  }
0x189: {  	v3 =	vadd.f32 v21, v3;
	v21 =	vld [tilespmem:s24+$0x30]  }
0x18a: {  	v5 =	vmul.f32 s23, v15;
	v6 =	vadd.f32 v6, v9;
	v4 =	vadd.f32 v23, v4;
	v23 =	vld [tilespmem:s24+$0xB0]  }
0x18b: {  	s28 =	ssub.f32 s19, s13;
	v2 =	vadd.f32 v7, v2;
	v7 =	vld [tilespmem:s24+$0xFFFFFF20]  }
0x18c: {  	v5 =	vadd.f32 v5, v6;
	v6 =	vmul.f32 s5, v22;
	v22 =	vld [tilespmem:s24+$0x80]  }
0x18d: {  	v10 =	vmul.f32 s28, v19;
	v19 =	vld [tilespmem:$0x1FFF0]  }
0x18e: {  	v1 =	vadd.f32 v1, v4;
	v4 =	vld [tilespmem:s24+$0xFFFFFF30]  }
0x18f: {  	v0 =	vadd.f32 v0, v3;
	v3 =	vmul.f32 s5, v50;
	v50 =	vld [tilespmem:s24+$0x200]  }
0x190: {  	v54 =	vmul.f32 s15, v54;
	v55 =	vmul.f32 s15, v55;
	s26 =	ssub.f32 s14, s15;
	v5 =	vadd.f32 v60, v5;
	v60 =	vld [tilespmem:s24+$0x3B0]  }
0x191: {  	v2 =	vadd.f32 v63, v2;
	v8 =	vmul.f32 s5, v8;
	v63 =	vld [tilespmem:s24+$0x3E0];
	v1 =	vadd.f32 v6, v1  }
0x192: {  	v0 =	vadd.f32 v52, v0;
	v6 =	vmul.f32 s26, v51;
	v3 =	vadd.f32 v3, v5;
	v51 =	vld [tilespmem:s24+$0x230]  }
0x193: {  	v5 =	vmul.f32 s26, v53;
	v2 =	vadd.f32 v8, v2;
	v8 =	vld [tilespmem:s24+$0xFFFFFFA0];
	v1 =	vadd.f32 v59, v1  }
0x194: {  	v52 =	vld [tilespmem:s24+$0x280];
	v0 =	vadd.f32 v58, v0;
	v7 =	vmul.f32 s26, v7;
	v3 =	vadd.f32 v56, v3  }
0x195: {  	v53 =	vld [tilespmem:s24+$0x2B0];
	v2 =	vadd.f32 v57, v2;
	v4 =	vmul.f32 s26, v4;
	v1 =	vadd.f32 v5, v1  }
0x196: {  	v0 =	vadd.f32 v6, v0;
	v5 =	vmul.f32 s28, v17;
	v6 =	vld [tilespmem:s24+$0x10];
	v3 =	vadd.f32 v7, v3  }
0x197: {  	v7 =	vld [tilespmem:s24+$0x20];
	v2 =	vadd.f32 v4, v2;
	v4 =	vmul.f32 s28, v18;
	v1 =	vadd.f32 v55, v1  }
0x198: {  	v56 =	vld [tilespmem:$0x1FE70];
	v0 =	vadd.f32 v54, v0;
	v8 =	vmul.f32 s28, v8;
	v3 =	vadd.f32 v46, v3  }
0x199: {  	v49 =	vmul.f32 s13, v49;
	s6 =	ssub.f32 s10, s20;
	v58 =	vld [tilespmem:$0x1FE80];
	v1 =	vadd.f32 v4, v1  }
0x19a: {  	v0 =	vadd.f32 v5, v0;
	v5 =	vld [tilespmem:s24+$0x90];
	v3 =	vadd.f32 v8, v3  }
0x19b: {  	v8 =	vld [tilespmem:s24+$0xA0];
	v6 =	vmul.f32 s6, v6;
	v1 =	vadd.f32 v49, v1  }
0x19c: {  	v37 =	vmul.f32 s17, v37;
	v59 =	vld [tilespmem:$0x1FE90];
	v7 =	vmul.f32 s6, v7;
	v3 =	vadd.f32 v44, v3  }
0x19d: {  	v36 =	vmul.f32 s17, v36;
	v33 =	vmul.f32 s4, v33;
	s10 =	ssub.f32 s7, s8;
	v57 =	vld [tilespmem:s24+$0x380];
	v1 =	vadd.f32 v6, v1  }
0x19e: {  	v31 =	vmul.f32 s4, v31;
	v39 =	vmul.f32 s8, v39;
	v6 =	vld [tilespmem:s24+$0x110];
	v3 =	vadd.f32 v7, v3  }
0x19f: {  	v40 =	vmul.f32 s8, v40;
	v7 =	vld [tilespmem:s24+$0x120];
	v5 =	vmul.f32 s10, v5;
	v1 =	vadd.f32 v62, v1  }
0x1a0: {  	v38 =	vmul.f32 s8, v38;
	v18 =	vld [tilespmem:$0x1FFE0];
	v8 =	vmul.f32 s10, v8;
	v3 =	vadd.f32 v42, v3  }
0x1a1: {  	s2 =	ssub.f32 s2, s4;
	v41 =	vmul.f32 s8, v41;
	v46 =	vld [tilespmem:s24+$0x100];
	v2 =	vadd.f32 v48, v2;
	v1 =	vadd.f32 v5, v1  }
0x1a2: {  	v47 =	vmul.f32 s13, v47;
	v4 =	vmul.f32 s6, v20;
	v5 =	vld [tilespmem:s24+$0x190];
	v3 =	vadd.f32 v8, v3  }
0x1a3: {  	v2 =	vadd.f32 v10, v2;
	v8 =	vld [tilespmem:s24+$0x1A0];
	v6 =	vmul.f32 s2, v6;
	v1 =	vadd.f32 v40, v1  }
0x1a4: {  	s12 =	rddreg [dreg:$0x5];
	v54 =	vld [tilespmem:s24+$0x300];
	v0 =	vadd.f32 v47, v0;
	v7 =	vmul.f32 s2, v7;
	v3 =	vadd.f32 v38, v3  }
0x1a5: {  	s3 =	ssub.f32 s12, s17;
	v9 =	vmul.f32 s6, v21;
	v55 =	vld [tilespmem:s24+$0x330];
	v2 =	vadd.f32 v45, v2;
	v1 =	vadd.f32 v6, v1  }
0x1a6: {  	v0 =	vadd.f32 v4, v0;
	v4 =	vmul.f32 s10, v22;
	v6 =	vld [tilespmem:s24+$0x210];
	v3 =	vadd.f32 v7, v3  }
0x1a7: {  	v2 =	vadd.f32 v9, v2;
	v7 =	vld [tilespmem:s24+$0x220];
	v5 =	vmul.f32 s3, v5;
	v1 =	vadd.f32 v33, v1  }
0x1a8: {  	s13 =	rddreg [dreg:$0x4];
	v48 =	vld [tilespmem:s24+$0x180];
	v0 =	vadd.f32 v61, v0;
	v8 =	vmul.f32 s3, v8;
	v3 =	vadd.f32 v31, v3  }
0x1a9: {  	s1 =	ssub.f32 s13, s1;
	v10 =	vmul.f32 s10, v23;
	v47 =	vld [tilespmem:s24+$0x130];
	v2 =	vadd.f32 v43, v2;
	v1 =	vadd.f32 v5, v1  }
0x1aa: {  	v0 =	vadd.f32 v4, v0;
	v4 =	vmul.f32 s2, v46;
	v5 =	vld [tilespmem:s24+$0x290];
	v3 =	vadd.f32 v8, v3  }
0x1ab: {  	v2 =	vadd.f32 v10, v2;
	v8 =	vld [tilespmem:s24+$0x2A0];
	v6 =	vmul.f32 s1, v6;
	v1 =	vadd.f32 v37, v1  }
0x1ac: {  	s14 =	rddreg [dreg:$0x3];
	v49 =	vld [tilespmem:s24+$0x1B0];
	v0 =	vadd.f32 v39, v0;
	v7 =	vmul.f32 s1, v7;
	v3 =	vadd.f32 v36, v3  }
0x1ad: {  	v32 =	vmul.f32 s4, v32;
	s15 =	ssub.f32 s14, s0;
	v61 =	vld [tilespmem:$0x1FEA0];
	v2 =	vadd.f32 v41, v2;
	v1 =	vadd.f32 v6, v1  }
0x1ae: {  	v62 =	vld [tilespmem:$0x1FEB0];
	v9 =	vmul.f32 s2, v47;
	v0 =	vadd.f32 v4, v0;
	v3 =	vadd.f32 v7, v3  }
0x1af: {  	v4 =	vmul.f32 s3, v48;
	v6 =	vld [tilespmem:s24+$0x310];
	v5 =	vmul.f32 s15, v5;
	v1 =	vadd.f32 v29, v1  }
0x1b0: {  	v0 =	vadd.f32 v32, v0;
	v7 =	vld [tilespmem:s24+$0x320];
	v8 =	vmul.f32 s15, v8;
	v3 =	vadd.f32 v27, v3  }
0x1b1: {  	v34 =	vmul.f32 s4, v34;
	v2 =	vadd.f32 v9, v2;
	v1 =	vadd.f32 v5, v1;
	v5 =	vld [tilespmem:s24+$0x390]  }
0x1b2: {  	v30 =	vmul.f32 s17, v30;
	v0 =	vadd.f32 v4, v0;
	v3 =	vadd.f32 v8, v3;
	v8 =	vld [tilespmem:s24+$0x3A0];
	s24 =	sadd.s32 $0x800, s24  }
0x1b3: {  	v10 =	vmul.f32 s3, v49;
	v2 =	vadd.f32 v34, v2;
	v17 =	vld [tilespmem:s24+$0x3D0]  }
0x1b4: {  	v4 =	vmul.f32 s1, v50;
	v0 =	vadd.f32 v30, v0;
	v21 =	vld [tilespmem:s24+$0x350]  }
0x1b5: {  	v35 =	vmul.f32 s17, v35;
	v2 =	vadd.f32 v10, v2;
	v22 =	vld [tilespmem:s24+$0x360]  }
0x1b6: {  	v0 =	vadd.f32 v4, v0;
	v23 =	vld [tilespmem:s24+$0x370]  }
0x1b7: {  	s17 =	rddreg [dreg:$0x6];
	v9 =	vmul.f32 s1, v51;
	v2 =	vadd.f32 v35, v2;
	v29 =	vld [tilespmem:s24+$0x2D0]  }
0x1b8: {  	s16 =	rddreg [dreg:$0x7];
	v0 =	vadd.f32 v28, v0;
	v28 =	vld [tilespmem:s24+$0x2E0]  }
0x1b9: {  	s1 =	ssub.f32 s16, s29;
	v2 =	vadd.f32 v9, v2;
	v27 =	vld [tilespmem:s24+$0x2F0]  }
0x1ba: {  	s0 =	ssub.f32 s17, s25;
	v10 =	vmul.f32 s15, v53;
	v30 =	vld [tilespmem:s24+$0x1C0]  }
0x1bb: {  	v2 =	vadd.f32 v56, v2;
	v6 =	vmul.f32 s1, v6;
	v37 =	vld [tilespmem:s24+$0x1D0];
	v1 =	vadd.f32 v59, v1  }
0x1bc: {  	s18 =	sadd.s32 $0x80, s18;
	v20 =	vmul.f32 s0, v60;
	v36 =	vld [tilespmem:s24+$0x1E0]  }
0x1bd: {  	s11 =	sadd.s32 $0x10, s11;
	s20 =	sand.u32 $0x400, s18;
	s19 =	rddreg [dreg:$0x2];
	v2 =	vadd.f32 v10, v2;
	v35 =	vld [tilespmem:s24+$0x1F0];
	v1 =	vadd.f32 v6, v1;
	v6 =	vmul.f32 s0, v57  }
0x1be: {  	s21 =	sand.u32 $0x70, s9;
	v3 =	vadd.f32 v61, v3;
	v61 =	vld [tilespmem:s11+$0x0];
	v5 =	vmul.f32 s0, v5;
	v8 =	vmul.f32 s0, v8;
	s0 =	sadd.s32 s20, s19  }
0x1bf: {  	v32 =	vld [tilespmem:s24+$0x140];
	s0 =	sadd.s32 s21, s0  }
0x1c0: {  	v2 =	vadd.f32 v62, v2;
	v62 =	vld [tilespmem:s0+$0x0]  }
0x1c1: {  	v33 =	vld [tilespmem:s24+$0x150]  }
0x1c2: {  	v31 =	vld [tilespmem:s24+$0x160]  }
0x1c3: {  	v34 =	vld [tilespmem:s24+$0x170];
	(v2sf) =	vpush v61, $0xF  }
0x1c4: {  	v39 =	vld [tilespmem:s24+$0xC0];
	(v2sf) =	vpush v61, $0xE  }
0x1c5: {  	v40 =	vld [tilespmem:s24+$0xD0];
	(v2sf) =	vpush v62, $0xF  }
0x1c6: {  	v4 =	vmul.f32 s15, v52;
	v38 =	vld [tilespmem:s24+$0xE0]  }
0x1c7: {  	v7 =	vmul.f32 s1, v7;
	v41 =	vld [tilespmem:s24+$0xF0];
	(v2sf) =	vpush v62, $0xE  }
0x1c8: {  	v0 =	vadd.f32 v4, v0;
	v42 =	vld [tilespmem:s24+$0x40]  }
0x1c9: {  	v3 =	vadd.f32 v7, v3;
	v7 =	vld [tilespmem:$0x1FFC0]  }
0x1ca: {  	v4 =	vmul.f32 s1, v54;
	v43 =	vld [tilespmem:s24+$0x50];
	v0 =	vadd.f32 v58, v0  }
0x1cb: {  	v44 =	vld [tilespmem:s24+$0x60]  }
0x1cc: {  	v45 =	vld [tilespmem:s24+$0x70];
	v4 =	vadd.f32 v4, v0  }
0x1cd: {  	v47 =	vld [tilespmem:s24+$0xFFFFFFC0]  }
0x1ce: {  	v4 =	vadd.f32 v7, v4;
	v7 =	vld [tilespmem:$0x1FFD0]  }
0x1cf: {  	v9 =	vmul.f32 s1, v55;
	v49 =	vld [tilespmem:s24+$0xFFFFFFD0];
	(v2sf) =	vpush v61, $0xD  }
0x1d0: {  	v46 =	vld [tilespmem:s24+$0xFFFFFFE0];
	(v2sf) =	vpush v62, $0xD  }
0x1d1: {  	v48 =	vld [tilespmem:s24+$0xFFFFFFF0];
	v2 =	vadd.f32 v9, v2;
	(v2sf) =	vpush v61, $0xC  }
0x1d2: {  	v0 =	vld [tilespmem:s24+$0x3C0];
	v3 =	vadd.f32 v18, v3;
	(v2sf) =	vpush v62, $0xC;
	s30 =	spop (v2sf)  }
0x1d3: {  	v54 =	vld [tilespmem:s24+$0xFFFFFF40];
	v7 =	vadd.f32 v7, v1;
	(v2sf) =	vpush v61, $0xB;
	s31 =	spop (v2sf)  }
0x1d4: {  	v3 =	vadd.f32 v8, v3;
	v8 =	vmul.f32 s25, v16;
	v1 =	vld [tilespmem:s24+$0x340];
	(v2sf) =	vpush v62, $0xB;
	s22 =	spop (v2sf)  }
0x1d5: {  	v55 =	vld [tilespmem:s24+$0xFFFFFF50];
	v5 =	vadd.f32 v5, v7;
	v7 =	vmul.f32 s25, v63;
	(v2sf) =	vpush v61, $0xA;
	s25 =	smul.f32 s22, s30  }
0x1d6: {  	v4 =	vadd.f32 v6, v4;
	v6 =	vld [tilespmem:$0x1FFB0];
	(v2sf) =	vpush v62, $0xA;
	s23 =	spop (v2sf)  }
0x1d7: {  	v56 =	vld [tilespmem:s24+$0xFFFFFF60];
	(v2sf) =	vpush v61, $0x9;
	s29 =	smul.f32 s23, s31;
	v0 =	vmul.f32 s25, v0  }
0x1d8: {  	v60 =	vld [tilespmem:s24+$0xFFFFFEE0];
	v2 =	vadd.f32 v19, v2;
	(v2sf) =	vpush v62, $0x9  }
0x1d9: {  	v58 =	vld [tilespmem:s24+$0xFFFFFEC0];
	(v2sf) =	vpush v61, $0x8;
	[tilespmem:$0x1FFB0] =	vst v0;
	v0 =	vmul.f32 s29, v1  }
0x1da: {  	v59 =	vld [tilespmem:s24+$0xFFFFFED0];
	v2 =	vadd.f32 v20, v2;
	(v2sf) =	vpush v62, $0x8  }
0x1db: {  	v26 =	vadd.f32 v6, v4;
	v4 =	vld [tilespmem:$0x1FEC0];
	(v2sf) =	vpush v61, $0x7;
	[tilespmem:$0x1FFC0] =	vst v0;
	v0 =	vmul.f32 s29, v21  }
0x1dc: {  	p0 =	sne.s32 s9, $0xD0;
	v57 =	vld [tilespmem:s24+$0xFFFFFF70];
	(v2sf) =	vpush v62, $0x7  }
.Ltmp0:
0x1dd: {  	v51 =	vadd.f32 v8, v2;
	v2 =	vld [tilespmem:s24+$0x240];
	(v2sf) =	vpush v61, $0x6;
	[tilespmem:$0x1FFD0] =	vst v0;
	v0 =	vmul.f32 s29, v22;
	(pc) =	sbr.rel @p0 .LBB2_4-.Ltmp0, $4  }
0x1de: {  	v6 =	vld [tilespmem:s24+$0x2C0];
	(v2sf) =	vpush v62, $0x6;
	s26 =	spop (v2sf)  }
0x1df: {  	v52 =	vadd.f32 v7, v3;
	v3 =	vld [tilespmem:s24+$0x270];
	(v2sf) =	vpush v61, $0x5;
	s28 =	spop (v2sf);
	[tilespmem:$0x1FFE0] =	vst v0;
	v0 =	vmul.f32 s29, v23  }
0x1e0: {  	v53 =	vadd.f32 v4, v5;
	v5 =	vld [tilespmem:s24+$0x250];
	[dreg:$0x3] =	wrdreg s26;
	(v2sf) =	vpush v62, $0x5;
	s4 =	spop (v2sf)  }
0x1e1: {  	s9 =	sadd.s32 $0x10, s9;
	v4 =	vld [tilespmem:s24+$0x260];
	v63 =	vmul.f32 s25, v17;
	s0 =	smul.f32 s28, s26;
	(v2sf) =	vpush v61, $0x4;
	s1 =	spop (v2sf);
	[tilespmem:$0x1FFF0] =	vst v0  }
0x1e2: {  	(v2sf) =	vpush v62, $0x4;
	s2 =	spop (v2sf)  }
0x1e3: {  	(v2sf) =	vpush v61, $0x3;
	s3 =	spop (v2sf)  }
0x1e4: {  	(v2sf) =	vpush v62, $0x3;
	s7 =	spop (v2sf)  }
0x1e5: {  	(v2sf) =	vpush v61, $0x2;
	s8 =	spop (v2sf)  }
0x1e6: {  	(v2sf) =	vpush v62, $0x2;
	s9 =	spop (v2sf)  }
0x1e7: {  	(v2sf) =	vpush v61, $0x1;
	s10 =	spop (v2sf)  }
0x1e8: {  	v1 =	vld [tilespmem:s24+$0xFFFFFE40];
	(v2sf) =	vpush v62, $0x1;
	s11 =	spop (v2sf)  }
0x1e9: {  	v0 =	vld [tilespmem:s24+$0xFFFFFE50];
	(v2sf) =	vpush v61, $0x0;
	s13 =	spop (v2sf)  }
0x1ea: {  	v7 =	vld [tilespmem:s24+$0xFFFFFDC0];
	(v2sf) =	vpush v62, $0x0;
	s14 =	spop (v2sf)  }
0x1eb: {  	v8 =	vld [tilespmem:s24+$0xFFFFFDD0];
	s15 =	spop (v2sf)  }
0x1ec: {  	v9 =	vld [tilespmem:s24+$0xFFFFFD40];
	s17 =	spop (v2sf)  }
0x1ed: {  	v10 =	vld [tilespmem:s24+$0xFFFFFD50];
	s5 =	spop (v2sf)  }
0x1ee: {  	v11 =	vld [tilespmem:s24+$0xFFFFFCC0];
	s18 =	spop (v2sf)  }
0x1ef: {  	v12 =	vld [tilespmem:s24+$0xFFFFFCD0];
	s6 =	spop (v2sf)  }
0x1f0: {  	v13 =	vld [tilespmem:s24+$0xFFFFFCE0];
	s12 =	spop (v2sf)  }
0x1f1: {  	v14 =	vld [tilespmem:s24+$0xFFFFFCF0];
	s19 =	spop (v2sf)  }
0x1f2: {  	v15 =	vld [tilespmem:s24+$0xFFFFFC40];
	s16 =	spop (v2sf)  }
0x1f3: {  	v16 =	vld [tilespmem:s24+$0xFFFFFC50];
	s20 =	spop (v2sf)  }
0x1f4: {  	v17 =	vld [tilespmem:s24+$0xFFFFFC00];
	[dreg:$0x14] =	wrdreg s3;
	s3 =	spop (v2sf)  }
0x1f5: {  	v18 =	vld [tilespmem:s24+$0xFFFFFC10];
	s21 =	spop (v2sf)  }
0x1f6: {  	v19 =	vld [tilespmem:s24+$0xFFFFFC20];
	s22 =	spop (v2sf)  }
0x1f7: {  	v20 =	vld [tilespmem:s24+$0xFFFFFC30];
	s23 =	spop (v2sf)  }
0x1f8: {  	v21 =	vld [tilespmem:s24+$0xFFFFFC60];
	s26 =	spop (v2sf)  }
0x1f9: {  	v22 =	vld [tilespmem:s24+$0xFFFFFC70];
	s28 =	spop (v2sf)  }
0x1fa: {  	v23 =	vld [tilespmem:s24+$0xFFFFFC80];
	s28 =	smul.f32 s28, s26  }
0x1fb: {  	v24 =	vld [tilespmem:s24+$0xFFFFFC90];
	s1 =	smul.f32 s1, s4  }
0x1fc: {  	v25 =	vld [tilespmem:s24+$0xFFFFFCA0];
	s26 =	ssub.f32 s26, s28  }
0x1fd: {  	v50 =	vld [tilespmem:s24+$0xFFFFFCB0];
	v6 =	vmul.f32 s0, v6;
	v2 =	vmul.f32 s1, v2  }
0x1fe: {  	v3 =	vmul.f32 s1, v3;
	v61 =	vld [tilespmem:s24+$0xFFFFFEF0];
	s23 =	smul.f32 s23, s22;
	v17 =	vmul.f32 s26, v17  }
0x1ff: {  	v62 =	vld [tilespmem:s24+$0xFFFFFD00];
	v15 =	vmul.f32 s28, v15;
	v19 =	vmul.f32 s26, v19  }
0x200: {  	s22 =	ssub.f32 s22, s23;
	v16 =	vmul.f32 s28, v16;
	v18 =	vmul.f32 s26, v18;
	v17 =	vadd.f32 v17, v26;
	v26 =	vld [tilespmem:s24+$0xFFFFFD10]  }
0x201: {  	v21 =	vmul.f32 s28, v21;
	v20 =	vmul.f32 s26, v20;
	v19 =	vadd.f32 v19, v52;
	v52 =	vld [tilespmem:s24+$0xFFFFFD20]  }
0x202: {  	v22 =	vmul.f32 s28, v22;
	v18 =	vadd.f32 v18, v53;
	v53 =	vmul.f32 s22, v25;
	v25 =	vld [tilespmem:s24+$0xFFFFFD60]  }
0x203: {  	s21 =	smul.f32 s21, s3;
	v20 =	vadd.f32 v20, v51;
	v15 =	vadd.f32 v17, v15;
	v17 =	vmul.f32 s22, v23;
	v23 =	vld [tilespmem:s24+$0xFFFFFD30]  }
0x204: {  	v16 =	vadd.f32 v18, v16;
	v18 =	vmul.f32 s22, v24;
	v19 =	vadd.f32 v21, v19;
	v21 =	vld [tilespmem:s24+$0xFFFFFD70]  }
0x205: {  	s3 =	ssub.f32 s3, s21;
	v11 =	vmul.f32 s23, v11;
	v12 =	vmul.f32 s23, v12;
	v20 =	vadd.f32 v22, v20;
	v22 =	vld [tilespmem:s24+$0xFFFFFE00]  }
0x206: {  	v13 =	vmul.f32 s23, v13;
	v50 =	vmul.f32 s22, v50;
	v16 =	vadd.f32 v18, v16;
	v18 =	vld [tilespmem:s24+$0xFFFFFD80]  }
0x207: {  	v14 =	vmul.f32 s23, v14;
	s23 =	smul.f32 s19, s12;
	v15 =	vadd.f32 v17, v15;
	v17 =	vmul.f32 s3, v62;
	v62 =	vld [tilespmem:s24+$0xFFFFFD90]  }
0x208: {  	v9 =	vmul.f32 s21, v9;
	v10 =	vmul.f32 s21, v10;
	s22 =	smul.f32 s20, s16;
	v20 =	vadd.f32 v50, v20;
	v50 =	vld [tilespmem:s24+$0xFFFFFDB0]  }
0x209: {  	v1 =	vmul.f32 s23, v1;
	v24 =	vmul.f32 s3, v52;
	v52 =	vld [tilespmem:s24+$0xFFFFFDE0]  }
0x20a: {  	v19 =	vadd.f32 v53, v19;
	v7 =	vmul.f32 s22, v7;
	v53 =	vmul.f32 s3, v26;
	v26 =	vld [tilespmem:s24+$0xFFFFFE20]  }
0x20b: {  	v51 =	vmul.f32 s21, v25;
	v11 =	vadd.f32 v11, v15;
	v15 =	vld [tilespmem:s24+$0xFFFFFDA0];
	v12 =	vadd.f32 v12, v16  }
0x20c: {  	s16 =	ssub.f32 s16, s22;
	v13 =	vadd.f32 v13, v19;
	v14 =	vadd.f32 v14, v20;
	v20 =	vld [tilespmem:s24+$0xFFFFFE80];
	v23 =	vmul.f32 s3, v23  }
0x20d: {  	v21 =	vmul.f32 s21, v21;
	v11 =	vadd.f32 v17, v11;
	v12 =	vadd.f32 v53, v12;
	v53 =	vld [tilespmem:s24+$0xFFFFFDF0]  }
0x20e: {  	v13 =	vadd.f32 v24, v13;
	v24 =	vld [tilespmem:s24+$0xFFFFFE10];
	v14 =	vadd.f32 v23, v14;
	v18 =	vmul.f32 s16, v18  }
0x20f: {  	s12 =	ssub.f32 s12, s23;
	v62 =	vmul.f32 s16, v62;
	v16 =	vmul.f32 s16, v50;
	v50 =	vld [tilespmem:s24+$0xFFFFFE30];
	v10 =	vadd.f32 v10, v12  }
0x210: {  	v9 =	vadd.f32 v9, v11;
	v25 =	vadd.f32 v51, v13;
	v51 =	vmul.f32 s22, v52;
	v52 =	vld [tilespmem:s24+$0xFFFFFE60]  }
0x211: {  	v15 =	vmul.f32 s16, v15;
	v10 =	vadd.f32 v62, v10;
	v62 =	vmul.f32 s12, v22;
	v22 =	vld [tilespmem:s24+$0xFFFFFE90]  }
0x212: {  	v14 =	vadd.f32 v21, v14;
	v9 =	vadd.f32 v18, v9;
	v17 =	vmul.f32 s22, v53;
	v53 =	vld [tilespmem:s24+$0xFFFFFE70]  }
0x213: {  	s26 =	smul.f32 s6, s18;
	v8 =	vmul.f32 s22, v8;
	v12 =	vadd.f32 v15, v25;
	v21 =	vmul.f32 s12, v24;
	v24 =	vld [tilespmem:s24+$0xFFFFFEA0]  }
0x214: {  	v0 =	vmul.f32 s23, v0;
	v14 =	vadd.f32 v16, v14;
	v25 =	vld [tilespmem:s24+$0xFFFFFEB0];
	v7 =	vadd.f32 v7, v9  }
0x215: {  	s6 =	ssub.f32 s18, s26;
	v13 =	vmul.f32 s12, v26;
	v8 =	vadd.f32 v8, v10;
	v11 =	vadd.f32 v51, v12;
	v51 =	vld [tilespmem:s24+$0xFFFFFF10]  }
0x216: {  	v23 =	vmul.f32 s12, v50;
	v14 =	vadd.f32 v17, v14;
	v7 =	vadd.f32 v62, v7;
	v62 =	vld [tilespmem:s24+$0xFFFFFF20]  }
0x217: {  	v10 =	vmul.f32 s6, v20;
	v26 =	vmul.f32 s23, v52;
	v8 =	vadd.f32 v21, v8;
	v21 =	vld [tilespmem:s24+$0xFFFFFF30]  }
0x218: {  	v9 =	vadd.f32 v23, v14;
	v14 =	vld [tilespmem:s24+$0xFFFFFF00];
	v50 =	vmul.f32 s23, v53;
	v53 =	vmul.f32 s6, v22  }
0x219: {  	s5 =	smul.f32 s5, s17;
	v11 =	vadd.f32 v13, v11;
	v20 =	vmul.f32 s6, v24;
	v24 =	vmul.f32 s26, v59;
	v59 =	vld [tilespmem:s24+$0x0]  }
0x21a: {  	v22 =	vmul.f32 s6, v25;
	v25 =	vmul.f32 s26, v60;
	v60 =	vld [tilespmem:$0x1FED0]  }
0x21b: {  	s28 =	ssub.f32 s17, s5;
	v1 =	vadd.f32 v1, v7;
	v52 =	vadd.f32 v26, v11;
	v26 =	vmul.f32 s26, v61;
	v61 =	vld [tilespmem:s24+$0x10]  }
0x21c: {  	v5 =	vmul.f32 s1, v5;
	v0 =	vadd.f32 v0, v8;
	v7 =	vadd.f32 v50, v9;
	v50 =	vld [tilespmem:s24+$0xFFFFFF80]  }
0x21d: {  	v23 =	vmul.f32 s26, v58;
	v15 =	vmul.f32 s28, v51;
	v51 =	vld [tilespmem:s24+$0xFFFFFF90]  }
0x21e: {  	v0 =	vadd.f32 v53, v0;
	v53 =	vld [tilespmem:s24+$0xFFFFFFA0];
	v8 =	vadd.f32 v20, v52;
	v52 =	vmul.f32 s5, v54  }
0x21f: {  	v1 =	vadd.f32 v10, v1;
	v54 =	vmul.f32 s5, v55;
	v55 =	vmul.f32 s5, v56;
	v56 =	vld [tilespmem:s24+$0xFFFFFFB0]  }
0x220: {  	v4 =	vmul.f32 s1, v4;
	s12 =	smul.f32 s15, s14;
	v10 =	vmul.f32 s28, v21;
	v21 =	vld [tilespmem:$0x1FEE0];
	v0 =	vadd.f32 v24, v0  }
0x221: {  	v57 =	vmul.f32 s5, v57;
	s17 =	smul.f32 s10, s9;
	v7 =	vadd.f32 v22, v7;
	v1 =	vadd.f32 v23, v1;
	v22 =	vld [tilespmem:s24+$0x20]  }
0x222: {  	s15 =	smul.f32 s13, s11;
	s14 =	ssub.f32 s14, s12;
	v23 =	vmul.f32 s12, v47;
	v47 =	vmul.f32 s12, v48;
	v48 =	vld [tilespmem:$0x1FF00];
	v0 =	vadd.f32 v15, v0  }
0x223: {  	v38 =	vmul.f32 s17, v38;
	v24 =	vmul.f32 s12, v49;
	v7 =	vadd.f32 v26, v7;
	v26 =	vld [tilespmem:$0x1FEF0]  }
0x224: {  	s16 =	ssub.f32 s11, s15;
	v49 =	vld [tilespmem:s24+$0x80];
	v12 =	vadd.f32 $0.0e+00, v60;
	v9 =	vmul.f32 s14, v51;
	v0 =	vadd.f32 v54, v0  }
0x225: {  	v13 =	vmul.f32 s28, v62;
	v14 =	vmul.f32 s28, v14;
	v8 =	vadd.f32 v25, v8;
	v25 =	vld [tilespmem:s24+$0x30]  }
0x226: {  	v11 =	vmul.f32 s16, v59;
	v59 =	vld [tilespmem:$0x1FF30];
	v0 =	vadd.f32 v9, v0;
	v9 =	vadd.f32 v12, v21  }
0x227: {  	v46 =	vmul.f32 s12, v46;
	v1 =	vadd.f32 v14, v1;
	v8 =	vadd.f32 v13, v8;
	v51 =	vld [tilespmem:$0x1FF10]  }
0x228: {  	s18 =	ssub.f32 s9, s17;
	v60 =	vld [tilespmem:s24+$0x100];
	v58 =	vmul.f32 s14, v50;
	v62 =	vmul.f32 s14, v53;
	v9 =	vadd.f32 v9, v26  }
0x229: {  	s21 =	rddreg [dreg:$0x14];
	v53 =	vmul.f32 s15, v42;
	v7 =	vadd.f32 v10, v7;
	v8 =	vadd.f32 v55, v8;
	v55 =	vld [tilespmem:$0x1FF20]  }
0x22a: {  	s3 =	smul.f32 s21, s2;
	v50 =	vld [tilespmem:s24+$0x90];
	v20 =	vmul.f32 s14, v56;
	v10 =	vmul.f32 s16, v61;
	v9 =	vadd.f32 v9, v48  }
0x22b: {  	v1 =	vadd.f32 v52, v1;
	v52 =	vld [tilespmem:s24+$0xA0];
	v56 =	vmul.f32 s15, v43;
	v61 =	vmul.f32 s18, v49  }
0x22c: {  	v54 =	vld [tilespmem:s24+$0xB0];
	v49 =	vmul.f32 s3, v37;
	v7 =	vadd.f32 v57, v7;
	v9 =	vadd.f32 v9, v51  }
0x22d: {  	v1 =	vadd.f32 v58, v1;
	v12 =	vmul.f32 s16, v22;
	v13 =	vmul.f32 s16, v25;
	v21 =	vld [tilespmem:$0x1FF40]  }
0x22e: {  	v37 =	vld [tilespmem:s24+$0x300];
	v57 =	vmul.f32 s15, v44;
	v8 =	vadd.f32 v62, v8;
	v9 =	vadd.f32 v9, v55  }
0x22f: {  	v58 =	vmul.f32 s15, v45;
	v25 =	vld [tilespmem:$0x1FF50];
	v7 =	vadd.f32 v20, v7;
	v1 =	vadd.f32 v23, v1  }
0x230: {  	s19 =	smul.f32 s8, s7;
	v22 =	vld [tilespmem:s24+$0x120];
	v0 =	vadd.f32 v24, v0;
	v15 =	vmul.f32 s18, v50;
	v9 =	vadd.f32 v9, v59  }
0x231: {  	v23 =	vmul.f32 s17, v39;
	v26 =	vmul.f32 s17, v40;
	v40 =	vld [tilespmem:$0x1FF60];
	v8 =	vadd.f32 v46, v8  }
0x232: {  	s20 =	ssub.f32 s7, s19;
	v45 =	vld [tilespmem:$0x1FF70];
	v39 =	vmul.f32 s17, v41;
	v7 =	vadd.f32 v47, v7;
	v9 =	vadd.f32 v9, v21  }
0x233: {  	v62 =	vld [tilespmem:s24+$0x110];
	v50 =	vmul.f32 s3, v36;
	v1 =	vadd.f32 v11, v1;
	v0 =	vadd.f32 v10, v0  }
0x234: {  	v24 =	vld [tilespmem:s24+$0x130];
	v11 =	vmul.f32 s18, v52;
	v10 =	vmul.f32 s20, v60;
	v9 =	vadd.f32 v9, v25  }
0x235: {  	v47 =	vmul.f32 s3, v30;
	v60 =	vmul.f32 s19, v34;
	v7 =	vadd.f32 v13, v7;
	v51 =	vld [tilespmem:$0x1FF80]  }
0x236: {  	v41 =	vld [tilespmem:s24+$0x180];
	v8 =	vadd.f32 v12, v8;
	v12 =	vmul.f32 s18, v54;
	v9 =	vadd.f32 v9, v40  }
0x237: {  	v43 =	vmul.f32 s20, v22;
	v54 =	vmul.f32 s19, v32;
	v7 =	vadd.f32 v58, v7;
	v58 =	vld [tilespmem:$0x1FF90]  }
0x238: {  	v36 =	vld [tilespmem:s24+$0x2B0];
	v32 =	vmul.f32 s0, v29;
	v1 =	vadd.f32 v53, v1;
	v9 =	vadd.f32 v9, v45  }
0x239: {  	v0 =	vadd.f32 v56, v0;
	v42 =	vmul.f32 s20, v62;
	v53 =	vmul.f32 s3, v35;
	v62 =	vld [tilespmem:$0x1FFA0]  }
0x23a: {  	v46 =	vld [tilespmem:s24+$0x190];
	v56 =	vmul.f32 s19, v33;
	v8 =	vadd.f32 v57, v8;
	v9 =	vadd.f32 v9, v51  }
0x23b: {  	v48 =	vld [tilespmem:s24+$0x1A0];
	v33 =	vmul.f32 s0, v28;
	v1 =	vadd.f32 v61, v1;
	v0 =	vadd.f32 v15, v0  }
0x23c: {  	v52 =	vld [tilespmem:s24+$0x1B0];
	v35 =	vmul.f32 s0, v27;
	v8 =	vadd.f32 v11, v8;
	v9 =	vadd.f32 v9, v58  }
0x23d: {  	s2 =	ssub.f32 s2, s3;
	v30 =	vld [tilespmem:s24+$0x280];
	v44 =	vmul.f32 s20, v24;
	v7 =	vadd.f32 v12, v7;
	v1 =	vadd.f32 v23, v1  }
0x23e: {  	s28 =	ssub.f32 s31, s29;
	v34 =	vld [tilespmem:s24+$0x2A0];
	v57 =	vmul.f32 s19, v31;
	v0 =	vadd.f32 v26, v0;
	v9 =	vadd.f32 v9, v62  }
0x23f: {  	v31 =	vld [tilespmem:s24+$0x290];
	v15 =	vmul.f32 s2, v46;
	v8 =	vadd.f32 v38, v8;
	v1 =	vadd.f32 v10, v1  }
0x240: {  	v55 =	vld [tilespmem:s24+$0x200];
	v46 =	vmul.f32 s28, v37;
	v7 =	vadd.f32 v39, v7;
	v0 =	vadd.f32 v42, v0;
	(xrf2) =	vadd.scan.msk.f32 $0xffff, v9  }
0x241: {  	s23 =	rddreg [dreg:$0x3];
	v11 =	vmul.f32 s2, v41;
	v59 =	vld [tilespmem:s24+$0x210];
	v8 =	vadd.f32 v43, v8;
	v1 =	vadd.f32 v54, v1  }
0x242: {  	s26 =	ssub.f32 s23, s0;
	v61 =	vld [tilespmem:s24+$0x220];
	v19 =	vmul.f32 s2, v52;
	v7 =	vadd.f32 v44, v7;
	v0 =	vadd.f32 v56, v0  }
0x243: {  	s22 =	ssub.f32 s4, s1;
	v21 =	vld [tilespmem:s24+$0x230];
	v10 =	vmul.f32 s2, v48;
	v8 =	vadd.f32 v57, v8;
	v1 =	vadd.f32 v11, v1  }
0x244: {  	v41 =	vld [tilespmem:s24+$0x320];
	v38 =	vmul.f32 s26, v30;
	v7 =	vadd.f32 v60, v7;
	v0 =	vadd.f32 v15, v0  }
0x245: {  	v52 =	vld [tilespmem:$0x1FFC0];
	v23 =	vmul.f32 s22, v55;
	v8 =	vadd.f32 v10, v8;
	v1 =	vadd.f32 v47, v1  }
0x246: {  	v39 =	vld [tilespmem:s24+$0x310];
	v24 =	vmul.f32 s22, v59;
	v7 =	vadd.f32 v19, v7;
	v0 =	vadd.f32 v49, v0  }
0x247: {  	v48 =	vld [tilespmem:s24+$0x3A0];
	v25 =	vmul.f32 s22, v61;
	v8 =	vadd.f32 v50, v8;
	v1 =	vadd.f32 v23, v1  }
0x248: {  	v44 =	vld [tilespmem:s24+$0x330];
	v26 =	vmul.f32 s22, v21;
	v7 =	vadd.f32 v53, v7;
	v0 =	vadd.f32 v24, v0  }
0x249: {  	v42 =	vmul.f32 s26, v34;
	v54 =	vld [tilespmem:$0x1FFD0];
	v8 =	vadd.f32 v25, v8;
	v1 =	vadd.f32 v2, v1  }
0x24a: {  	v56 =	vld [tilespmem:$0x1FFE0];
	v40 =	vmul.f32 s26, v31;
	v7 =	vadd.f32 v26, v7;
	v0 =	vadd.f32 v5, v0;
	v43, _, _ =	vpop (xrf2)  }
0x24b: {  	v59 =	vld [tilespmem:$0x1FFB0];
	v4 =	vadd.f32 v4, v8;
	v1 =	vadd.f32 v38, v1;
	v8 =	vbroadcast v43, $0xF  }
0x24c: {  	v10 =	vmul.f32 s26, v36;
	v45 =	vld [tilespmem:s24+$0x380];
	v3 =	vadd.f32 v3, v7;
	v0 =	vadd.f32 v40, v0  }
0x24d: {  	v47 =	vld [tilespmem:s24+$0x390];
	v4 =	vadd.f32 v42, v4;
	v1 =	vadd.f32 v6, v1;
	(erf) = vrcp.f32 v8  }
0x24e: {  	v49 =	vld [tilespmem:s24+$0x3B0];
	v2 =	vmul.f32 s28, v39;
	v3 =	vadd.f32 v10, v3;
	v0 =	vadd.f32 v32, v0  }
0x24f: {  	s29 =	ssub.f32 s30, s25;
	v5 =	vmul.f32 s28, v41;
	v58 =	vld [tilespmem:$0x1FFF0];
	v4 =	vadd.f32 v33, v4;
	v1 =	vadd.f32 v46, v1  }
0x250: {  	v50 =	vld [tilespmem:s24+$0x3E0];
	v7 =	vmul.f32 s28, v44;
	v3 =	vadd.f32 v35, v3;
	v0 =	vadd.f32 v2, v0  }
0x251: {  	v51 =	vld [tilespmem:s24+$0x3F0];
	v53 =	vmul.f32 s29, v45;
	v4 =	vadd.f32 v5, v4;
	v1 =	vadd.f32 v52, v1  }
0x252: {  	v55 =	vmul.f32 s29, v47;
	v3 =	vadd.f32 v7, v3;
	v0 =	vadd.f32 v54, v0  }
0x253: {  	v57 =	vmul.f32 s29, v48;
	v4 =	vadd.f32 v56, v4;
	v1 =	vadd.f32 v53, v1  }
0x254: {  	v6 =	vmul.f32 s29, v49;
	v3 =	vadd.f32 v58, v3;
	v0 =	vadd.f32 v55, v0  }
0x255: {  	s31 =	rddreg [dreg:$0x12];
	v60 =	vmul.f32 s25, v50;
	v4 =	vadd.f32 v57, v4;
	v1 =	vadd.f32 v59, v1  }
0x256: {  	s5 =	sadd.s32 $0x1, s31;
	v2 =	vmul.f32 s25, v51;
	v3 =	vadd.f32 v6, v3;
	v0 =	vadd.f32 v63, v0;
	v61 =	vpop (erf)  }
0x257: {  	s30 =	rddreg [dreg:$0x13];
	p0 =	sne.s32 s5, $0x10;
	v4 =	vadd.f32 v60, v4;
	v1 =	vmul.f32 v1, v61  }
.Ltmp1:
0x258: {  	s0 =	sand.u32 $0x3FFFFF80, s30;
	v2 =	vadd.f32 v2, v3;
	v0 =	vmul.f32 v0, v61;
	(pc) =	sbr.rel @p0 .LBB2_3-.Ltmp1, $4  }
0x259: {  	v62 =	vmul.f32 v4, v61;
	[tilespmem:s0+$0xA100] =	vst v1  }
0x25a: {  	v63 =	vmul.f32 v2, v61;
	[tilespmem:s0+$0xA110] =	vst v0  }
0x25b: {  	[tilespmem:s0+$0xA120] =	vst v62  }
0x25c: {  	[tilespmem:s0+$0xA130] =	vst v63  }
0x25d: {  	s0 =	rddreg [dreg:$0x11]  }
0x25e: {  	s1 =	rddreg [dreg:$0xc];
	s0 =	sshll.u32 s0, $0x4  }
0x25f: {  	s30 =	simm.s32 $0x0;
	s2 =	simm.s32 $0xA100;
	s0 =	sadd.s32 s1, s0  }
0x260: {  	[hbm4b:s0+s30] =	stream.linear.scatter [tilespmem:s2], [sflag:$0x2], $0x800, $0x38;
	[tilespmem:$0xA900] =	vst v63  }
0x261: {  	s2 =	simm.s32 $0x2  }
0x262: {  	_ =	swait.ge [sflag:s2], $0x800  }
0x263: {  	s31 =	rddreg [dreg:$0x10]  }
0x264: {  	s0 =	sadd.s32 $0x1, s31  }
0x265: {  	p0 =	sne.s32 s0, $0x8  }
.Ltmp2:
0x266: {  	_ = 	snop;
	(pc) =	sbr.rel @p0 .LBB2_2-.Ltmp2, $3  }
0x267: {  	_ =	sdelay $0x1  }
0x268: {  	[sflag:s2] =	ssyncset.done $0x0  }
0x269: {  	[sflag:s2] =	ssyncadd.s32 $0xFFFFF800  }
0x26a: {  	s1 =	rddreg [dreg:$0xf]  }
0x26b: {  	s0 =	rddreg [dreg:$0xe];
	s1 =	sadd.s32 $0x1, s1  }
0x26c: {  	p0 =	sne.s32 s1, s0  }
.Ltmp3:
0x26d: {  	_ = 	snop;
	(pc) =	sbr.rel @p0 .LBB2_1-.Ltmp3, $1  }
0x26e: {  	_ =	sdelay $0x3  }
0x26f: {  	_ =	sfence.sel $0x180000  }
0x270: {  	[bflag:$0x0] =	sbarrier.arrive $0xFFFF  }
0x271: {  	_ =	strace $0x90000047  }
0x272: {  	s0 =	stileid.u32;
	[bflag:$0x2] =	sbarrier.arrive $0xFFFF  }
0x273: {  	p0 =	sne.s32 s0, $0x0;
	s0 =	rddreg [dreg:$0x1]  }
0x274: {  	s0 =	sadd.s32 @!p0 $0x100000, s0  }
0x275: {  	[sflag:s0] =	ssyncadd.tile.s32 @!p0 $0x1;
	_ =	shalt  }
.Lfunc_end2:
_tile_overlayer_lowered:
.L_overlay_start_2:
0x276: {  	(tag) =	ssettag $0x2  }
0x277: {  	s0 =	rddreg [dreg:$0x0];
	s2 =	stileid.u32  }
0x278: {  	s1 =	rddreg [dreg:$0x1];
	p0 =	sne.s32 s2, $0x0  }
0x279: {  	s3 =	rddreg [dreg:$0x2];
	[bflag:$0x3] =	sbarrier.arrive $0xFFFF;
	s2 =	simm.s32 @!p0 $0x1C02  }
0x27a: {  	[timem:s3], [sflag:s2] =	dma.local @!p0 [hbm:s0], s1  }
0x27b: {  	s0 =	simm.s32 @!p0 $0x2  }
0x27c: {  	_ =	swait.ge @!p0 [sflag:s0], s1  }
0x27d: {  	s1 =	ssub.s32 @!p0 $0x0, s1;
	[sflag:s0] =	ssyncset.done @!p0 $0x0  }
0x27e: {  	[sflag:s0] =	ssyncadd.s32 @!p0 s1  }
0x27f: {  	[bflag:$0x3] =	sbarrier.arrive $0xFFFF  }
0x280: {  	_ =	shalt  }

</sc_bundles>
